<compile_context>
chip_gen: v7x
topology: tpu7x:2x2x1
jax: 0.10.2.dev20260603
libtpu: 0.0.44.dev20260713+nightly
codegen_flags: <defaults>
</compile_context>

<pallas_src>
import functools

import jax
import jax.numpy as jnp
from jax import lax
from jax.experimental import pallas as pl
from jax.experimental.pallas import tpu as pltpu
from jax.experimental.pallas import tpu_sc as plsc

NNZ = 204800
BATCH = 4096
DIM = 64
NC = 2
NS = 16
NW = NC * NS
CHUNK = NNZ // NW
K = 128
NSUB = CHUNK // K
WCOL = 80
ROWS_PER_TILE = BATCH // NS


def _sc_body(ids_hbm, segs_hbm, w_hbm, table_hbm, out_hbm,
             ids_v, segs_v, w_v, rows_v, rows_v2, sbuf, sbuf2, bounce, accum,
             sem, gsem2, ssem, ssem2):
    cid = lax.axis_index("c")
    sid = lax.axis_index("s")
    wid = cid * NS + sid

    pltpu.sync_copy(ids_hbm.at[wid], ids_v)
    pltpu.sync_copy(segs_hbm.at[wid], segs_v)
    pltpu.sync_copy(w_hbm.at[wid], w_v)

    zeros = jnp.zeros((16,), jnp.float32)

    @pl.loop(0, K)
    def _zero_row(r):
        for c in range(WCOL // 16):
            sbuf[r, pl.ds(c * 16, 16)] = zeros

    pltpu.sync_copy(sbuf, accum.at[pl.ds(sid * ROWS_PER_TILE, K)])
    pltpu.sync_copy(sbuf, accum.at[pl.ds(sid * ROWS_PER_TILE + K, K)])
    plsc.subcore_barrier()

    rows_b = (rows_v, rows_v2)
    sbuf_b = (sbuf, sbuf2)
    gsem_b = (sem, gsem2)
    ssem_b = (ssem, ssem2)

    def _compute(g, rows, dst):
        @pl.loop(0, K // 16)
        def _rows16(rr):
            base = g * K + rr * 16
            for r in range(16):
                wb = plsc.load_gather(w_v, [jnp.full((16,), base + r, jnp.int32)])
                row = rr * 16 + r
                for c in range(DIM // 16):
                    dst[row, pl.ds(c * 16, 16)] = rows[row, pl.ds(c * 16, 16)] * wb
                dst[row, pl.ds(DIM, 16)] = wb

    pltpu.async_copy(table_hbm.at[ids_v.at[pl.ds(0, K)]], rows_b[0], gsem_b[0])
    pltpu.async_copy(table_hbm.at[ids_v.at[pl.ds(K, K)]], rows_b[1], gsem_b[1])

    @pl.loop(0, NSUB, step=2)
    def _g2(g):
        for b in range(2):
            gb = g + b
            nxt = gb + 2
            pltpu.make_async_copy(table_hbm.at[ids_v.at[pl.ds(gb * K, K)]],
                                  rows_b[b], gsem_b[b]).wait()

            @pl.when(gb >= 2)
            def _():
                pltpu.make_async_copy(sbuf_b[b], accum.at[segs_v.at[gb - 2]],
                                      ssem_b[b]).wait()

            _compute(gb, rows_b[b], sbuf_b[b])

            @pl.when(nxt < NSUB)
            def _():
                pltpu.async_copy(table_hbm.at[ids_v.at[pl.ds(nxt * K, K)]],
                                 rows_b[b], gsem_b[b])

            pltpu.async_copy(sbuf_b[b], accum.at[segs_v.at[gb]],
                             ssem_b[b], add=True)

    pltpu.make_async_copy(sbuf_b[0], accum.at[segs_v.at[NSUB - 2]], ssem_b[0]).wait()
    pltpu.make_async_copy(sbuf_b[1], accum.at[segs_v.at[NSUB - 1]], ssem_b[1]).wait()

    plsc.subcore_barrier()

    pltpu.sync_copy(accum.at[pl.ds(sid * ROWS_PER_TILE, ROWS_PER_TILE)], bounce)
    pltpu.sync_copy(bounce, out_hbm.at[cid, pl.ds(sid * ROWS_PER_TILE, ROWS_PER_TILE)])


_sc_lookup = functools.partial(
    pl.kernel,
    out_type=jax.ShapeDtypeStruct((NC, BATCH, WCOL), jnp.float32),
    mesh=plsc.VectorSubcoreMesh(
        core_axis_name="c", subcore_axis_name="s", num_cores=NC, num_subcores=NS
    ),
    compiler_params=pltpu.CompilerParams(use_tc_tiling_on_sc=False, needs_layout_passes=False),
    scratch_types=[
        pltpu.VMEM((CHUNK,), jnp.int32),
        pltpu.VMEM((NSUB, K), jnp.int32),
        pltpu.VMEM((CHUNK,), jnp.float32),
        pltpu.VMEM((K, DIM), jnp.float32),
        pltpu.VMEM((K, DIM), jnp.float32),
        pltpu.VMEM((K, WCOL), jnp.float32),
        pltpu.VMEM((K, WCOL), jnp.float32),
        pltpu.VMEM((ROWS_PER_TILE, WCOL), jnp.float32),
        pltpu.VMEM_SHARED((BATCH, WCOL), jnp.float32),
        pltpu.SemaphoreType.DMA,
        pltpu.SemaphoreType.DMA,
        pltpu.SemaphoreType.DMA,
        pltpu.SemaphoreType.DMA,
    ],
)(_sc_body)


def _combine_body(p_ref, o_ref):
    s = p_ref[0] + p_ref[1]
    denom = jnp.maximum(s[:, DIM:DIM + 1], 1e-12)
    o_ref[...] = s[:, :DIM] / denom


_combine = pl.pallas_call(
    _combine_body,
    out_shape=jax.ShapeDtypeStruct((BATCH, DIM), jnp.float32),
)


@jax.jit
def kernel(sp_ids_values, sp_ids_segment_ids, sp_weights_values, table):
    ids = sp_ids_values.reshape(NW, CHUNK)
    segs = sp_ids_segment_ids.reshape(NW, NSUB, K)
    w = sp_weights_values.reshape(NW, CHUNK)
    partials = _sc_lookup(ids, segs, w, table)
    return _combine(partials)

# --- scband reference (transcript-rebuilt; emitter-appended) ---
"""Pipeline reference for scband-sparse-lookup-layer-81209241633065 (READ-ONLY COPY).

The authoritative reference and input builder live on the scoring server;
editing this copy changes nothing except your own understanding.
"""

import jax, jax.numpy as jnp
import numpy as np

BATCH = 4096
HIST = 50
NNZ = BATCH * HIST  # 204800
VOCAB = 100000
DIM = 64


def setup_inputs(seed: int = 0) -> dict:
    key = jax.random.key(seed)
    k1, k2, k3, k4 = jax.random.split(key, 4)
    sp_ids_values = jax.random.randint(k1, (NNZ,), 0, VOCAB, dtype=jnp.int32)
    sp_ids_segment_ids = jnp.sort(jax.random.randint(k2, (NNZ,), 0, BATCH, dtype=jnp.int32))
    sp_weights_values = jax.random.uniform(k3, (NNZ,), dtype=jnp.float32)
    # learned parameter: the HPS-hosted embedding table, sized per init_kwargs
    table = jax.random.normal(k4, (VOCAB, DIM), dtype=jnp.float32) * 0.05
    return {
        "sp_ids_values": sp_ids_values,
        "sp_ids_segment_ids": sp_ids_segment_ids,
        "sp_weights_values": sp_weights_values,
        "table": table,
    }


def reference(sp_ids_values, sp_ids_segment_ids, sp_weights_values, table):
    # SparseLookupLayer.call with combiner='mean', sp_weights provided, max_norm=None.
    # TF path: unique(ids) -> lookup -> gather(embeddings, idx); mathematically
    # identical to a direct row gather table[ids].
    embeddings = jnp.take(table, sp_ids_values, axis=0)          # [NNZ, DIM]
    weights = sp_weights_values[:, None]                          # [NNZ, 1]
    weighted = embeddings * weights                               # [NNZ, DIM]
    numer = jax.ops.segment_sum(weighted, sp_ids_segment_ids, num_segments=BATCH)   # [BATCH, DIM]
    denom = jax.ops.segment_sum(sp_weights_values, sp_ids_segment_ids, num_segments=BATCH)[:, None]
    # combiner == 'mean': weighted sum / total weight (guard empty rows)
    out = numer / jnp.maximum(denom, 1e-12)
    return out

if __name__ == "__main__":
    import jax
    _d = setup_inputs()
    print(jax.jit(kernel)(*tuple(_d.values())))

</pallas_src>

<mosaic_0001>
#map = affine_map<(d0, d1) -> (0, 0)>
#map1 = affine_map<(d0, d1) -> (0, 0, 0)>
module attributes {stable_mosaic.version = 14 : i64} {
  func.func @_sc_body(%arg0: i32, %arg1: i32, %arg2: memref<32x6400xi32, #tpu.memory_space<hbm>>, %arg3: memref<32x50x128xi32, #tpu.memory_space<hbm>>, %arg4: memref<32x6400xf32, #tpu.memory_space<hbm>>, %arg5: memref<100000x64xf32, #tpu.memory_space<hbm>>, %arg6: memref<2x4096x80xf32, #tpu.memory_space<hbm>>, %arg7: memref<6400xi32, #tpu.memory_space<vmem>>, %arg8: memref<50x128xi32, #tpu.memory_space<vmem>>, %arg9: memref<6400xf32, #tpu.memory_space<vmem>>, %arg10: memref<128x64xf32, #tpu.memory_space<vmem>>, %arg11: memref<128x64xf32, #tpu.memory_space<vmem>>, %arg12: memref<128x80xf32, #tpu.memory_space<vmem>>, %arg13: memref<128x80xf32, #tpu.memory_space<vmem>>, %arg14: memref<256x80xf32, #tpu.memory_space<vmem>>, %arg15: memref<4096x80xf32, #tpu.memory_space<vmem_shared>>, %arg16: memref<!tpu.dma_semaphore, #tpu.memory_space<semaphore_mem>>, %arg17: memref<!tpu.dma_semaphore, #tpu.memory_space<semaphore_mem>>, %arg18: memref<!tpu.dma_semaphore, #tpu.memory_space<semaphore_mem>>, %arg19: memref<!tpu.dma_semaphore, #tpu.memory_space<semaphore_mem>>) attributes {dimension_semantics = [#tpu.dimension_semantics<core_parallel>, #tpu.dimension_semantics<subcore_parallel>], iteration_bounds = array<i64: 2, 16>, scalar_prefetch = 0 : i64, scratch_operands = 13 : i64, tpu.core_type = #tpu.core_type<sc_vector_subcore>, window_params = [{transform_indices = #map}, {transform_indices = #map1}, {transform_indices = #map}, {transform_indices = #map}, {transform_indices = #map1}]} {
    %mul3A = arith.constant 16 : i32
    %mul3A_0 = arith.muli %arg0, %mul3A : i32
    %add3A = arith.addi %mul3A_0, %arg1 : i32
    "tpu.region"() ({
      %run_scoped3A = tpu.sem_alloc : memref<!tpu.dma_semaphore, #tpu.memory_space<semaphore_mem>>
      %dma_start3A_44 = arith.constant 0 : i32
      %dma_start3A_45 = tpu.memref_slice %arg2[%add3A, %dma_start3A_44] : memref<32x6400xi32, #tpu.memory_space<hbm>> -> memref<1x6400xi32, #tpu.memory_space<hbm>>
      %dma_start3A_46 = tpu.memref_squeeze %dma_start3A_45 : memref<1x6400xi32, #tpu.memory_space<hbm>> -> memref<6400xi32, #tpu.memory_space<hbm>>
      %dma_start3A_47 = arith.constant 0 : i32
      %dma_start3A_48 = tpu.memref_slice %arg2[%add3A, %dma_start3A_47] : memref<32x6400xi32, #tpu.memory_space<hbm>> -> memref<1x6400xi32, #tpu.memory_space<hbm>>
      %dma_start3A_49 = tpu.memref_squeeze %dma_start3A_48 : memref<1x6400xi32, #tpu.memory_space<hbm>> -> memref<6400xi32, #tpu.memory_space<hbm>>
      tpu.enqueue_dma source(%dma_start3A_49 : memref<6400xi32, #tpu.memory_space<hbm>>) target(%arg7 : memref<6400xi32, #tpu.memory_space<vmem>>) target_semaphore(%run_scoped3A : memref<!tpu.dma_semaphore, #tpu.memory_space<semaphore_mem>>)
      %dma_wait3A_50 = arith.constant 0 : i32
      %dma_wait3A_51 = tpu.memref_slice %arg2[%add3A, %dma_wait3A_50] : memref<32x6400xi32, #tpu.memory_space<hbm>> -> memref<1x6400xi32, #tpu.memory_space<hbm>>
      %dma_wait3A_52 = tpu.memref_squeeze %dma_wait3A_51 : memref<1x6400xi32, #tpu.memory_space<hbm>> -> memref<6400xi32, #tpu.memory_space<hbm>>
      %dma_wait3A_53 = arith.constant 0 : i32
      %dma_wait3A_54 = tpu.memref_slice %arg2[%add3A, %dma_wait3A_53] : memref<32x6400xi32, #tpu.memory_space<hbm>> -> memref<1x6400xi32, #tpu.memory_space<hbm>>
      %dma_wait3A_55 = tpu.memref_squeeze %dma_wait3A_54 : memref<1x6400xi32, #tpu.memory_space<hbm>> -> memref<6400xi32, #tpu.memory_space<hbm>>
      tpu.wait_dma2 semaphore(%run_scoped3A : memref<!tpu.dma_semaphore, #tpu.memory_space<semaphore_mem>>) src(%dma_wait3A_55 : memref<6400xi32, #tpu.memory_space<hbm>>) dst(%arg7 : memref<6400xi32, #tpu.memory_space<vmem>>)
      tpu.yield
    }) : () -> ()
    "tpu.region"() ({
      %run_scoped3A = tpu.sem_alloc : memref<!tpu.dma_semaphore, #tpu.memory_space<semaphore_mem>>
      %dma_start3A_44 = arith.constant 0 : i32
      %dma_start3A_45 = arith.constant 0 : i32
      %dma_start3A_46 = tpu.memref_slice %arg3[%add3A, %dma_start3A_44, %dma_start3A_45] : memref<32x50x128xi32, #tpu.memory_space<hbm>> -> memref<1x50x128xi32, #tpu.memory_space<hbm>>
      %dma_start3A_47 = tpu.memref_squeeze %dma_start3A_46 : memref<1x50x128xi32, #tpu.memory_space<hbm>> -> memref<50x128xi32, #tpu.memory_space<hbm>>
      %dma_start3A_48 = arith.constant 0 : i32
      %dma_start3A_49 = arith.constant 0 : i32
      %dma_start3A_50 = tpu.memref_slice %arg3[%add3A, %dma_start3A_48, %dma_start3A_49] : memref<32x50x128xi32, #tpu.memory_space<hbm>> -> memref<1x50x128xi32, #tpu.memory_space<hbm>>
      %dma_start3A_51 = tpu.memref_squeeze %dma_start3A_50 : memref<1x50x128xi32, #tpu.memory_space<hbm>> -> memref<50x128xi32, #tpu.memory_space<hbm>>
      tpu.enqueue_dma source(%dma_start3A_51 : memref<50x128xi32, #tpu.memory_space<hbm>>) target(%arg8 : memref<50x128xi32, #tpu.memory_space<vmem>>) target_semaphore(%run_scoped3A : memref<!tpu.dma_semaphore, #tpu.memory_space<semaphore_mem>>)
      %dma_wait3A_52 = arith.constant 0 : i32
      %dma_wait3A_53 = arith.constant 0 : i32
      %dma_wait3A_54 = tpu.memref_slice %arg3[%add3A, %dma_wait3A_52, %dma_wait3A_53] : memref<32x50x128xi32, #tpu.memory_space<hbm>> -> memref<1x50x128xi32, #tpu.memory_space<hbm>>
      %dma_wait3A_55 = tpu.memref_squeeze %dma_wait3A_54 : memref<1x50x128xi32, #tpu.memory_space<hbm>> -> memref<50x128xi32, #tpu.memory_space<hbm>>
      %dma_wait3A_56 = arith.constant 0 : i32
      %dma_wait3A_57 = arith.constant 0 : i32
      %dma_wait3A_58 = tpu.memref_slice %arg3[%add3A, %dma_wait3A_56, %dma_wait3A_57] : memref<32x50x128xi32, #tpu.memory_space<hbm>> -> memref<1x50x128xi32, #tpu.memory_space<hbm>>
      %dma_wait3A_59 = tpu.memref_squeeze %dma_wait3A_58 : memref<1x50x128xi32, #tpu.memory_space<hbm>> -> memref<50x128xi32, #tpu.memory_space<hbm>>
      tpu.wait_dma2 semaphore(%run_scoped3A : memref<!tpu.dma_semaphore, #tpu.memory_space<semaphore_mem>>) src(%dma_wait3A_59 : memref<50x128xi32, #tpu.memory_space<hbm>>) dst(%arg8 : memref<50x128xi32, #tpu.memory_space<vmem>>)
      tpu.yield
    }) : () -> ()
    "tpu.region"() ({
      %run_scoped3A = tpu.sem_alloc : memref<!tpu.dma_semaphore, #tpu.memory_space<semaphore_mem>>
      %dma_start3A_44 = arith.constant 0 : i32
      %dma_start3A_45 = tpu.memref_slice %arg4[%add3A, %dma_start3A_44] : memref<32x6400xf32, #tpu.memory_space<hbm>> -> memref<1x6400xf32, #tpu.memory_space<hbm>>
      %dma_start3A_46 = tpu.memref_squeeze %dma_start3A_45 : memref<1x6400xf32, #tpu.memory_space<hbm>> -> memref<6400xf32, #tpu.memory_space<hbm>>
      %dma_start3A_47 = arith.constant 0 : i32
      %dma_start3A_48 = tpu.memref_slice %arg4[%add3A, %dma_start3A_47] : memref<32x6400xf32, #tpu.memory_space<hbm>> -> memref<1x6400xf32, #tpu.memory_space<hbm>>
      %dma_start3A_49 = tpu.memref_squeeze %dma_start3A_48 : memref<1x6400xf32, #tpu.memory_space<hbm>> -> memref<6400xf32, #tpu.memory_space<hbm>>
      tpu.enqueue_dma source(%dma_start3A_49 : memref<6400xf32, #tpu.memory_space<hbm>>) target(%arg9 : memref<6400xf32, #tpu.memory_space<vmem>>) target_semaphore(%run_scoped3A : memref<!tpu.dma_semaphore, #tpu.memory_space<semaphore_mem>>)
      %dma_wait3A_50 = arith.constant 0 : i32
      %dma_wait3A_51 = tpu.memref_slice %arg4[%add3A, %dma_wait3A_50] : memref<32x6400xf32, #tpu.memory_space<hbm>> -> memref<1x6400xf32, #tpu.memory_space<hbm>>
      %dma_wait3A_52 = tpu.memref_squeeze %dma_wait3A_51 : memref<1x6400xf32, #tpu.memory_space<hbm>> -> memref<6400xf32, #tpu.memory_space<hbm>>
      %dma_wait3A_53 = arith.constant 0 : i32
      %dma_wait3A_54 = tpu.memref_slice %arg4[%add3A, %dma_wait3A_53] : memref<32x6400xf32, #tpu.memory_space<hbm>> -> memref<1x6400xf32, #tpu.memory_space<hbm>>
      %dma_wait3A_55 = tpu.memref_squeeze %dma_wait3A_54 : memref<1x6400xf32, #tpu.memory_space<hbm>> -> memref<6400xf32, #tpu.memory_space<hbm>>
      tpu.wait_dma2 semaphore(%run_scoped3A : memref<!tpu.dma_semaphore, #tpu.memory_space<semaphore_mem>>) src(%dma_wait3A_55 : memref<6400xf32, #tpu.memory_space<hbm>>) dst(%arg9 : memref<6400xf32, #tpu.memory_space<vmem>>)
      tpu.yield
    }) : () -> ()
    %broadcast_in_dim3A = arith.constant 0.000000e+00 : f32
    %broadcast_in_dim3A_1 = vector.broadcast %broadcast_in_dim3A : f32 to vector<16xf32>
    %scan3A = arith.constant 0 : i32
    %scan3A_2 = arith.constant 128 : i32
    %scan3A_3 = arith.addi %scan3A, %scan3A_2 : i32
    %scan3A_4 = arith.constant 1 : i32
    scf.for %scan3A_44 = %scan3A to %scan3A_3 step %scan3A_4  : i32 {
      %mul3A_45 = arith.constant 1 : i32
      %mul3A_46 = arith.muli %scan3A_44, %mul3A_45 : i32
      %add3A_47 = arith.constant 0 : i32
      %add3A_48 = arith.addi %add3A_47, %mul3A_46 : i32
      %swap3A = arith.index_cast %add3A_48 : i32 to index
      %swap3A_49 = arith.constant 0 : index
      %swap3A_50 = tpu.vector_load %arg12[%swap3A, %swap3A_49] {strides = array<i32>} : memref<128x80xf32, #tpu.memory_space<vmem>>, vector<16xf32>,
      tpu.vector_store %arg12[%swap3A, %swap3A_49], %broadcast_in_dim3A_1 {strides = array<i32>} : memref<128x80xf32, #tpu.memory_space<vmem>>, vector<16xf32>,
      %swap3A_51 = arith.index_cast %add3A_48 : i32 to index
      %swap3A_52 = arith.constant 16 : index
      %swap3A_53 = tpu.vector_load %arg12[%swap3A_51, %swap3A_52] {strides = array<i32>} : memref<128x80xf32, #tpu.memory_space<vmem>>, vector<16xf32>,
      tpu.vector_store %arg12[%swap3A_51, %swap3A_52], %broadcast_in_dim3A_1 {strides = array<i32>} : memref<128x80xf32, #tpu.memory_space<vmem>>, vector<16xf32>,
      %swap3A_54 = arith.index_cast %add3A_48 : i32 to index
      %swap3A_55 = arith.constant 32 : index
      %swap3A_56 = tpu.vector_load %arg12[%swap3A_54, %swap3A_55] {strides = array<i32>} : memref<128x80xf32, #tpu.memory_space<vmem>>, vector<16xf32>,
      tpu.vector_store %arg12[%swap3A_54, %swap3A_55], %broadcast_in_dim3A_1 {strides = array<i32>} : memref<128x80xf32, #tpu.memory_space<vmem>>, vector<16xf32>,
      %swap3A_57 = arith.index_cast %add3A_48 : i32 to index
      %swap3A_58 = arith.constant 48 : index
      %swap3A_59 = tpu.vector_load %arg12[%swap3A_57, %swap3A_58] {strides = array<i32>} : memref<128x80xf32, #tpu.memory_space<vmem>>, vector<16xf32>,
      tpu.vector_store %arg12[%swap3A_57, %swap3A_58], %broadcast_in_dim3A_1 {strides = array<i32>} : memref<128x80xf32, #tpu.memory_space<vmem>>, vector<16xf32>,
      %swap3A_60 = arith.index_cast %add3A_48 : i32 to index
      %swap3A_61 = arith.constant 64 : index
      %swap3A_62 = tpu.vector_load %arg12[%swap3A_60, %swap3A_61] {strides = array<i32>} : memref<128x80xf32, #tpu.memory_space<vmem>>, vector<16xf32>,
      tpu.vector_store %arg12[%swap3A_60, %swap3A_61], %broadcast_in_dim3A_1 {strides = array<i32>} : memref<128x80xf32, #tpu.memory_space<vmem>>, vector<16xf32>,
    }
    %scan3A_5 = arith.constant 128 : i32
    %mul3A_6 = arith.constant 256 : i32
    %mul3A_7 = arith.muli %arg1, %mul3A_6 : i32
    "tpu.region"() ({
      %run_scoped3A = tpu.sem_alloc : memref<!tpu.dma_semaphore, #tpu.memory_space<semaphore_mem>>
      %dma_start3A_44 = arith.constant 0 : i32
      %dma_start3A_45 = tpu.memref_slice %arg15[%mul3A_7, %dma_start3A_44] : memref<4096x80xf32, #tpu.memory_space<vmem_shared>> -> memref<128x80xf32, #tpu.memory_space<vmem_shared>>
      %dma_start3A_46 = arith.constant 0 : i32
      %dma_start3A_47 = tpu.memref_slice %arg15[%mul3A_7, %dma_start3A_46] : memref<4096x80xf32, #tpu.memory_space<vmem_shared>> -> memref<128x80xf32, #tpu.memory_space<vmem_shared>>
      tpu.enqueue_dma source(%arg12 : memref<128x80xf32, #tpu.memory_space<vmem>>) target(%dma_start3A_47 : memref<128x80xf32, #tpu.memory_space<vmem_shared>>) target_semaphore(%run_scoped3A : memref<!tpu.dma_semaphore, #tpu.memory_space<semaphore_mem>>)
      %dma_wait3A_48 = arith.constant 0 : i32
      %dma_wait3A_49 = tpu.memref_slice %arg15[%mul3A_7, %dma_wait3A_48] : memref<4096x80xf32, #tpu.memory_space<vmem_shared>> -> memref<128x80xf32, #tpu.memory_space<vmem_shared>>
      %dma_wait3A_50 = arith.constant 0 : i32
      %dma_wait3A_51 = tpu.memref_slice %arg15[%mul3A_7, %dma_wait3A_50] : memref<4096x80xf32, #tpu.memory_space<vmem_shared>> -> memref<128x80xf32, #tpu.memory_space<vmem_shared>>
      tpu.wait_dma2 semaphore(%run_scoped3A : memref<!tpu.dma_semaphore, #tpu.memory_space<semaphore_mem>>) src(%arg12 : memref<128x80xf32, #tpu.memory_space<vmem>>) dst(%dma_wait3A_51 : memref<128x80xf32, #tpu.memory_space<vmem_shared>>)
      tpu.yield
    }) : () -> ()
    %mul3A_8 = arith.constant 256 : i32
    %mul3A_9 = arith.muli %arg1, %mul3A_8 : i32
    %add3A_10 = arith.constant 128 : i32
    %add3A_11 = arith.addi %mul3A_9, %add3A_10 : i32
    "tpu.region"() ({
      %run_scoped3A = tpu.sem_alloc : memref<!tpu.dma_semaphore, #tpu.memory_space<semaphore_mem>>
      %dma_start3A_44 = arith.constant 0 : i32
      %dma_start3A_45 = tpu.memref_slice %arg15[%add3A_11, %dma_start3A_44] : memref<4096x80xf32, #tpu.memory_space<vmem_shared>> -> memref<128x80xf32, #tpu.memory_space<vmem_shared>>
      %dma_start3A_46 = arith.constant 0 : i32
      %dma_start3A_47 = tpu.memref_slice %arg15[%add3A_11, %dma_start3A_46] : memref<4096x80xf32, #tpu.memory_space<vmem_shared>> -> memref<128x80xf32, #tpu.memory_space<vmem_shared>>
      tpu.enqueue_dma source(%arg12 : memref<128x80xf32, #tpu.memory_space<vmem>>) target(%dma_start3A_47 : memref<128x80xf32, #tpu.memory_space<vmem_shared>>) target_semaphore(%run_scoped3A : memref<!tpu.dma_semaphore, #tpu.memory_space<semaphore_mem>>)
      %dma_wait3A_48 = arith.constant 0 : i32
      %dma_wait3A_49 = tpu.memref_slice %arg15[%add3A_11, %dma_wait3A_48] : memref<4096x80xf32, #tpu.memory_space<vmem_shared>> -> memref<128x80xf32, #tpu.memory_space<vmem_shared>>
      %dma_wait3A_50 = arith.constant 0 : i32
      %dma_wait3A_51 = tpu.memref_slice %arg15[%add3A_11, %dma_wait3A_50] : memref<4096x80xf32, #tpu.memory_space<vmem_shared>> -> memref<128x80xf32, #tpu.memory_space<vmem_shared>>
      tpu.wait_dma2 semaphore(%run_scoped3A : memref<!tpu.dma_semaphore, #tpu.memory_space<semaphore_mem>>) src(%arg12 : memref<128x80xf32, #tpu.memory_space<vmem>>) dst(%dma_wait3A_51 : memref<128x80xf32, #tpu.memory_space<vmem_shared>>)
      tpu.yield
    }) : () -> ()
    %barrier3A = arith.constant 0 : index
    tpu.barrier barrier_id(%barrier3A)
    %dma_start3A = arith.constant 0 : i32
    %dma_start3A_12 = tpu.memref_slice %arg7[%dma_start3A] : memref<6400xi32, #tpu.memory_space<vmem>> -> memref<128xi32, #tpu.memory_space<vmem>>
    %dma_start3A_13 = arith.constant 0 : i32
    %dma_start3A_14 = arith.constant 0 : i32
    %dma_start3A_15 = tpu.memref_slice %arg5[%dma_start3A_13, %dma_start3A_14] : memref<100000x64xf32, #tpu.memory_space<hbm>> -> memref<100000x64xf32, #tpu.memory_space<hbm>>
    tpu.enqueue_indirect_dma source(%dma_start3A_15 : memref<100000x64xf32, #tpu.memory_space<hbm>>) target(%arg10 : memref<128x64xf32, #tpu.memory_space<vmem>>) offsets(%dma_start3A_12 : memref<128xi32, #tpu.memory_space<vmem>>) semaphore(%arg16 : memref<!tpu.dma_semaphore, #tpu.memory_space<semaphore_mem>>)
    %dma_start3A_16 = arith.constant 128 : i32
    %dma_start3A_17 = tpu.memref_slice %arg7[%dma_start3A_16] : memref<6400xi32, #tpu.memory_space<vmem>> -> memref<128xi32, #tpu.memory_space<vmem>>
    %dma_start3A_18 = arith.constant 0 : i32
    %dma_start3A_19 = arith.constant 0 : i32
    %dma_start3A_20 = tpu.memref_slice %arg5[%dma_start3A_18, %dma_start3A_19] : memref<100000x64xf32, #tpu.memory_space<hbm>> -> memref<100000x64xf32, #tpu.memory_space<hbm>>
    tpu.enqueue_indirect_dma source(%dma_start3A_20 : memref<100000x64xf32, #tpu.memory_space<hbm>>) target(%arg11 : memref<128x64xf32, #tpu.memory_space<vmem>>) offsets(%dma_start3A_17 : memref<128xi32, #tpu.memory_space<vmem>>) semaphore(%arg17 : memref<!tpu.dma_semaphore, #tpu.memory_space<semaphore_mem>>)
    %scan3A_21 = arith.constant 0 : i32
    %scan3A_22 = arith.constant 25 : i32
    %scan3A_23 = arith.addi %scan3A_21, %scan3A_22 : i32
    %scan3A_24 = arith.constant 1 : i32
    scf.for %scan3A_44 = %scan3A_21 to %scan3A_23 step %scan3A_24  : i32 {
      %mul3A_45 = arith.constant 2 : i32
      %mul3A_46 = arith.muli %scan3A_44, %mul3A_45 : i32
      %add3A_47 = arith.constant 0 : i32
      %add3A_48 = arith.addi %add3A_47, %mul3A_46 : i32
      %add3A_49 = arith.constant 0 : i32
      %add3A_50 = arith.addi %add3A_48, %add3A_49 : i32
      %add3A_51 = arith.constant 2 : i32
      %add3A_52 = arith.addi %add3A_50, %add3A_51 : i32
      %mul3A_53 = arith.constant 128 : i32
      %mul3A_54 = arith.muli %add3A_50, %mul3A_53 : i32
      %dma_wait3A_55 = tpu.memref_slice %arg7[%mul3A_54] : memref<6400xi32, #tpu.memory_space<vmem>> -> memref<128xi32, #tpu.memory_space<vmem>>
      %dma_wait3A_56 = arith.constant 0 : i32
      %dma_wait3A_57 = arith.constant 0 : i32
      %dma_wait3A_58 = tpu.memref_slice %arg5[%dma_wait3A_56, %dma_wait3A_57] : memref<100000x64xf32, #tpu.memory_space<hbm>> -> memref<100000x64xf32, #tpu.memory_space<hbm>>
      tpu.wait_indirect_dma semaphore(%arg16 : memref<!tpu.dma_semaphore, #tpu.memory_space<semaphore_mem>>) src(%dma_wait3A_58 : memref<100000x64xf32, #tpu.memory_space<hbm>>) dst(%arg10 : memref<128x64xf32, #tpu.memory_space<vmem>>)
      %ge3A = arith.constant 2 : i32
      %ge3A_59 = arith.cmpi sge, %add3A_50, %ge3A : i32
      %convert_element_type3A = arith.extui %ge3A_59 : i1 to i32
      %cond3A = arith.constant 0 : i32
      %cond3A_60 = arith.cmpi ne, %convert_element_type3A, %cond3A : i32
      scf.if %cond3A_60 {
        %sub3A = arith.constant 2 : i32
        %sub3A_107 = arith.subi %add3A_50, %sub3A : i32
        %dma_wait3A_108 = arith.constant 0 : i32
        %dma_wait3A_109 = tpu.memref_slice %arg8[%sub3A_107, %dma_wait3A_108] : memref<50x128xi32, #tpu.memory_space<vmem>> -> memref<1x128xi32, #tpu.memory_space<vmem>>
        %dma_wait3A_110 = tpu.memref_squeeze %dma_wait3A_109 : memref<1x128xi32, #tpu.memory_space<vmem>> -> memref<128xi32, #tpu.memory_space<vmem>>
        %dma_wait3A_111 = arith.constant 0 : i32
        %dma_wait3A_112 = arith.constant 0 : i32
        %dma_wait3A_113 = tpu.memref_slice %arg15[%dma_wait3A_111, %dma_wait3A_112] : memref<4096x80xf32, #tpu.memory_space<vmem_shared>> -> memref<4096x80xf32, #tpu.memory_space<vmem_shared>>
        tpu.wait_indirect_dma semaphore(%arg18 : memref<!tpu.dma_semaphore, #tpu.memory_space<semaphore_mem>>) src(%arg12 : memref<128x80xf32, #tpu.memory_space<vmem>>) dst(%dma_wait3A_113 : memref<4096x80xf32, #tpu.memory_space<vmem_shared>>)
      } else {
      }
      %scan3A_61 = arith.constant 0 : i32
      %scan3A_62 = arith.constant 8 : i32
      %scan3A_63 = arith.addi %scan3A_61, %scan3A_62 : i32
      %scan3A_64 = arith.constant 1 : i32
      scf.for %scan3A_107 = %scan3A_61 to %scan3A_63 step %scan3A_64  : i32 {
        %mul3A_108 = arith.constant 1 : i32
        %mul3A_109 = arith.muli %scan3A_107, %mul3A_108 : i32
        %add3A_110 = arith.constant 0 : i32
        %add3A_111 = arith.addi %add3A_110, %mul3A_109 : i32
        %mul3A_112 = arith.constant 128 : i32
        %mul3A_113 = arith.muli %add3A_50, %mul3A_112 : i32
        %mul3A_114 = arith.constant 16 : i32
        %mul3A_115 = arith.muli %add3A_111, %mul3A_114 : i32
        %add3A_116 = arith.addi %mul3A_113, %mul3A_115 : i32
        %add3A_117 = arith.constant 0 : i32
        %add3A_118 = arith.addi %add3A_116, %add3A_117 : i32
        %broadcast_in_dim3A_119 = vector.broadcast %add3A_118 : i32 to vector<16xi32>
        %gather3A = tpu.vector_load_idx %arg9[%broadcast_in_dim3A_119] : memref<6400xf32, #tpu.memory_space<vmem>>[vector<16xi32>], vector<16xf32>,
        %mul3A_120 = arith.constant 16 : i32
        %mul3A_121 = arith.muli %add3A_111, %mul3A_120 : i32
        %add3A_122 = arith.constant 0 : i32
        %add3A_123 = arith.addi %mul3A_121, %add3A_122 : i32
        %get3A = arith.index_cast %add3A_123 : i32 to index
        %get3A_124 = arith.constant 0 : index
        %get3A_125 = tpu.vector_load %arg10[%get3A, %get3A_124] {strides = array<i32>} : memref<128x64xf32, #tpu.memory_space<vmem>>, vector<16xf32>,
        %mul3A_126 = arith.mulf %get3A_125, %gather3A : vector<16xf32>
        %swap3A = arith.index_cast %add3A_123 : i32 to index
        %swap3A_127 = arith.constant 0 : index
        %swap3A_128 = tpu.vector_load %arg12[%swap3A, %swap3A_127] {strides = array<i32>} : memref<128x80xf32, #tpu.memory_space<vmem>>, vector<16xf32>,
        tpu.vector_store %arg12[%swap3A, %swap3A_127], %mul3A_126 {strides = array<i32>} : memref<128x80xf32, #tpu.memory_space<vmem>>, vector<16xf32>,
        %get3A_129 = arith.index_cast %add3A_123 : i32 to index
        %get3A_130 = arith.constant 16 : index
        %get3A_131 = tpu.vector_load %arg10[%get3A_129, %get3A_130] {strides = array<i32>} : memref<128x64xf32, #tpu.memory_space<vmem>>, vector<16xf32>,
        %mul3A_132 = arith.mulf %get3A_131, %gather3A : vector<16xf32>
        %swap3A_133 = arith.index_cast %add3A_123 : i32 to index
        %swap3A_134 = arith.constant 16 : index
        %swap3A_135 = tpu.vector_load %arg12[%swap3A_133, %swap3A_134] {strides = array<i32>} : memref<128x80xf32, #tpu.memory_space<vmem>>, vector<16xf32>,
        tpu.vector_store %arg12[%swap3A_133, %swap3A_134], %mul3A_132 {strides = array<i32>} : memref<128x80xf32, #tpu.memory_space<vmem>>, vector<16xf32>,
        %get3A_136 = arith.index_cast %add3A_123 : i32 to index
        %get3A_137 = arith.constant 32 : index
        %get3A_138 = tpu.vector_load %arg10[%get3A_136, %get3A_137] {strides = array<i32>} : memref<128x64xf32, #tpu.memory_space<vmem>>, vector<16xf32>,
        %mul3A_139 = arith.mulf %get3A_138, %gather3A : vector<16xf32>
        %swap3A_140 = arith.index_cast %add3A_123 : i32 to index
        %swap3A_141 = arith.constant 32 : index
        %swap3A_142 = tpu.vector_load %arg12[%swap3A_140, %swap3A_141] {strides = array<i32>} : memref<128x80xf32, #tpu.memory_space<vmem>>, vector<16xf32>,
        tpu.vector_store %arg12[%swap3A_140, %swap3A_141], %mul3A_139 {strides = array<i32>} : memref<128x80xf32, #tpu.memory_space<vmem>>, vector<16xf32>,
        %get3A_143 = arith.index_cast %add3A_123 : i32 to index
        %get3A_144 = arith.constant 48 : index
        %get3A_145 = tpu.vector_load %arg10[%get3A_143, %get3A_144] {strides = array<i32>} : memref<128x64xf32, #tpu.memory_space<vmem>>, vector<16xf32>,
        %mul3A_146 = arith.mulf %get3A_145, %gather3A : vector<16xf32>
        %swap3A_147 = arith.index_cast %add3A_123 : i32 to index
        %swap3A_148 = arith.constant 48 : index
        %swap3A_149 = tpu.vector_load %arg12[%swap3A_147, %swap3A_148] {strides = array<i32>} : memref<128x80xf32, #tpu.memory_space<vmem>>, vector<16xf32>,
        tpu.vector_store %arg12[%swap3A_147, %swap3A_148], %mul3A_146 {strides = array<i32>} : memref<128x80xf32, #tpu.memory_space<vmem>>, vector<16xf32>,
        %swap3A_150 = arith.index_cast %add3A_123 : i32 to index
        %swap3A_151 = arith.constant 64 : index
        %swap3A_152 = tpu.vector_load %arg12[%swap3A_150, %swap3A_151] {strides = array<i32>} : memref<128x80xf32, #tpu.memory_space<vmem>>, vector<16xf32>,
        tpu.vector_store %arg12[%swap3A_150, %swap3A_151], %gather3A {strides = array<i32>} : memref<128x80xf32, #tpu.memory_space<vmem>>, vector<16xf32>,
        %add3A_153 = arith.constant 1 : i32
        %add3A_154 = arith.addi %add3A_116, %add3A_153 : i32
        %broadcast_in_dim3A_155 = vector.broadcast %add3A_154 : i32 to vector<16xi32>
        %gather3A_156 = tpu.vector_load_idx %arg9[%broadcast_in_dim3A_155] : memref<6400xf32, #tpu.memory_space<vmem>>[vector<16xi32>], vector<16xf32>,
        %mul3A_157 = arith.constant 16 : i32
        %mul3A_158 = arith.muli %add3A_111, %mul3A_157 : i32
        %add3A_159 = arith.constant 1 : i32
        %add3A_160 = arith.addi %mul3A_158, %add3A_159 : i32
        %get3A_161 = arith.index_cast %add3A_160 : i32 to index
        %get3A_162 = arith.constant 0 : index
        %get3A_163 = tpu.vector_load %arg10[%get3A_161, %get3A_162] {strides = array<i32>} : memref<128x64xf32, #tpu.memory_space<vmem>>, vector<16xf32>,
        %mul3A_164 = arith.mulf %get3A_163, %gather3A_156 : vector<16xf32>
        %swap3A_165 = arith.index_cast %add3A_160 : i32 to index
        %swap3A_166 = arith.constant 0 : index
        %swap3A_167 = tpu.vector_load %arg12[%swap3A_165, %swap3A_166] {strides = array<i32>} : memref<128x80xf32, #tpu.memory_space<vmem>>, vector<16xf32>,
        tpu.vector_store %arg12[%swap3A_165, %swap3A_166], %mul3A_164 {strides = array<i32>} : memref<128x80xf32, #tpu.memory_space<vmem>>, vector<16xf32>,
        %get3A_168 = arith.index_cast %add3A_160 : i32 to index
        %get3A_169 = arith.constant 16 : index
        %get3A_170 = tpu.vector_load %arg10[%get3A_168, %get3A_169] {strides = array<i32>} : memref<128x64xf32, #tpu.memory_space<vmem>>, vector<16xf32>,
        %mul3A_171 = arith.mulf %get3A_170, %gather3A_156 : vector<16xf32>
        %swap3A_172 = arith.index_cast %add3A_160 : i32 to index
        %swap3A_173 = arith.constant 16 : index
        %swap3A_174 = tpu.vector_load %arg12[%swap3A_172, %swap3A_173] {strides = array<i32>} : memref<128x80xf32, #tpu.memory_space<vmem>>, vector<16xf32>,
        tpu.vector_store %arg12[%swap3A_172, %swap3A_173], %mul3A_171 {strides = array<i32>} : memref<128x80xf32, #tpu.memory_space<vmem>>, vector<16xf32>,
        %get3A_175 = arith.index_cast %add3A_160 : i32 to index
        %get3A_176 = arith.constant 32 : index
        %get3A_177 = tpu.vector_load %arg10[%get3A_175, %get3A_176] {strides = array<i32>} : memref<128x64xf32, #tpu.memory_space<vmem>>, vector<16xf32>,
        %mul3A_178 = arith.mulf %get3A_177, %gather3A_156 : vector<16xf32>
        %swap3A_179 = arith.index_cast %add3A_160 : i32 to index
        %swap3A_180 = arith.constant 32 : index
        %swap3A_181 = tpu.vector_load %arg12[%swap3A_179, %swap3A_180] {strides = array<i32>} : memref<128x80xf32, #tpu.memory_space<vmem>>, vector<16xf32>,
        tpu.vector_store %arg12[%swap3A_179, %swap3A_180], %mul3A_178 {strides = array<i32>} : memref<128x80xf32, #tpu.memory_space<vmem>>, vector<16xf32>,
        %get3A_182 = arith.index_cast %add3A_160 : i32 to index
        %get3A_183 = arith.constant 48 : index
        %get3A_184 = tpu.vector_load %arg10[%get3A_182, %get3A_183] {strides = array<i32>} : memref<128x64xf32, #tpu.memory_space<vmem>>, vector<16xf32>,
        %mul3A_185 = arith.mulf %get3A_184, %gather3A_156 : vector<16xf32>
        %swap3A_186 = arith.index_cast %add3A_160 : i32 to index
        %swap3A_187 = arith.constant 48 : index
        %swap3A_188 = tpu.vector_load %arg12[%swap3A_186, %swap3A_187] {strides = array<i32>} : memref<128x80xf32, #tpu.memory_space<vmem>>, vector<16xf32>,
        tpu.vector_store %arg12[%swap3A_186, %swap3A_187], %mul3A_185 {strides = array<i32>} : memref<128x80xf32, #tpu.memory_space<vmem>>, vector<16xf32>,
        %swap3A_189 = arith.index_cast %add3A_160 : i32 to index
        %swap3A_190 = arith.constant 64 : index
        %swap3A_191 = tpu.vector_load %arg12[%swap3A_189, %swap3A_190] {strides = array<i32>} : memref<128x80xf32, #tpu.memory_space<vmem>>, vector<16xf32>,
        tpu.vector_store %arg12[%swap3A_189, %swap3A_190], %gather3A_156 {strides = array<i32>} : memref<128x80xf32, #tpu.memory_space<vmem>>, vector<16xf32>,
        %add3A_192 = arith.constant 2 : i32
        %add3A_193 = arith.addi %add3A_116, %add3A_192 : i32
        %broadcast_in_dim3A_194 = vector.broadcast %add3A_193 : i32 to vector<16xi32>
        %gather3A_195 = tpu.vector_load_idx %arg9[%broadcast_in_dim3A_194] : memref<6400xf32, #tpu.memory_space<vmem>>[vector<16xi32>], vector<16xf32>,
        %mul3A_196 = arith.constant 16 : i32
        %mul3A_197 = arith.muli %add3A_111, %mul3A_196 : i32
        %add3A_198 = arith.constant 2 : i32
        %add3A_199 = arith.addi %mul3A_197, %add3A_198 : i32
        %get3A_200 = arith.index_cast %add3A_199 : i32 to index
        %get3A_201 = arith.constant 0 : index
        %get3A_202 = tpu.vector_load %arg10[%get3A_200, %get3A_201] {strides = array<i32>} : memref<128x64xf32, #tpu.memory_space<vmem>>, vector<16xf32>,
        %mul3A_203 = arith.mulf %get3A_202, %gather3A_195 : vector<16xf32>
        %swap3A_204 = arith.index_cast %add3A_199 : i32 to index
        %swap3A_205 = arith.constant 0 : index
        %swap3A_206 = tpu.vector_load %arg12[%swap3A_204, %swap3A_205] {strides = array<i32>} : memref<128x80xf32, #tpu.memory_space<vmem>>, vector<16xf32>,
        tpu.vector_store %arg12[%swap3A_204, %swap3A_205], %mul3A_203 {strides = array<i32>} : memref<128x80xf32, #tpu.memory_space<vmem>>, vector<16xf32>,
        %get3A_207 = arith.index_cast %add3A_199 : i32 to index
        %get3A_208 = arith.constant 16 : index
        %get3A_209 = tpu.vector_load %arg10[%get3A_207, %get3A_208] {strides = array<i32>} : memref<128x64xf32, #tpu.memory_space<vmem>>, vector<16xf32>,
        %mul3A_210 = arith.mulf %get3A_209, %gather3A_195 : vector<16xf32>
        %swap3A_211 = arith.index_cast %add3A_199 : i32 to index
        %swap3A_212 = arith.constant 16 : index
        %swap3A_213 = tpu.vector_load %arg12[%swap3A_211, %swap3A_212] {strides = array<i32>} : memref<128x80xf32, #tpu.memory_space<vmem>>, vector<16xf32>,
        tpu.vector_store %arg12[%swap3A_211, %swap3A_212], %mul3A_210 {strides = array<i32>} : memref<128x80xf32, #tpu.memory_space<vmem>>, vector<16xf32>,
        %get3A_214 = arith.index_cast %add3A_199 : i32 to index
        %get3A_215 = arith.constant 32 : index
        %get3A_216 = tpu.vector_load %arg10[%get3A_214, %get3A_215] {strides = array<i32>} : memref<128x64xf32, #tpu.memory_space<vmem>>, vector<16xf32>,
        %mul3A_217 = arith.mulf %get3A_216, %gather3A_195 : vector<16xf32>
        %swap3A_218 = arith.index_cast %add3A_199 : i32 to index
        %swap3A_219 = arith.constant 32 : index
        %swap3A_220 = tpu.vector_load %arg12[%swap3A_218, %swap3A_219] {strides = array<i32>} : memref<128x80xf32, #tpu.memory_space<vmem>>, vector<16xf32>,
        tpu.vector_store %arg12[%swap3A_218, %swap3A_219], %mul3A_217 {strides = array<i32>} : memref<128x80xf32, #tpu.memory_space<vmem>>, vector<16xf32>,
        %get3A_221 = arith.index_cast %add3A_199 : i32 to index
        %get3A_222 = arith.constant 48 : index
        %get3A_223 = tpu.vector_load %arg10[%get3A_221, %get3A_222] {strides = array<i32>} : memref<128x64xf32, #tpu.memory_space<vmem>>, vector<16xf32>,
        %mul3A_224 = arith.mulf %get3A_223, %gather3A_195 : vector<16xf32>
        %swap3A_225 = arith.index_cast %add3A_199 : i32 to index
        %swap3A_226 = arith.constant 48 : index
        %swap3A_227 = tpu.vector_load %arg12[%swap3A_225, %swap3A_226] {strides = array<i32>} : memref<128x80xf32, #tpu.memory_space<vmem>>, vector<16xf32>,
        tpu.vector_store %arg12[%swap3A_225, %swap3A_226], %mul3A_224 {strides = array<i32>} : memref<128x80xf32, #tpu.memory_space<vmem>>, vector<16xf32>,
        %swap3A_228 = arith.index_cast %add3A_199 : i32 to index
        %swap3A_229 = arith.constant 64 : index
        %swap3A_230 = tpu.vector_load %arg12[%swap3A_228, %swap3A_229] {strides = array<i32>} : memref<128x80xf32, #tpu.memory_space<vmem>>, vector<16xf32>,
        tpu.vector_store %arg12[%swap3A_228, %swap3A_229], %gather3A_195 {strides = array<i32>} : memref<128x80xf32, #tpu.memory_space<vmem>>, vector<16xf32>,
        %add3A_231 = arith.constant 3 : i32
        %add3A_232 = arith.addi %add3A_116, %add3A_231 : i32
        %broadcast_in_dim3A_233 = vector.broadcast %add3A_232 : i32 to vector<16xi32>
        %gather3A_234 = tpu.vector_load_idx %arg9[%broadcast_in_dim3A_233] : memref<6400xf32, #tpu.memory_space<vmem>>[vector<16xi32>], vector<16xf32>,
        %mul3A_235 = arith.constant 16 : i32
        %mul3A_236 = arith.muli %add3A_111, %mul3A_235 : i32
        %add3A_237 = arith.constant 3 : i32
        %add3A_238 = arith.addi %mul3A_236, %add3A_237 : i32
        %get3A_239 = arith.index_cast %add3A_238 : i32 to index
        %get3A_240 = arith.constant 0 : index
        %get3A_241 = tpu.vector_load %arg10[%get3A_239, %get3A_240] {strides = array<i32>} : memref<128x64xf32, #tpu.memory_space<vmem>>, vector<16xf32>,
        %mul3A_242 = arith.mulf %get3A_241, %gather3A_234 : vector<16xf32>
        %swap3A_243 = arith.index_cast %add3A_238 : i32 to index
        %swap3A_244 = arith.constant 0 : index
        %swap3A_245 = tpu.vector_load %arg12[%swap3A_243, %swap3A_244] {strides = array<i32>} : memref<128x80xf32, #tpu.memory_space<vmem>>, vector<16xf32>,
        tpu.vector_store %arg12[%swap3A_243, %swap3A_244], %mul3A_242 {strides = array<i32>} : memref<128x80xf32, #tpu.memory_space<vmem>>, vector<16xf32>,
        %get3A_246 = arith.index_cast %add3A_238 : i32 to index
        %get3A_247 = arith.constant 16 : index
        %get3A_248 = tpu.vector_load %arg10[%get3A_246, %get3A_247] {strides = array<i32>} : memref<128x64xf32, #tpu.memory_space<vmem>>, vector<16xf32>,
        %mul3A_249 = arith.mulf %get3A_248, %gather3A_234 : vector<16xf32>
        %swap3A_250 = arith.index_cast %add3A_238 : i32 to index
        %swap3A_251 = arith.constant 16 : index
        %swap3A_252 = tpu.vector_load %arg12[%swap3A_250, %swap3A_251] {strides = array<i32>} : memref<128x80xf32, #tpu.memory_space<vmem>>, vector<16xf32>,
        tpu.vector_store %arg12[%swap3A_250, %swap3A_251], %mul3A_249 {strides = array<i32>} : memref<128x80xf32, #tpu.memory_space<vmem>>, vector<16xf32>,
        %get3A_253 = arith.index_cast %add3A_238 : i32 to index
        %get3A_254 = arith.constant 32 : index
        %get3A_255 = tpu.vector_load %arg10[%get3A_253, %get3A_254] {strides = array<i32>} : memref<128x64xf32, #tpu.memory_space<vmem>>, vector<16xf32>,
        %mul3A_256 = arith.mulf %get3A_255, %gather3A_234 : vector<16xf32>
        %swap3A_257 = arith.index_cast %add3A_238 : i32 to index
        %swap3A_258 = arith.constant 32 : index
        %swap3A_259 = tpu.vector_load %arg12[%swap3A_257, %swap3A_258] {strides = array<i32>} : memref<128x80xf32, #tpu.memory_space<vmem>>, vector<16xf32>,
        tpu.vector_store %arg12[%swap3A_257, %swap3A_258], %mul3A_256 {strides = array<i32>} : memref<128x80xf32, #tpu.memory_space<vmem>>, vector<16xf32>,
        %get3A_260 = arith.index_cast %add3A_238 : i32 to index
        %get3A_261 = arith.constant 48 : index
        %get3A_262 = tpu.vector_load %arg10[%get3A_260, %get3A_261] {strides = array<i32>} : memref<128x64xf32, #tpu.memory_space<vmem>>, vector<16xf32>,
        %mul3A_263 = arith.mulf %get3A_262, %gather3A_234 : vector<16xf32>
        %swap3A_264 = arith.index_cast %add3A_238 : i32 to index
        %swap3A_265 = arith.constant 48 : index
        %swap3A_266 = tpu.vector_load %arg12[%swap3A_264, %swap3A_265] {strides = array<i32>} : memref<128x80xf32, #tpu.memory_space<vmem>>, vector<16xf32>,
        tpu.vector_store %arg12[%swap3A_264, %swap3A_265], %mul3A_263 {strides = array<i32>} : memref<128x80xf32, #tpu.memory_space<vmem>>, vector<16xf32>,
        %swap3A_267 = arith.index_cast %add3A_238 : i32 to index
        %swap3A_268 = arith.constant 64 : index
        %swap3A_269 = tpu.vector_load %arg12[%swap3A_267, %swap3A_268] {strides = array<i32>} : memref<128x80xf32, #tpu.memory_space<vmem>>, vector<16xf32>,
        tpu.vector_store %arg12[%swap3A_267, %swap3A_268], %gather3A_234 {strides = array<i32>} : memref<128x80xf32, #tpu.memory_space<vmem>>, vector<16xf32>,
        %add3A_270 = arith.constant 4 : i32
        %add3A_271 = arith.addi %add3A_116, %add3A_270 : i32
        %broadcast_in_dim3A_272 = vector.broadcast %add3A_271 : i32 to vector<16xi32>
        %gather3A_273 = tpu.vector_load_idx %arg9[%broadcast_in_dim3A_272] : memref<6400xf32, #tpu.memory_space<vmem>>[vector<16xi32>], vector<16xf32>,
        %mul3A_274 = arith.constant 16 : i32
        %mul3A_275 = arith.muli %add3A_111, %mul3A_274 : i32
        %add3A_276 = arith.constant 4 : i32
        %add3A_277 = arith.addi %mul3A_275, %add3A_276 : i32
        %get3A_278 = arith.index_cast %add3A_277 : i32 to index
        %get3A_279 = arith.constant 0 : index
        %get3A_280 = tpu.vector_load %arg10[%get3A_278, %get3A_279] {strides = array<i32>} : memref<128x64xf32, #tpu.memory_space<vmem>>, vector<16xf32>,
        %mul3A_281 = arith.mulf %get3A_280, %gather3A_273 : vector<16xf32>
        %swap3A_282 = arith.index_cast %add3A_277 : i32 to index
        %swap3A_283 = arith.constant 0 : index
        %swap3A_284 = tpu.vector_load %arg12[%swap3A_282, %swap3A_283] {strides = array<i32>} : memref<128x80xf32, #tpu.memory_space<vmem>>, vector<16xf32>,
        tpu.vector_store %arg12[%swap3A_282, %swap3A_283], %mul3A_281 {strides = array<i32>} : memref<128x80xf32, #tpu.memory_space<vmem>>, vector<16xf32>,
        %get3A_285 = arith.index_cast %add3A_277 : i32 to index
        %get3A_286 = arith.constant 16 : index
        %get3A_287 = tpu.vector_load %arg10[%get3A_285, %get3A_286] {strides = array<i32>} : memref<128x64xf32, #tpu.memory_space<vmem>>, vector<16xf32>,
        %mul3A_288 = arith.mulf %get3A_287, %gather3A_273 : vector<16xf32>
        %swap3A_289 = arith.index_cast %add3A_277 : i32 to index
        %swap3A_290 = arith.constant 16 : index
        %swap3A_291 = tpu.vector_load %arg12[%swap3A_289, %swap3A_290] {strides = array<i32>} : memref<128x80xf32, #tpu.memory_space<vmem>>, vector<16xf32>,
        tpu.vector_store %arg12[%swap3A_289, %swap3A_290], %mul3A_288 {strides = array<i32>} : memref<128x80xf32, #tpu.memory_space<vmem>>, vector<16xf32>,
        %get3A_292 = arith.index_cast %add3A_277 : i32 to index
        %get3A_293 = arith.constant 32 : index
        %get3A_294 = tpu.vector_load %arg10[%get3A_292, %get3A_293] {strides = array<i32>} : memref<128x64xf32, #tpu.memory_space<vmem>>, vector<16xf32>,
        %mul3A_295 = arith.mulf %get3A_294, %gather3A_273 : vector<16xf32>
        %swap3A_296 = arith.index_cast %add3A_277 : i32 to index
        %swap3A_297 = arith.constant 32 : index
        %swap3A_298 = tpu.vector_load %arg12[%swap3A_296, %swap3A_297] {strides = array<i32>} : memref<128x80xf32, #tpu.memory_space<vmem>>, vector<16xf32>,
        tpu.vector_store %arg12[%swap3A_296, %swap3A_297], %mul3A_295 {strides = array<i32>} : memref<128x80xf32, #tpu.memory_space<vmem>>, vector<16xf32>,
        %get3A_299 = arith.index_cast %add3A_277 : i32 to index
        %get3A_300 = arith.constant 48 : index
        %get3A_301 = tpu.vector_load %arg10[%get3A_299, %get3A_300] {strides = array<i32>} : memref<128x64xf32, #tpu.memory_space<vmem>>, vector<16xf32>,
        %mul3A_302 = arith.mulf %get3A_301, %gather3A_273 : vector<16xf32>
        %swap3A_303 = arith.index_cast %add3A_277 : i32 to index
        %swap3A_304 = arith.constant 48 : index
        %swap3A_305 = tpu.vector_load %arg12[%swap3A_303, %swap3A_304] {strides = array<i32>} : memref<128x80xf32, #tpu.memory_space<vmem>>, vector<16xf32>,
        tpu.vector_store %arg12[%swap3A_303, %swap3A_304], %mul3A_302 {strides = array<i32>} : memref<128x80xf32, #tpu.memory_space<vmem>>, vector<16xf32>,
        %swap3A_306 = arith.index_cast %add3A_277 : i32 to index
        %swap3A_307 = arith.constant 64 : index
        %swap3A_308 = tpu.vector_load %arg12[%swap3A_306, %swap3A_307] {strides = array<i32>} : memref<128x80xf32, #tpu.memory_space<vmem>>, vector<16xf32>,
        tpu.vector_store %arg12[%swap3A_306, %swap3A_307], %gather3A_273 {strides = array<i32>} : memref<128x80xf32, #tpu.memory_space<vmem>>, vector<16xf32>,
        %add3A_309 = arith.constant 5 : i32
        %add3A_310 = arith.addi %add3A_116, %add3A_309 : i32
        %broadcast_in_dim3A_311 = vector.broadcast %add3A_310 : i32 to vector<16xi32>
        %gather3A_312 = tpu.vector_load_idx %arg9[%broadcast_in_dim3A_311] : memref<6400xf32, #tpu.memory_space<vmem>>[vector<16xi32>], vector<16xf32>,
        %mul3A_313 = arith.constant 16 : i32
        %mul3A_314 = arith.muli %add3A_111, %mul3A_313 : i32
        %add3A_315 = arith.constant 5 : i32
        %add3A_316 = arith.addi %mul3A_314, %add3A_315 : i32
        %get3A_317 = arith.index_cast %add3A_316 : i32 to index
        %get3A_318 = arith.constant 0 : index
        %get3A_319 = tpu.vector_load %arg10[%get3A_317, %get3A_318] {strides = array<i32>} : memref<128x64xf32, #tpu.memory_space<vmem>>, vector<16xf32>,
        %mul3A_320 = arith.mulf %get3A_319, %gather3A_312 : vector<16xf32>
        %swap3A_321 = arith.index_cast %add3A_316 : i32 to index
        %swap3A_322 = arith.constant 0 : index
        %swap3A_323 = tpu.vector_load %arg12[%swap3A_321, %swap3A_322] {strides = array<i32>} : memref<128x80xf32, #tpu.memory_space<vmem>>, vector<16xf32>,
        tpu.vector_store %arg12[%swap3A_321, %swap3A_322], %mul3A_320 {strides = array<i32>} : memref<128x80xf32, #tpu.memory_space<vmem>>, vector<16xf32>,
        %get3A_324 = arith.index_cast %add3A_316 : i32 to index
        %get3A_325 = arith.constant 16 : index
        %get3A_326 = tpu.vector_load %arg10[%get3A_324, %get3A_325] {strides = array<i32>} : memref<128x64xf32, #tpu.memory_space<vmem>>, vector<16xf32>,
        %mul3A_327 = arith.mulf %get3A_326, %gather3A_312 : vector<16xf32>
        %swap3A_328 = arith.index_cast %add3A_316 : i32 to index
        %swap3A_329 = arith.constant 16 : index
        %swap3A_330 = tpu.vector_load %arg12[%swap3A_328, %swap3A_329] {strides = array<i32>} : memref<128x80xf32, #tpu.memory_space<vmem>>, vector<16xf32>,
        tpu.vector_store %arg12[%swap3A_328, %swap3A_329], %mul3A_327 {strides = array<i32>} : memref<128x80xf32, #tpu.memory_space<vmem>>, vector<16xf32>,
        %get3A_331 = arith.index_cast %add3A_316 : i32 to index
        %get3A_332 = arith.constant 32 : index
        %get3A_333 = tpu.vector_load %arg10[%get3A_331, %get3A_332] {strides = array<i32>} : memref<128x64xf32, #tpu.memory_space<vmem>>, vector<16xf32>,
        %mul3A_334 = arith.mulf %get3A_333, %gather3A_312 : vector<16xf32>
        %swap3A_335 = arith.index_cast %add3A_316 : i32 to index
        %swap3A_336 = arith.constant 32 : index
        %swap3A_337 = tpu.vector_load %arg12[%swap3A_335, %swap3A_336] {strides = array<i32>} : memref<128x80xf32, #tpu.memory_space<vmem>>, vector<16xf32>,
        tpu.vector_store %arg12[%swap3A_335, %swap3A_336], %mul3A_334 {strides = array<i32>} : memref<128x80xf32, #tpu.memory_space<vmem>>, vector<16xf32>,
        %get3A_338 = arith.index_cast %add3A_316 : i32 to index
        %get3A_339 = arith.constant 48 : index
        %get3A_340 = tpu.vector_load %arg10[%get3A_338, %get3A_339] {strides = array<i32>} : memref<128x64xf32, #tpu.memory_space<vmem>>, vector<16xf32>,
        %mul3A_341 = arith.mulf %get3A_340, %gather3A_312 : vector<16xf32>
        %swap3A_342 = arith.index_cast %add3A_316 : i32 to index
        %swap3A_343 = arith.constant 48 : index
        %swap3A_344 = tpu.vector_load %arg12[%swap3A_342, %swap3A_343] {strides = array<i32>} : memref<128x80xf32, #tpu.memory_space<vmem>>, vector<16xf32>,
        tpu.vector_store %arg12[%swap3A_342, %swap3A_343], %mul3A_341 {strides = array<i32>} : memref<128x80xf32, #tpu.memory_space<vmem>>, vector<16xf32>,
        %swap3A_345 = arith.index_cast %add3A_316 : i32 to index
        %swap3A_346 = arith.constant 64 : index
        %swap3A_347 = tpu.vector_load %arg12[%swap3A_345, %swap3A_346] {strides = array<i32>} : memref<128x80xf32, #tpu.memory_space<vmem>>, vector<16xf32>,
        tpu.vector_store %arg12[%swap3A_345, %swap3A_346], %gather3A_312 {strides = array<i32>} : memref<128x80xf32, #tpu.memory_space<vmem>>, vector<16xf32>,
        %add3A_348 = arith.constant 6 : i32
        %add3A_349 = arith.addi %add3A_116, %add3A_348 : i32
        %broadcast_in_dim3A_350 = vector.broadcast %add3A_349 : i32 to vector<16xi32>
        %gather3A_351 = tpu.vector_load_idx %arg9[%broadcast_in_dim3A_350] : memref<6400xf32, #tpu.memory_space<vmem>>[vector<16xi32>], vector<16xf32>,
        %mul3A_352 = arith.constant 16 : i32
        %mul3A_353 = arith.muli %add3A_111, %mul3A_352 : i32
        %add3A_354 = arith.constant 6 : i32
        %add3A_355 = arith.addi %mul3A_353, %add3A_354 : i32
        %get3A_356 = arith.index_cast %add3A_355 : i32 to index
        %get3A_357 = arith.constant 0 : index
        %get3A_358 = tpu.vector_load %arg10[%get3A_356, %get3A_357] {strides = array<i32>} : memref<128x64xf32, #tpu.memory_space<vmem>>, vector<16xf32>,
        %mul3A_359 = arith.mulf %get3A_358, %gather3A_351 : vector<16xf32>
        %swap3A_360 = arith.index_cast %add3A_355 : i32 to index
        %swap3A_361 = arith.constant 0 : index
        %swap3A_362 = tpu.vector_load %arg12[%swap3A_360, %swap3A_361] {strides = array<i32>} : memref<128x80xf32, #tpu.memory_space<vmem>>, vector<16xf32>,
        tpu.vector_store %arg12[%swap3A_360, %swap3A_361], %mul3A_359 {strides = array<i32>} : memref<128x80xf32, #tpu.memory_space<vmem>>, vector<16xf32>,
        %get3A_363 = arith.index_cast %add3A_355 : i32 to index
        %get3A_364 = arith.constant 16 : index
        %get3A_365 = tpu.vector_load %arg10[%get3A_363, %get3A_364] {strides = array<i32>} : memref<128x64xf32, #tpu.memory_space<vmem>>, vector<16xf32>,
        %mul3A_366 = arith.mulf %get3A_365, %gather3A_351 : vector<16xf32>
        %swap3A_367 = arith.index_cast %add3A_355 : i32 to index
        %swap3A_368 = arith.constant 16 : index
        %swap3A_369 = tpu.vector_load %arg12[%swap3A_367, %swap3A_368] {strides = array<i32>} : memref<128x80xf32, #tpu.memory_space<vmem>>, vector<16xf32>,
        tpu.vector_store %arg12[%swap3A_367, %swap3A_368], %mul3A_366 {strides = array<i32>} : memref<128x80xf32, #tpu.memory_space<vmem>>, vector<16xf32>,
        %get3A_370 = arith.index_cast %add3A_355 : i32 to index
        %get3A_371 = arith.constant 32 : index
        %get3A_372 = tpu.vector_load %arg10[%get3A_370, %get3A_371] {strides = array<i32>} : memref<128x64xf32, #tpu.memory_space<vmem>>, vector<16xf32>,
        %mul3A_373 = arith.mulf %get3A_372, %gather3A_351 : vector<16xf32>
        %swap3A_374 = arith.index_cast %add3A_355 : i32 to index
        %swap3A_375 = arith.constant 32 : index
        %swap3A_376 = tpu.vector_load %arg12[%swap3A_374, %swap3A_375] {strides = array<i32>} : memref<128x80xf32, #tpu.memory_space<vmem>>, vector<16xf32>,
        tpu.vector_store %arg12[%swap3A_374, %swap3A_375], %mul3A_373 {strides = array<i32>} : memref<128x80xf32, #tpu.memory_space<vmem>>, vector<16xf32>,
        %get3A_377 = arith.index_cast %add3A_355 : i32 to index
        %get3A_378 = arith.constant 48 : index
        %get3A_379 = tpu.vector_load %arg10[%get3A_377, %get3A_378] {strides = array<i32>} : memref<128x64xf32, #tpu.memory_space<vmem>>, vector<16xf32>,
        %mul3A_380 = arith.mulf %get3A_379, %gather3A_351 : vector<16xf32>
        %swap3A_381 = arith.index_cast %add3A_355 : i32 to index
        %swap3A_382 = arith.constant 48 : index
        %swap3A_383 = tpu.vector_load %arg12[%swap3A_381, %swap3A_382] {strides = array<i32>} : memref<128x80xf32, #tpu.memory_space<vmem>>, vector<16xf32>,
        tpu.vector_store %arg12[%swap3A_381, %swap3A_382], %mul3A_380 {strides = array<i32>} : memref<128x80xf32, #tpu.memory_space<vmem>>, vector<16xf32>,
        %swap3A_384 = arith.index_cast %add3A_355 : i32 to index
        %swap3A_385 = arith.constant 64 : index
        %swap3A_386 = tpu.vector_load %arg12[%swap3A_384, %swap3A_385] {strides = array<i32>} : memref<128x80xf32, #tpu.memory_space<vmem>>, vector<16xf32>,
        tpu.vector_store %arg12[%swap3A_384, %swap3A_385], %gather3A_351 {strides = array<i32>} : memref<128x80xf32, #tpu.memory_space<vmem>>, vector<16xf32>,
        %add3A_387 = arith.constant 7 : i32
        %add3A_388 = arith.addi %add3A_116, %add3A_387 : i32
        %broadcast_in_dim3A_389 = vector.broadcast %add3A_388 : i32 to vector<16xi32>
        %gather3A_390 = tpu.vector_load_idx %arg9[%broadcast_in_dim3A_389] : memref<6400xf32, #tpu.memory_space<vmem>>[vector<16xi32>], vector<16xf32>,
        %mul3A_391 = arith.constant 16 : i32
        %mul3A_392 = arith.muli %add3A_111, %mul3A_391 : i32
        %add3A_393 = arith.constant 7 : i32
        %add3A_394 = arith.addi %mul3A_392, %add3A_393 : i32
        %get3A_395 = arith.index_cast %add3A_394 : i32 to index
        %get3A_396 = arith.constant 0 : index
        %get3A_397 = tpu.vector_load %arg10[%get3A_395, %get3A_396] {strides = array<i32>} : memref<128x64xf32, #tpu.memory_space<vmem>>, vector<16xf32>,
        %mul3A_398 = arith.mulf %get3A_397, %gather3A_390 : vector<16xf32>
        %swap3A_399 = arith.index_cast %add3A_394 : i32 to index
        %swap3A_400 = arith.constant 0 : index
        %swap3A_401 = tpu.vector_load %arg12[%swap3A_399, %swap3A_400] {strides = array<i32>} : memref<128x80xf32, #tpu.memory_space<vmem>>, vector<16xf32>,
        tpu.vector_store %arg12[%swap3A_399, %swap3A_400], %mul3A_398 {strides = array<i32>} : memref<128x80xf32, #tpu.memory_space<vmem>>, vector<16xf32>,
        %get3A_402 = arith.index_cast %add3A_394 : i32 to index
        %get3A_403 = arith.constant 16 : index
        %get3A_404 = tpu.vector_load %arg10[%get3A_402, %get3A_403] {strides = array<i32>} : memref<128x64xf32, #tpu.memory_space<vmem>>, vector<16xf32>,
        %mul3A_405 = arith.mulf %get3A_404, %gather3A_390 : vector<16xf32>
        %swap3A_406 = arith.index_cast %add3A_394 : i32 to index
        %swap3A_407 = arith.constant 16 : index
        %swap3A_408 = tpu.vector_load %arg12[%swap3A_406, %swap3A_407] {strides = array<i32>} : memref<128x80xf32, #tpu.memory_space<vmem>>, vector<16xf32>,
        tpu.vector_store %arg12[%swap3A_406, %swap3A_407], %mul3A_405 {strides = array<i32>} : memref<128x80xf32, #tpu.memory_space<vmem>>, vector<16xf32>,
        %get3A_409 = arith.index_cast %add3A_394 : i32 to index
        %get3A_410 = arith.constant 32 : index
        %get3A_411 = tpu.vector_load %arg10[%get3A_409, %get3A_410] {strides = array<i32>} : memref<128x64xf32, #tpu.memory_space<vmem>>, vector<16xf32>,
        %mul3A_412 = arith.mulf %get3A_411, %gather3A_390 : vector<16xf32>
        %swap3A_413 = arith.index_cast %add3A_394 : i32 to index
        %swap3A_414 = arith.constant 32 : index
        %swap3A_415 = tpu.vector_load %arg12[%swap3A_413, %swap3A_414] {strides = array<i32>} : memref<128x80xf32, #tpu.memory_space<vmem>>, vector<16xf32>,
        tpu.vector_store %arg12[%swap3A_413, %swap3A_414], %mul3A_412 {strides = array<i32>} : memref<128x80xf32, #tpu.memory_space<vmem>>, vector<16xf32>,
        %get3A_416 = arith.index_cast %add3A_394 : i32 to index
        %get3A_417 = arith.constant 48 : index
        %get3A_418 = tpu.vector_load %arg10[%get3A_416, %get3A_417] {strides = array<i32>} : memref<128x64xf32, #tpu.memory_space<vmem>>, vector<16xf32>,
        %mul3A_419 = arith.mulf %get3A_418, %gather3A_390 : vector<16xf32>
        %swap3A_420 = arith.index_cast %add3A_394 : i32 to index
        %swap3A_421 = arith.constant 48 : index
        %swap3A_422 = tpu.vector_load %arg12[%swap3A_420, %swap3A_421] {strides = array<i32>} : memref<128x80xf32, #tpu.memory_space<vmem>>, vector<16xf32>,
        tpu.vector_store %arg12[%swap3A_420, %swap3A_421], %mul3A_419 {strides = array<i32>} : memref<128x80xf32, #tpu.memory_space<vmem>>, vector<16xf32>,
        %swap3A_423 = arith.index_cast %add3A_394 : i32 to index
        %swap3A_424 = arith.constant 64 : index
        %swap3A_425 = tpu.vector_load %arg12[%swap3A_423, %swap3A_424] {strides = array<i32>} : memref<128x80xf32, #tpu.memory_space<vmem>>, vector<16xf32>,
        tpu.vector_store %arg12[%swap3A_423, %swap3A_424], %gather3A_390 {strides = array<i32>} : memref<128x80xf32, #tpu.memory_space<vmem>>, vector<16xf32>,
        %add3A_426 = arith.constant 8 : i32
        %add3A_427 = arith.addi %add3A_116, %add3A_426 : i32
        %broadcast_in_dim3A_428 = vector.broadcast %add3A_427 : i32 to vector<16xi32>
        %gather3A_429 = tpu.vector_load_idx %arg9[%broadcast_in_dim3A_428] : memref<6400xf32, #tpu.memory_space<vmem>>[vector<16xi32>], vector<16xf32>,
        %mul3A_430 = arith.constant 16 : i32
        %mul3A_431 = arith.muli %add3A_111, %mul3A_430 : i32
        %add3A_432 = arith.constant 8 : i32
        %add3A_433 = arith.addi %mul3A_431, %add3A_432 : i32
        %get3A_434 = arith.index_cast %add3A_433 : i32 to index
        %get3A_435 = arith.constant 0 : index
        %get3A_436 = tpu.vector_load %arg10[%get3A_434, %get3A_435] {strides = array<i32>} : memref<128x64xf32, #tpu.memory_space<vmem>>, vector<16xf32>,
        %mul3A_437 = arith.mulf %get3A_436, %gather3A_429 : vector<16xf32>
        %swap3A_438 = arith.index_cast %add3A_433 : i32 to index
        %swap3A_439 = arith.constant 0 : index
        %swap3A_440 = tpu.vector_load %arg12[%swap3A_438, %swap3A_439] {strides = array<i32>} : memref<128x80xf32, #tpu.memory_space<vmem>>, vector<16xf32>,
        tpu.vector_store %arg12[%swap3A_438, %swap3A_439], %mul3A_437 {strides = array<i32>} : memref<128x80xf32, #tpu.memory_space<vmem>>, vector<16xf32>,
        %get3A_441 = arith.index_cast %add3A_433 : i32 to index
        %get3A_442 = arith.constant 16 : index
        %get3A_443 = tpu.vector_load %arg10[%get3A_441, %get3A_442] {strides = array<i32>} : memref<128x64xf32, #tpu.memory_space<vmem>>, vector<16xf32>,
        %mul3A_444 = arith.mulf %get3A_443, %gather3A_429 : vector<16xf32>
        %swap3A_445 = arith.index_cast %add3A_433 : i32 to index
        %swap3A_446 = arith.constant 16 : index
        %swap3A_447 = tpu.vector_load %arg12[%swap3A_445, %swap3A_446] {strides = array<i32>} : memref<128x80xf32, #tpu.memory_space<vmem>>, vector<16xf32>,
        tpu.vector_store %arg12[%swap3A_445, %swap3A_446], %mul3A_444 {strides = array<i32>} : memref<128x80xf32, #tpu.memory_space<vmem>>, vector<16xf32>,
        %get3A_448 = arith.index_cast %add3A_433 : i32 to index
        %get3A_449 = arith.constant 32 : index
        %get3A_450 = tpu.vector_load %arg10[%get3A_448, %get3A_449] {strides = array<i32>} : memref<128x64xf32, #tpu.memory_space<vmem>>, vector<16xf32>,
        %mul3A_451 = arith.mulf %get3A_450, %gather3A_429 : vector<16xf32>
        %swap3A_452 = arith.index_cast %add3A_433 : i32 to index
        %swap3A_453 = arith.constant 32 : index
        %swap3A_454 = tpu.vector_load %arg12[%swap3A_452, %swap3A_453] {strides = array<i32>} : memref<128x80xf32, #tpu.memory_space<vmem>>, vector<16xf32>,
        tpu.vector_store %arg12[%swap3A_452, %swap3A_453], %mul3A_451 {strides = array<i32>} : memref<128x80xf32, #tpu.memory_space<vmem>>, vector<16xf32>,
        %get3A_455 = arith.index_cast %add3A_433 : i32 to index
        %get3A_456 = arith.constant 48 : index
        %get3A_457 = tpu.vector_load %arg10[%get3A_455, %get3A_456] {strides = array<i32>} : memref<128x64xf32, #tpu.memory_space<vmem>>, vector<16xf32>,
        %mul3A_458 = arith.mulf %get3A_457, %gather3A_429 : vector<16xf32>
        %swap3A_459 = arith.index_cast %add3A_433 : i32 to index
        %swap3A_460 = arith.constant 48 : index
        %swap3A_461 = tpu.vector_load %arg12[%swap3A_459, %swap3A_460] {strides = array<i32>} : memref<128x80xf32, #tpu.memory_space<vmem>>, vector<16xf32>,
        tpu.vector_store %arg12[%swap3A_459, %swap3A_460], %mul3A_458 {strides = array<i32>} : memref<128x80xf32, #tpu.memory_space<vmem>>, vector<16xf32>,
        %swap3A_462 = arith.index_cast %add3A_433 : i32 to index
        %swap3A_463 = arith.constant 64 : index
        %swap3A_464 = tpu.vector_load %arg12[%swap3A_462, %swap3A_463] {strides = array<i32>} : memref<128x80xf32, #tpu.memory_space<vmem>>, vector<16xf32>,
        tpu.vector_store %arg12[%swap3A_462, %swap3A_463], %gather3A_429 {strides = array<i32>} : memref<128x80xf32, #tpu.memory_space<vmem>>, vector<16xf32>,
        %add3A_465 = arith.constant 9 : i32
        %add3A_466 = arith.addi %add3A_116, %add3A_465 : i32
        %broadcast_in_dim3A_467 = vector.broadcast %add3A_466 : i32 to vector<16xi32>
        %gather3A_468 = tpu.vector_load_idx %arg9[%broadcast_in_dim3A_467] : memref<6400xf32, #tpu.memory_space<vmem>>[vector<16xi32>], vector<16xf32>,
        %mul3A_469 = arith.constant 16 : i32
        %mul3A_470 = arith.muli %add3A_111, %mul3A_469 : i32
        %add3A_471 = arith.constant 9 : i32
        %add3A_472 = arith.addi %mul3A_470, %add3A_471 : i32
        %get3A_473 = arith.index_cast %add3A_472 : i32 to index
        %get3A_474 = arith.constant 0 : index
        %get3A_475 = tpu.vector_load %arg10[%get3A_473, %get3A_474] {strides = array<i32>} : memref<128x64xf32, #tpu.memory_space<vmem>>, vector<16xf32>,
        %mul3A_476 = arith.mulf %get3A_475, %gather3A_468 : vector<16xf32>
        %swap3A_477 = arith.index_cast %add3A_472 : i32 to index
        %swap3A_478 = arith.constant 0 : index
        %swap3A_479 = tpu.vector_load %arg12[%swap3A_477, %swap3A_478] {strides = array<i32>} : memref<128x80xf32, #tpu.memory_space<vmem>>, vector<16xf32>,
        tpu.vector_store %arg12[%swap3A_477, %swap3A_478], %mul3A_476 {strides = array<i32>} : memref<128x80xf32, #tpu.memory_space<vmem>>, vector<16xf32>,
        %get3A_480 = arith.index_cast %add3A_472 : i32 to index
        %get3A_481 = arith.constant 16 : index
        %get3A_482 = tpu.vector_load %arg10[%get3A_480, %get3A_481] {strides = array<i32>} : memref<128x64xf32, #tpu.memory_space<vmem>>, vector<16xf32>,
        %mul3A_483 = arith.mulf %get3A_482, %gather3A_468 : vector<16xf32>
        %swap3A_484 = arith.index_cast %add3A_472 : i32 to index
        %swap3A_485 = arith.constant 16 : index
        %swap3A_486 = tpu.vector_load %arg12[%swap3A_484, %swap3A_485] {strides = array<i32>} : memref<128x80xf32, #tpu.memory_space<vmem>>, vector<16xf32>,
        tpu.vector_store %arg12[%swap3A_484, %swap3A_485], %mul3A_483 {strides = array<i32>} : memref<128x80xf32, #tpu.memory_space<vmem>>, vector<16xf32>,
        %get3A_487 = arith.index_cast %add3A_472 : i32 to index
        %get3A_488 = arith.constant 32 : index
        %get3A_489 = tpu.vector_load %arg10[%get3A_487, %get3A_488] {strides = array<i32>} : memref<128x64xf32, #tpu.memory_space<vmem>>, vector<16xf32>,
        %mul3A_490 = arith.mulf %get3A_489, %gather3A_468 : vector<16xf32>
        %swap3A_491 = arith.index_cast %add3A_472 : i32 to index
        %swap3A_492 = arith.constant 32 : index
        %swap3A_493 = tpu.vector_load %arg12[%swap3A_491, %swap3A_492] {strides = array<i32>} : memref<128x80xf32, #tpu.memory_space<vmem>>, vector<16xf32>,
        tpu.vector_store %arg12[%swap3A_491, %swap3A_492], %mul3A_490 {strides = array<i32>} : memref<128x80xf32, #tpu.memory_space<vmem>>, vector<16xf32>,
        %get3A_494 = arith.index_cast %add3A_472 : i32 to index
        %get3A_495 = arith.constant 48 : index
        %get3A_496 = tpu.vector_load %arg10[%get3A_494, %get3A_495] {strides = array<i32>} : memref<128x64xf32, #tpu.memory_space<vmem>>, vector<16xf32>,
        %mul3A_497 = arith.mulf %get3A_496, %gather3A_468 : vector<16xf32>
        %swap3A_498 = arith.index_cast %add3A_472 : i32 to index
        %swap3A_499 = arith.constant 48 : index
        %swap3A_500 = tpu.vector_load %arg12[%swap3A_498, %swap3A_499] {strides = array<i32>} : memref<128x80xf32, #tpu.memory_space<vmem>>, vector<16xf32>,
        tpu.vector_store %arg12[%swap3A_498, %swap3A_499], %mul3A_497 {strides = array<i32>} : memref<128x80xf32, #tpu.memory_space<vmem>>, vector<16xf32>,
        %swap3A_501 = arith.index_cast %add3A_472 : i32 to index
        %swap3A_502 = arith.constant 64 : index
        %swap3A_503 = tpu.vector_load %arg12[%swap3A_501, %swap3A_502] {strides = array<i32>} : memref<128x80xf32, #tpu.memory_space<vmem>>, vector<16xf32>,
        tpu.vector_store %arg12[%swap3A_501, %swap3A_502], %gather3A_468 {strides = array<i32>} : memref<128x80xf32, #tpu.memory_space<vmem>>, vector<16xf32>,
        %add3A_504 = arith.constant 10 : i32
        %add3A_505 = arith.addi %add3A_116, %add3A_504 : i32
        %broadcast_in_dim3A_506 = vector.broadcast %add3A_505 : i32 to vector<16xi32>
        %gather3A_507 = tpu.vector_load_idx %arg9[%broadcast_in_dim3A_506] : memref<6400xf32, #tpu.memory_space<vmem>>[vector<16xi32>], vector<16xf32>,
        %mul3A_508 = arith.constant 16 : i32
        %mul3A_509 = arith.muli %add3A_111, %mul3A_508 : i32
        %add3A_510 = arith.constant 10 : i32
        %add3A_511 = arith.addi %mul3A_509, %add3A_510 : i32
        %get3A_512 = arith.index_cast %add3A_511 : i32 to index
        %get3A_513 = arith.constant 0 : index
        %get3A_514 = tpu.vector_load %arg10[%get3A_512, %get3A_513] {strides = array<i32>} : memref<128x64xf32, #tpu.memory_space<vmem>>, vector<16xf32>,
        %mul3A_515 = arith.mulf %get3A_514, %gather3A_507 : vector<16xf32>
        %swap3A_516 = arith.index_cast %add3A_511 : i32 to index
        %swap3A_517 = arith.constant 0 : index
        %swap3A_518 = tpu.vector_load %arg12[%swap3A_516, %swap3A_517] {strides = array<i32>} : memref<128x80xf32, #tpu.memory_space<vmem>>, vector<16xf32>,
        tpu.vector_store %arg12[%swap3A_516, %swap3A_517], %mul3A_515 {strides = array<i32>} : memref<128x80xf32, #tpu.memory_space<vmem>>, vector<16xf32>,
        %get3A_519 = arith.index_cast %add3A_511 : i32 to index
        %get3A_520 = arith.constant 16 : index
        %get3A_521 = tpu.vector_load %arg10[%get3A_519, %get3A_520] {strides = array<i32>} : memref<128x64xf32, #tpu.memory_space<vmem>>, vector<16xf32>,
        %mul3A_522 = arith.mulf %get3A_521, %gather3A_507 : vector<16xf32>
        %swap3A_523 = arith.index_cast %add3A_511 : i32 to index
        %swap3A_524 = arith.constant 16 : index
        %swap3A_525 = tpu.vector_load %arg12[%swap3A_523, %swap3A_524] {strides = array<i32>} : memref<128x80xf32, #tpu.memory_space<vmem>>, vector<16xf32>,
        tpu.vector_store %arg12[%swap3A_523, %swap3A_524], %mul3A_522 {strides = array<i32>} : memref<128x80xf32, #tpu.memory_space<vmem>>, vector<16xf32>,
        %get3A_526 = arith.index_cast %add3A_511 : i32 to index
        %get3A_527 = arith.constant 32 : index
        %get3A_528 = tpu.vector_load %arg10[%get3A_526, %get3A_527] {strides = array<i32>} : memref<128x64xf32, #tpu.memory_space<vmem>>, vector<16xf32>,
        %mul3A_529 = arith.mulf %get3A_528, %gather3A_507 : vector<16xf32>
        %swap3A_530 = arith.index_cast %add3A_511 : i32 to index
        %swap3A_531 = arith.constant 32 : index
        %swap3A_532 = tpu.vector_load %arg12[%swap3A_530, %swap3A_531] {strides = array<i32>} : memref<128x80xf32, #tpu.memory_space<vmem>>, vector<16xf32>,
        tpu.vector_store %arg12[%swap3A_530, %swap3A_531], %mul3A_529 {strides = array<i32>} : memref<128x80xf32, #tpu.memory_space<vmem>>, vector<16xf32>,
        %get3A_533 = arith.index_cast %add3A_511 : i32 to index
        %get3A_534 = arith.constant 48 : index
        %get3A_535 = tpu.vector_load %arg10[%get3A_533, %get3A_534] {strides = array<i32>} : memref<128x64xf32, #tpu.memory_space<vmem>>, vector<16xf32>,
        %mul3A_536 = arith.mulf %get3A_535, %gather3A_507 : vector<16xf32>
        %swap3A_537 = arith.index_cast %add3A_511 : i32 to index
        %swap3A_538 = arith.constant 48 : index
        %swap3A_539 = tpu.vector_load %arg12[%swap3A_537, %swap3A_538] {strides = array<i32>} : memref<128x80xf32, #tpu.memory_space<vmem>>, vector<16xf32>,
        tpu.vector_store %arg12[%swap3A_537, %swap3A_538], %mul3A_536 {strides = array<i32>} : memref<128x80xf32, #tpu.memory_space<vmem>>, vector<16xf32>,
        %swap3A_540 = arith.index_cast %add3A_511 : i32 to index
        %swap3A_541 = arith.constant 64 : index
        %swap3A_542 = tpu.vector_load %arg12[%swap3A_540, %swap3A_541] {strides = array<i32>} : memref<128x80xf32, #tpu.memory_space<vmem>>, vector<16xf32>,
        tpu.vector_store %arg12[%swap3A_540, %swap3A_541], %gather3A_507 {strides = array<i32>} : memref<128x80xf32, #tpu.memory_space<vmem>>, vector<16xf32>,
        %add3A_543 = arith.constant 11 : i32
        %add3A_544 = arith.addi %add3A_116, %add3A_543 : i32
        %broadcast_in_dim3A_545 = vector.broadcast %add3A_544 : i32 to vector<16xi32>
        %gather3A_546 = tpu.vector_load_idx %arg9[%broadcast_in_dim3A_545] : memref<6400xf32, #tpu.memory_space<vmem>>[vector<16xi32>], vector<16xf32>,
        %mul3A_547 = arith.constant 16 : i32
        %mul3A_548 = arith.muli %add3A_111, %mul3A_547 : i32
        %add3A_549 = arith.constant 11 : i32
        %add3A_550 = arith.addi %mul3A_548, %add3A_549 : i32
        %get3A_551 = arith.index_cast %add3A_550 : i32 to index
        %get3A_552 = arith.constant 0 : index
        %get3A_553 = tpu.vector_load %arg10[%get3A_551, %get3A_552] {strides = array<i32>} : memref<128x64xf32, #tpu.memory_space<vmem>>, vector<16xf32>,
        %mul3A_554 = arith.mulf %get3A_553, %gather3A_546 : vector<16xf32>
        %swap3A_555 = arith.index_cast %add3A_550 : i32 to index
        %swap3A_556 = arith.constant 0 : index
        %swap3A_557 = tpu.vector_load %arg12[%swap3A_555, %swap3A_556] {strides = array<i32>} : memref<128x80xf32, #tpu.memory_space<vmem>>, vector<16xf32>,
        tpu.vector_store %arg12[%swap3A_555, %swap3A_556], %mul3A_554 {strides = array<i32>} : memref<128x80xf32, #tpu.memory_space<vmem>>, vector<16xf32>,
        %get3A_558 = arith.index_cast %add3A_550 : i32 to index
        %get3A_559 = arith.constant 16 : index
        %get3A_560 = tpu.vector_load %arg10[%get3A_558, %get3A_559] {strides = array<i32>} : memref<128x64xf32, #tpu.memory_space<vmem>>, vector<16xf32>,
        %mul3A_561 = arith.mulf %get3A_560, %gather3A_546 : vector<16xf32>
        %swap3A_562 = arith.index_cast %add3A_550 : i32 to index
        %swap3A_563 = arith.constant 16 : index
        %swap3A_564 = tpu.vector_load %arg12[%swap3A_562, %swap3A_563] {strides = array<i32>} : memref<128x80xf32, #tpu.memory_space<vmem>>, vector<16xf32>,
        tpu.vector_store %arg12[%swap3A_562, %swap3A_563], %mul3A_561 {strides = array<i32>} : memref<128x80xf32, #tpu.memory_space<vmem>>, vector<16xf32>,
        %get3A_565 = arith.index_cast %add3A_550 : i32 to index
        %get3A_566 = arith.constant 32 : index
        %get3A_567 = tpu.vector_load %arg10[%get3A_565, %get3A_566] {strides = array<i32>} : memref<128x64xf32, #tpu.memory_space<vmem>>, vector<16xf32>,
        %mul3A_568 = arith.mulf %get3A_567, %gather3A_546 : vector<16xf32>
        %swap3A_569 = arith.index_cast %add3A_550 : i32 to index
        %swap3A_570 = arith.constant 32 : index
        %swap3A_571 = tpu.vector_load %arg12[%swap3A_569, %swap3A_570] {strides = array<i32>} : memref<128x80xf32, #tpu.memory_space<vmem>>, vector<16xf32>,
        tpu.vector_store %arg12[%swap3A_569, %swap3A_570], %mul3A_568 {strides = array<i32>} : memref<128x80xf32, #tpu.memory_space<vmem>>, vector<16xf32>,
        %get3A_572 = arith.index_cast %add3A_550 : i32 to index
        %get3A_573 = arith.constant 48 : index
        %get3A_574 = tpu.vector_load %arg10[%get3A_572, %get3A_573] {strides = array<i32>} : memref<128x64xf32, #tpu.memory_space<vmem>>, vector<16xf32>,
        %mul3A_575 = arith.mulf %get3A_574, %gather3A_546 : vector<16xf32>
        %swap3A_576 = arith.index_cast %add3A_550 : i32 to index
        %swap3A_577 = arith.constant 48 : index
        %swap3A_578 = tpu.vector_load %arg12[%swap3A_576, %swap3A_577] {strides = array<i32>} : memref<128x80xf32, #tpu.memory_space<vmem>>, vector<16xf32>,
        tpu.vector_store %arg12[%swap3A_576, %swap3A_577], %mul3A_575 {strides = array<i32>} : memref<128x80xf32, #tpu.memory_space<vmem>>, vector<16xf32>,
        %swap3A_579 = arith.index_cast %add3A_550 : i32 to index
        %swap3A_580 = arith.constant 64 : index
        %swap3A_581 = tpu.vector_load %arg12[%swap3A_579, %swap3A_580] {strides = array<i32>} : memref<128x80xf32, #tpu.memory_space<vmem>>, vector<16xf32>,
        tpu.vector_store %arg12[%swap3A_579, %swap3A_580], %gather3A_546 {strides = array<i32>} : memref<128x80xf32, #tpu.memory_space<vmem>>, vector<16xf32>,
        %add3A_582 = arith.constant 12 : i32
        %add3A_583 = arith.addi %add3A_116, %add3A_582 : i32
        %broadcast_in_dim3A_584 = vector.broadcast %add3A_583 : i32 to vector<16xi32>
        %gather3A_585 = tpu.vector_load_idx %arg9[%broadcast_in_dim3A_584] : memref<6400xf32, #tpu.memory_space<vmem>>[vector<16xi32>], vector<16xf32>,
        %mul3A_586 = arith.constant 16 : i32
        %mul3A_587 = arith.muli %add3A_111, %mul3A_586 : i32
        %add3A_588 = arith.constant 12 : i32
        %add3A_589 = arith.addi %mul3A_587, %add3A_588 : i32
        %get3A_590 = arith.index_cast %add3A_589 : i32 to index
        %get3A_591 = arith.constant 0 : index
        %get3A_592 = tpu.vector_load %arg10[%get3A_590, %get3A_591] {strides = array<i32>} : memref<128x64xf32, #tpu.memory_space<vmem>>, vector<16xf32>,
        %mul3A_593 = arith.mulf %get3A_592, %gather3A_585 : vector<16xf32>
        %swap3A_594 = arith.index_cast %add3A_589 : i32 to index
        %swap3A_595 = arith.constant 0 : index
        %swap3A_596 = tpu.vector_load %arg12[%swap3A_594, %swap3A_595] {strides = array<i32>} : memref<128x80xf32, #tpu.memory_space<vmem>>, vector<16xf32>,
        tpu.vector_store %arg12[%swap3A_594, %swap3A_595], %mul3A_593 {strides = array<i32>} : memref<128x80xf32, #tpu.memory_space<vmem>>, vector<16xf32>,
        %get3A_597 = arith.index_cast %add3A_589 : i32 to index
        %get3A_598 = arith.constant 16 : index
        %get3A_599 = tpu.vector_load %arg10[%get3A_597, %get3A_598] {strides = array<i32>} : memref<128x64xf32, #tpu.memory_space<vmem>>, vector<16xf32>,
        %mul3A_600 = arith.mulf %get3A_599, %gather3A_585 : vector<16xf32>
        %swap3A_601 = arith.index_cast %add3A_589 : i32 to index
        %swap3A_602 = arith.constant 16 : index
        %swap3A_603 = tpu.vector_load %arg12[%swap3A_601, %swap3A_602] {strides = array<i32>} : memref<128x80xf32, #tpu.memory_space<vmem>>, vector<16xf32>,
        tpu.vector_store %arg12[%swap3A_601, %swap3A_602], %mul3A_600 {strides = array<i32>} : memref<128x80xf32, #tpu.memory_space<vmem>>, vector<16xf32>,
        %get3A_604 = arith.index_cast %add3A_589 : i32 to index
        %get3A_605 = arith.constant 32 : index
        %get3A_606 = tpu.vector_load %arg10[%get3A_604, %get3A_605] {strides = array<i32>} : memref<128x64xf32, #tpu.memory_space<vmem>>, vector<16xf32>,
        %mul3A_607 = arith.mulf %get3A_606, %gather3A_585 : vector<16xf32>
        %swap3A_608 = arith.index_cast %add3A_589 : i32 to index
        %swap3A_609 = arith.constant 32 : index
        %swap3A_610 = tpu.vector_load %arg12[%swap3A_608, %swap3A_609] {strides = array<i32>} : memref<128x80xf32, #tpu.memory_space<vmem>>, vector<16xf32>,
        tpu.vector_store %arg12[%swap3A_608, %swap3A_609], %mul3A_607 {strides = array<i32>} : memref<128x80xf32, #tpu.memory_space<vmem>>, vector<16xf32>,
        %get3A_611 = arith.index_cast %add3A_589 : i32 to index
        %get3A_612 = arith.constant 48 : index
        %get3A_613 = tpu.vector_load %arg10[%get3A_611, %get3A_612] {strides = array<i32>} : memref<128x64xf32, #tpu.memory_space<vmem>>, vector<16xf32>,
        %mul3A_614 = arith.mulf %get3A_613, %gather3A_585 : vector<16xf32>
        %swap3A_615 = arith.index_cast %add3A_589 : i32 to index
        %swap3A_616 = arith.constant 48 : index
        %swap3A_617 = tpu.vector_load %arg12[%swap3A_615, %swap3A_616] {strides = array<i32>} : memref<128x80xf32, #tpu.memory_space<vmem>>, vector<16xf32>,
        tpu.vector_store %arg12[%swap3A_615, %swap3A_616], %mul3A_614 {strides = array<i32>} : memref<128x80xf32, #tpu.memory_space<vmem>>, vector<16xf32>,
        %swap3A_618 = arith.index_cast %add3A_589 : i32 to index
        %swap3A_619 = arith.constant 64 : index
        %swap3A_620 = tpu.vector_load %arg12[%swap3A_618, %swap3A_619] {strides = array<i32>} : memref<128x80xf32, #tpu.memory_space<vmem>>, vector<16xf32>,
        tpu.vector_store %arg12[%swap3A_618, %swap3A_619], %gather3A_585 {strides = array<i32>} : memref<128x80xf32, #tpu.memory_space<vmem>>, vector<16xf32>,
        %add3A_621 = arith.constant 13 : i32
        %add3A_622 = arith.addi %add3A_116, %add3A_621 : i32
        %broadcast_in_dim3A_623 = vector.broadcast %add3A_622 : i32 to vector<16xi32>
        %gather3A_624 = tpu.vector_load_idx %arg9[%broadcast_in_dim3A_623] : memref<6400xf32, #tpu.memory_space<vmem>>[vector<16xi32>], vector<16xf32>,
        %mul3A_625 = arith.constant 16 : i32
        %mul3A_626 = arith.muli %add3A_111, %mul3A_625 : i32
        %add3A_627 = arith.constant 13 : i32
        %add3A_628 = arith.addi %mul3A_626, %add3A_627 : i32
        %get3A_629 = arith.index_cast %add3A_628 : i32 to index
        %get3A_630 = arith.constant 0 : index
        %get3A_631 = tpu.vector_load %arg10[%get3A_629, %get3A_630] {strides = array<i32>} : memref<128x64xf32, #tpu.memory_space<vmem>>, vector<16xf32>,
        %mul3A_632 = arith.mulf %get3A_631, %gather3A_624 : vector<16xf32>
        %swap3A_633 = arith.index_cast %add3A_628 : i32 to index
        %swap3A_634 = arith.constant 0 : index
        %swap3A_635 = tpu.vector_load %arg12[%swap3A_633, %swap3A_634] {strides = array<i32>} : memref<128x80xf32, #tpu.memory_space<vmem>>, vector<16xf32>,
        tpu.vector_store %arg12[%swap3A_633, %swap3A_634], %mul3A_632 {strides = array<i32>} : memref<128x80xf32, #tpu.memory_space<vmem>>, vector<16xf32>,
        %get3A_636 = arith.index_cast %add3A_628 : i32 to index
        %get3A_637 = arith.constant 16 : index
        %get3A_638 = tpu.vector_load %arg10[%get3A_636, %get3A_637] {strides = array<i32>} : memref<128x64xf32, #tpu.memory_space<vmem>>, vector<16xf32>,
        %mul3A_639 = arith.mulf %get3A_638, %gather3A_624 : vector<16xf32>
        %swap3A_640 = arith.index_cast %add3A_628 : i32 to index
        %swap3A_641 = arith.constant 16 : index
        %swap3A_642 = tpu.vector_load %arg12[%swap3A_640, %swap3A_641] {strides = array<i32>} : memref<128x80xf32, #tpu.memory_space<vmem>>, vector<16xf32>,
        tpu.vector_store %arg12[%swap3A_640, %swap3A_641], %mul3A_639 {strides = array<i32>} : memref<128x80xf32, #tpu.memory_space<vmem>>, vector<16xf32>,
        %get3A_643 = arith.index_cast %add3A_628 : i32 to index
        %get3A_644 = arith.constant 32 : index
        %get3A_645 = tpu.vector_load %arg10[%get3A_643, %get3A_644] {strides = array<i32>} : memref<128x64xf32, #tpu.memory_space<vmem>>, vector<16xf32>,
        %mul3A_646 = arith.mulf %get3A_645, %gather3A_624 : vector<16xf32>
        %swap3A_647 = arith.index_cast %add3A_628 : i32 to index
        %swap3A_648 = arith.constant 32 : index
        %swap3A_649 = tpu.vector_load %arg12[%swap3A_647, %swap3A_648] {strides = array<i32>} : memref<128x80xf32, #tpu.memory_space<vmem>>, vector<16xf32>,
        tpu.vector_store %arg12[%swap3A_647, %swap3A_648], %mul3A_646 {strides = array<i32>} : memref<128x80xf32, #tpu.memory_space<vmem>>, vector<16xf32>,
        %get3A_650 = arith.index_cast %add3A_628 : i32 to index
        %get3A_651 = arith.constant 48 : index
        %get3A_652 = tpu.vector_load %arg10[%get3A_650, %get3A_651] {strides = array<i32>} : memref<128x64xf32, #tpu.memory_space<vmem>>, vector<16xf32>,
        %mul3A_653 = arith.mulf %get3A_652, %gather3A_624 : vector<16xf32>
        %swap3A_654 = arith.index_cast %add3A_628 : i32 to index
        %swap3A_655 = arith.constant 48 : index
        %swap3A_656 = tpu.vector_load %arg12[%swap3A_654, %swap3A_655] {strides = array<i32>} : memref<128x80xf32, #tpu.memory_space<vmem>>, vector<16xf32>,
        tpu.vector_store %arg12[%swap3A_654, %swap3A_655], %mul3A_653 {strides = array<i32>} : memref<128x80xf32, #tpu.memory_space<vmem>>, vector<16xf32>,
        %swap3A_657 = arith.index_cast %add3A_628 : i32 to index
        %swap3A_658 = arith.constant 64 : index
        %swap3A_659 = tpu.vector_load %arg12[%swap3A_657, %swap3A_658] {strides = array<i32>} : memref<128x80xf32, #tpu.memory_space<vmem>>, vector<16xf32>,
        tpu.vector_store %arg12[%swap3A_657, %swap3A_658], %gather3A_624 {strides = array<i32>} : memref<128x80xf32, #tpu.memory_space<vmem>>, vector<16xf32>,
        %add3A_660 = arith.constant 14 : i32
        %add3A_661 = arith.addi %add3A_116, %add3A_660 : i32
        %broadcast_in_dim3A_662 = vector.broadcast %add3A_661 : i32 to vector<16xi32>
        %gather3A_663 = tpu.vector_load_idx %arg9[%broadcast_in_dim3A_662] : memref<6400xf32, #tpu.memory_space<vmem>>[vector<16xi32>], vector<16xf32>,
        %mul3A_664 = arith.constant 16 : i32
        %mul3A_665 = arith.muli %add3A_111, %mul3A_664 : i32
        %add3A_666 = arith.constant 14 : i32
        %add3A_667 = arith.addi %mul3A_665, %add3A_666 : i32
        %get3A_668 = arith.index_cast %add3A_667 : i32 to index
        %get3A_669 = arith.constant 0 : index
        %get3A_670 = tpu.vector_load %arg10[%get3A_668, %get3A_669] {strides = array<i32>} : memref<128x64xf32, #tpu.memory_space<vmem>>, vector<16xf32>,
        %mul3A_671 = arith.mulf %get3A_670, %gather3A_663 : vector<16xf32>
        %swap3A_672 = arith.index_cast %add3A_667 : i32 to index
        %swap3A_673 = arith.constant 0 : index
        %swap3A_674 = tpu.vector_load %arg12[%swap3A_672, %swap3A_673] {strides = array<i32>} : memref<128x80xf32, #tpu.memory_space<vmem>>, vector<16xf32>,
        tpu.vector_store %arg12[%swap3A_672, %swap3A_673], %mul3A_671 {strides = array<i32>} : memref<128x80xf32, #tpu.memory_space<vmem>>, vector<16xf32>,
        %get3A_675 = arith.index_cast %add3A_667 : i32 to index
        %get3A_676 = arith.constant 16 : index
        %get3A_677 = tpu.vector_load %arg10[%get3A_675, %get3A_676] {strides = array<i32>} : memref<128x64xf32, #tpu.memory_space<vmem>>, vector<16xf32>,
        %mul3A_678 = arith.mulf %get3A_677, %gather3A_663 : vector<16xf32>
        %swap3A_679 = arith.index_cast %add3A_667 : i32 to index
        %swap3A_680 = arith.constant 16 : index
        %swap3A_681 = tpu.vector_load %arg12[%swap3A_679, %swap3A_680] {strides = array<i32>} : memref<128x80xf32, #tpu.memory_space<vmem>>, vector<16xf32>,
        tpu.vector_store %arg12[%swap3A_679, %swap3A_680], %mul3A_678 {strides = array<i32>} : memref<128x80xf32, #tpu.memory_space<vmem>>, vector<16xf32>,
        %get3A_682 = arith.index_cast %add3A_667 : i32 to index
        %get3A_683 = arith.constant 32 : index
        %get3A_684 = tpu.vector_load %arg10[%get3A_682, %get3A_683] {strides = array<i32>} : memref<128x64xf32, #tpu.memory_space<vmem>>, vector<16xf32>,
        %mul3A_685 = arith.mulf %get3A_684, %gather3A_663 : vector<16xf32>
        %swap3A_686 = arith.index_cast %add3A_667 : i32 to index
        %swap3A_687 = arith.constant 32 : index
        %swap3A_688 = tpu.vector_load %arg12[%swap3A_686, %swap3A_687] {strides = array<i32>} : memref<128x80xf32, #tpu.memory_space<vmem>>, vector<16xf32>,
        tpu.vector_store %arg12[%swap3A_686, %swap3A_687], %mul3A_685 {strides = array<i32>} : memref<128x80xf32, #tpu.memory_space<vmem>>, vector<16xf32>,
        %get3A_689 = arith.index_cast %add3A_667 : i32 to index
        %get3A_690 = arith.constant 48 : index
        %get3A_691 = tpu.vector_load %arg10[%get3A_689, %get3A_690] {strides = array<i32>} : memref<128x64xf32, #tpu.memory_space<vmem>>, vector<16xf32>,
        %mul3A_692 = arith.mulf %get3A_691, %gather3A_663 : vector<16xf32>
        %swap3A_693 = arith.index_cast %add3A_667 : i32 to index
        %swap3A_694 = arith.constant 48 : index
        %swap3A_695 = tpu.vector_load %arg12[%swap3A_693, %swap3A_694] {strides = array<i32>} : memref<128x80xf32, #tpu.memory_space<vmem>>, vector<16xf32>,
        tpu.vector_store %arg12[%swap3A_693, %swap3A_694], %mul3A_692 {strides = array<i32>} : memref<128x80xf32, #tpu.memory_space<vmem>>, vector<16xf32>,
        %swap3A_696 = arith.index_cast %add3A_667 : i32 to index
        %swap3A_697 = arith.constant 64 : index
        %swap3A_698 = tpu.vector_load %arg12[%swap3A_696, %swap3A_697] {strides = array<i32>} : memref<128x80xf32, #tpu.memory_space<vmem>>, vector<16xf32>,
        tpu.vector_store %arg12[%swap3A_696, %swap3A_697], %gather3A_663 {strides = array<i32>} : memref<128x80xf32, #tpu.memory_space<vmem>>, vector<16xf32>,
        %add3A_699 = arith.constant 15 : i32
        %add3A_700 = arith.addi %add3A_116, %add3A_699 : i32
        %broadcast_in_dim3A_701 = vector.broadcast %add3A_700 : i32 to vector<16xi32>
        %gather3A_702 = tpu.vector_load_idx %arg9[%broadcast_in_dim3A_701] : memref<6400xf32, #tpu.memory_space<vmem>>[vector<16xi32>], vector<16xf32>,
        %mul3A_703 = arith.constant 16 : i32
        %mul3A_704 = arith.muli %add3A_111, %mul3A_703 : i32
        %add3A_705 = arith.constant 15 : i32
        %add3A_706 = arith.addi %mul3A_704, %add3A_705 : i32
        %get3A_707 = arith.index_cast %add3A_706 : i32 to index
        %get3A_708 = arith.constant 0 : index
        %get3A_709 = tpu.vector_load %arg10[%get3A_707, %get3A_708] {strides = array<i32>} : memref<128x64xf32, #tpu.memory_space<vmem>>, vector<16xf32>,
        %mul3A_710 = arith.mulf %get3A_709, %gather3A_702 : vector<16xf32>
        %swap3A_711 = arith.index_cast %add3A_706 : i32 to index
        %swap3A_712 = arith.constant 0 : index
        %swap3A_713 = tpu.vector_load %arg12[%swap3A_711, %swap3A_712] {strides = array<i32>} : memref<128x80xf32, #tpu.memory_space<vmem>>, vector<16xf32>,
        tpu.vector_store %arg12[%swap3A_711, %swap3A_712], %mul3A_710 {strides = array<i32>} : memref<128x80xf32, #tpu.memory_space<vmem>>, vector<16xf32>,
        %get3A_714 = arith.index_cast %add3A_706 : i32 to index
        %get3A_715 = arith.constant 16 : index
        %get3A_716 = tpu.vector_load %arg10[%get3A_714, %get3A_715] {strides = array<i32>} : memref<128x64xf32, #tpu.memory_space<vmem>>, vector<16xf32>,
        %mul3A_717 = arith.mulf %get3A_716, %gather3A_702 : vector<16xf32>
        %swap3A_718 = arith.index_cast %add3A_706 : i32 to index
        %swap3A_719 = arith.constant 16 : index
        %swap3A_720 = tpu.vector_load %arg12[%swap3A_718, %swap3A_719] {strides = array<i32>} : memref<128x80xf32, #tpu.memory_space<vmem>>, vector<16xf32>,
        tpu.vector_store %arg12[%swap3A_718, %swap3A_719], %mul3A_717 {strides = array<i32>} : memref<128x80xf32, #tpu.memory_space<vmem>>, vector<16xf32>,
        %get3A_721 = arith.index_cast %add3A_706 : i32 to index
        %get3A_722 = arith.constant 32 : index
        %get3A_723 = tpu.vector_load %arg10[%get3A_721, %get3A_722] {strides = array<i32>} : memref<128x64xf32, #tpu.memory_space<vmem>>, vector<16xf32>,
        %mul3A_724 = arith.mulf %get3A_723, %gather3A_702 : vector<16xf32>
        %swap3A_725 = arith.index_cast %add3A_706 : i32 to index
        %swap3A_726 = arith.constant 32 : index
        %swap3A_727 = tpu.vector_load %arg12[%swap3A_725, %swap3A_726] {strides = array<i32>} : memref<128x80xf32, #tpu.memory_space<vmem>>, vector<16xf32>,
        tpu.vector_store %arg12[%swap3A_725, %swap3A_726], %mul3A_724 {strides = array<i32>} : memref<128x80xf32, #tpu.memory_space<vmem>>, vector<16xf32>,
        %get3A_728 = arith.index_cast %add3A_706 : i32 to index
        %get3A_729 = arith.constant 48 : index
        %get3A_730 = tpu.vector_load %arg10[%get3A_728, %get3A_729] {strides = array<i32>} : memref<128x64xf32, #tpu.memory_space<vmem>>, vector<16xf32>,
        %mul3A_731 = arith.mulf %get3A_730, %gather3A_702 : vector<16xf32>
        %swap3A_732 = arith.index_cast %add3A_706 : i32 to index
        %swap3A_733 = arith.constant 48 : index
        %swap3A_734 = tpu.vector_load %arg12[%swap3A_732, %swap3A_733] {strides = array<i32>} : memref<128x80xf32, #tpu.memory_space<vmem>>, vector<16xf32>,
        tpu.vector_store %arg12[%swap3A_732, %swap3A_733], %mul3A_731 {strides = array<i32>} : memref<128x80xf32, #tpu.memory_space<vmem>>, vector<16xf32>,
        %swap3A_735 = arith.index_cast %add3A_706 : i32 to index
        %swap3A_736 = arith.constant 64 : index
        %swap3A_737 = tpu.vector_load %arg12[%swap3A_735, %swap3A_736] {strides = array<i32>} : memref<128x80xf32, #tpu.memory_space<vmem>>, vector<16xf32>,
        tpu.vector_store %arg12[%swap3A_735, %swap3A_736], %gather3A_702 {strides = array<i32>} : memref<128x80xf32, #tpu.memory_space<vmem>>, vector<16xf32>,
      }
      %scan3A_65 = arith.constant 8 : i32
      %lt3A = arith.constant 50 : i32
      %lt3A_66 = arith.cmpi slt, %add3A_52, %lt3A : i32
      %convert_element_type3A_67 = arith.extui %lt3A_66 : i1 to i32
      %cond3A_68 = arith.constant 0 : i32
      %cond3A_69 = arith.cmpi ne, %convert_element_type3A_67, %cond3A_68 : i32
      scf.if %cond3A_69 {
        %mul3A_107 = arith.constant 128 : i32
        %mul3A_108 = arith.muli %add3A_52, %mul3A_107 : i32
        %dma_start3A_109 = tpu.memref_slice %arg7[%mul3A_108] : memref<6400xi32, #tpu.memory_space<vmem>> -> memref<128xi32, #tpu.memory_space<vmem>>
        %dma_start3A_110 = arith.constant 0 : i32
        %dma_start3A_111 = arith.constant 0 : i32
        %dma_start3A_112 = tpu.memref_slice %arg5[%dma_start3A_110, %dma_start3A_111] : memref<100000x64xf32, #tpu.memory_space<hbm>> -> memref<100000x64xf32, #tpu.memory_space<hbm>>
        tpu.enqueue_indirect_dma source(%dma_start3A_112 : memref<100000x64xf32, #tpu.memory_space<hbm>>) target(%arg10 : memref<128x64xf32, #tpu.memory_space<vmem>>) offsets(%dma_start3A_109 : memref<128xi32, #tpu.memory_space<vmem>>) semaphore(%arg16 : memref<!tpu.dma_semaphore, #tpu.memory_space<semaphore_mem>>)
      } else {
      }
      %dma_start3A_70 = arith.constant 0 : i32
      %dma_start3A_71 = tpu.memref_slice %arg8[%add3A_50, %dma_start3A_70] : memref<50x128xi32, #tpu.memory_space<vmem>> -> memref<1x128xi32, #tpu.memory_space<vmem>>
      %dma_start3A_72 = tpu.memref_squeeze %dma_start3A_71 : memref<1x128xi32, #tpu.memory_space<vmem>> -> memref<128xi32, #tpu.memory_space<vmem>>
      %dma_start3A_73 = arith.constant 0 : i32
      %dma_start3A_74 = arith.constant 0 : i32
      %dma_start3A_75 = tpu.memref_slice %arg15[%dma_start3A_73, %dma_start3A_74] : memref<4096x80xf32, #tpu.memory_space<vmem_shared>> -> memref<4096x80xf32, #tpu.memory_space<vmem_shared>>
      tpu.enqueue_indirect_dma source(%arg12 : memref<128x80xf32, #tpu.memory_space<vmem>>) target(%dma_start3A_75 : memref<4096x80xf32, #tpu.memory_space<vmem_shared>>) offsets(%dma_start3A_72 : memref<128xi32, #tpu.memory_space<vmem>>) semaphore(%arg18 : memref<!tpu.dma_semaphore, #tpu.memory_space<semaphore_mem>>) {add = true}
      %add3A_76 = arith.constant 1 : i32
      %add3A_77 = arith.addi %add3A_48, %add3A_76 : i32
      %add3A_78 = arith.constant 2 : i32
      %add3A_79 = arith.addi %add3A_77, %add3A_78 : i32
      %mul3A_80 = arith.constant 128 : i32
      %mul3A_81 = arith.muli %add3A_77, %mul3A_80 : i32
      %dma_wait3A_82 = tpu.memref_slice %arg7[%mul3A_81] : memref<6400xi32, #tpu.memory_space<vmem>> -> memref<128xi32, #tpu.memory_space<vmem>>
      %dma_wait3A_83 = arith.constant 0 : i32
      %dma_wait3A_84 = arith.constant 0 : i32
      %dma_wait3A_85 = tpu.memref_slice %arg5[%dma_wait3A_83, %dma_wait3A_84] : memref<100000x64xf32, #tpu.memory_space<hbm>> -> memref<100000x64xf32, #tpu.memory_space<hbm>>
      tpu.wait_indirect_dma semaphore(%arg17 : memref<!tpu.dma_semaphore, #tpu.memory_space<semaphore_mem>>) src(%dma_wait3A_85 : memref<100000x64xf32, #tpu.memory_space<hbm>>) dst(%arg11 : memref<128x64xf32, #tpu.memory_space<vmem>>)
      %ge3A_86 = arith.constant 2 : i32
      %ge3A_87 = arith.cmpi sge, %add3A_77, %ge3A_86 : i32
      %convert_element_type3A_88 = arith.extui %ge3A_87 : i1 to i32
      %cond3A_89 = arith.constant 0 : i32
      %cond3A_90 = arith.cmpi ne, %convert_element_type3A_88, %cond3A_89 : i32
      scf.if %cond3A_90 {
        %sub3A = arith.constant 2 : i32
        %sub3A_107 = arith.subi %add3A_77, %sub3A : i32
        %dma_wait3A_108 = arith.constant 0 : i32
        %dma_wait3A_109 = tpu.memref_slice %arg8[%sub3A_107, %dma_wait3A_108] : memref<50x128xi32, #tpu.memory_space<vmem>> -> memref<1x128xi32, #tpu.memory_space<vmem>>
        %dma_wait3A_110 = tpu.memref_squeeze %dma_wait3A_109 : memref<1x128xi32, #tpu.memory_space<vmem>> -> memref<128xi32, #tpu.memory_space<vmem>>
        %dma_wait3A_111 = arith.constant 0 : i32
        %dma_wait3A_112 = arith.constant 0 : i32
        %dma_wait3A_113 = tpu.memref_slice %arg15[%dma_wait3A_111, %dma_wait3A_112] : memref<4096x80xf32, #tpu.memory_space<vmem_shared>> -> memref<4096x80xf32, #tpu.memory_space<vmem_shared>>
        tpu.wait_indirect_dma semaphore(%arg19 : memref<!tpu.dma_semaphore, #tpu.memory_space<semaphore_mem>>) src(%arg13 : memref<128x80xf32, #tpu.memory_space<vmem>>) dst(%dma_wait3A_113 : memref<4096x80xf32, #tpu.memory_space<vmem_shared>>)
      } else {
      }
      %scan3A_91 = arith.constant 0 : i32
      %scan3A_92 = arith.constant 8 : i32
      %scan3A_93 = arith.addi %scan3A_91, %scan3A_92 : i32
      %scan3A_94 = arith.constant 1 : i32
      scf.for %scan3A_107 = %scan3A_91 to %scan3A_93 step %scan3A_94  : i32 {
        %mul3A_108 = arith.constant 1 : i32
        %mul3A_109 = arith.muli %scan3A_107, %mul3A_108 : i32
        %add3A_110 = arith.constant 0 : i32
        %add3A_111 = arith.addi %add3A_110, %mul3A_109 : i32
        %mul3A_112 = arith.constant 128 : i32
        %mul3A_113 = arith.muli %add3A_77, %mul3A_112 : i32
        %mul3A_114 = arith.constant 16 : i32
        %mul3A_115 = arith.muli %add3A_111, %mul3A_114 : i32
        %add3A_116 = arith.addi %mul3A_113, %mul3A_115 : i32
        %add3A_117 = arith.constant 0 : i32
        %add3A_118 = arith.addi %add3A_116, %add3A_117 : i32
        %broadcast_in_dim3A_119 = vector.broadcast %add3A_118 : i32 to vector<16xi32>
        %gather3A = tpu.vector_load_idx %arg9[%broadcast_in_dim3A_119] : memref<6400xf32, #tpu.memory_space<vmem>>[vector<16xi32>], vector<16xf32>,
        %mul3A_120 = arith.constant 16 : i32
        %mul3A_121 = arith.muli %add3A_111, %mul3A_120 : i32
        %add3A_122 = arith.constant 0 : i32
        %add3A_123 = arith.addi %mul3A_121, %add3A_122 : i32
        %get3A = arith.index_cast %add3A_123 : i32 to index
        %get3A_124 = arith.constant 0 : index
        %get3A_125 = tpu.vector_load %arg11[%get3A, %get3A_124] {strides = array<i32>} : memref<128x64xf32, #tpu.memory_space<vmem>>, vector<16xf32>,
        %mul3A_126 = arith.mulf %get3A_125, %gather3A : vector<16xf32>
        %swap3A = arith.index_cast %add3A_123 : i32 to index
        %swap3A_127 = arith.constant 0 : index
        %swap3A_128 = tpu.vector_load %arg13[%swap3A, %swap3A_127] {strides = array<i32>} : memref<128x80xf32, #tpu.memory_space<vmem>>, vector<16xf32>,
        tpu.vector_store %arg13[%swap3A, %swap3A_127], %mul3A_126 {strides = array<i32>} : memref<128x80xf32, #tpu.memory_space<vmem>>, vector<16xf32>,
        %get3A_129 = arith.index_cast %add3A_123 : i32 to index
        %get3A_130 = arith.constant 16 : index
        %get3A_131 = tpu.vector_load %arg11[%get3A_129, %get3A_130] {strides = array<i32>} : memref<128x64xf32, #tpu.memory_space<vmem>>, vector<16xf32>,
        %mul3A_132 = arith.mulf %get3A_131, %gather3A : vector<16xf32>
        %swap3A_133 = arith.index_cast %add3A_123 : i32 to index
        %swap3A_134 = arith.constant 16 : index
        %swap3A_135 = tpu.vector_load %arg13[%swap3A_133, %swap3A_134] {strides = array<i32>} : memref<128x80xf32, #tpu.memory_space<vmem>>, vector<16xf32>,
        tpu.vector_store %arg13[%swap3A_133, %swap3A_134], %mul3A_132 {strides = array<i32>} : memref<128x80xf32, #tpu.memory_space<vmem>>, vector<16xf32>,
        %get3A_136 = arith.index_cast %add3A_123 : i32 to index
        %get3A_137 = arith.constant 32 : index
        %get3A_138 = tpu.vector_load %arg11[%get3A_136, %get3A_137] {strides = array<i32>} : memref<128x64xf32, #tpu.memory_space<vmem>>, vector<16xf32>,
        %mul3A_139 = arith.mulf %get3A_138, %gather3A : vector<16xf32>
        %swap3A_140 = arith.index_cast %add3A_123 : i32 to index
        %swap3A_141 = arith.constant 32 : index
        %swap3A_142 = tpu.vector_load %arg13[%swap3A_140, %swap3A_141] {strides = array<i32>} : memref<128x80xf32, #tpu.memory_space<vmem>>, vector<16xf32>,
        tpu.vector_store %arg13[%swap3A_140, %swap3A_141], %mul3A_139 {strides = array<i32>} : memref<128x80xf32, #tpu.memory_space<vmem>>, vector<16xf32>,
        %get3A_143 = arith.index_cast %add3A_123 : i32 to index
        %get3A_144 = arith.constant 48 : index
        %get3A_145 = tpu.vector_load %arg11[%get3A_143, %get3A_144] {strides = array<i32>} : memref<128x64xf32, #tpu.memory_space<vmem>>, vector<16xf32>,
        %mul3A_146 = arith.mulf %get3A_145, %gather3A : vector<16xf32>
        %swap3A_147 = arith.index_cast %add3A_123 : i32 to index
        %swap3A_148 = arith.constant 48 : index
        %swap3A_149 = tpu.vector_load %arg13[%swap3A_147, %swap3A_148] {strides = array<i32>} : memref<128x80xf32, #tpu.memory_space<vmem>>, vector<16xf32>,
        tpu.vector_store %arg13[%swap3A_147, %swap3A_148], %mul3A_146 {strides = array<i32>} : memref<128x80xf32, #tpu.memory_space<vmem>>, vector<16xf32>,
        %swap3A_150 = arith.index_cast %add3A_123 : i32 to index
        %swap3A_151 = arith.constant 64 : index
        %swap3A_152 = tpu.vector_load %arg13[%swap3A_150, %swap3A_151] {strides = array<i32>} : memref<128x80xf32, #tpu.memory_space<vmem>>, vector<16xf32>,
        tpu.vector_store %arg13[%swap3A_150, %swap3A_151], %gather3A {strides = array<i32>} : memref<128x80xf32, #tpu.memory_space<vmem>>, vector<16xf32>,
        %add3A_153 = arith.constant 1 : i32
        %add3A_154 = arith.addi %add3A_116, %add3A_153 : i32
        %broadcast_in_dim3A_155 = vector.broadcast %add3A_154 : i32 to vector<16xi32>
        %gather3A_156 = tpu.vector_load_idx %arg9[%broadcast_in_dim3A_155] : memref<6400xf32, #tpu.memory_space<vmem>>[vector<16xi32>], vector<16xf32>,
        %mul3A_157 = arith.constant 16 : i32
        %mul3A_158 = arith.muli %add3A_111, %mul3A_157 : i32
        %add3A_159 = arith.constant 1 : i32
        %add3A_160 = arith.addi %mul3A_158, %add3A_159 : i32
        %get3A_161 = arith.index_cast %add3A_160 : i32 to index
        %get3A_162 = arith.constant 0 : index
        %get3A_163 = tpu.vector_load %arg11[%get3A_161, %get3A_162] {strides = array<i32>} : memref<128x64xf32, #tpu.memory_space<vmem>>, vector<16xf32>,
        %mul3A_164 = arith.mulf %get3A_163, %gather3A_156 : vector<16xf32>
        %swap3A_165 = arith.index_cast %add3A_160 : i32 to index
        %swap3A_166 = arith.constant 0 : index
        %swap3A_167 = tpu.vector_load %arg13[%swap3A_165, %swap3A_166] {strides = array<i32>} : memref<128x80xf32, #tpu.memory_space<vmem>>, vector<16xf32>,
        tpu.vector_store %arg13[%swap3A_165, %swap3A_166], %mul3A_164 {strides = array<i32>} : memref<128x80xf32, #tpu.memory_space<vmem>>, vector<16xf32>,
        %get3A_168 = arith.index_cast %add3A_160 : i32 to index
        %get3A_169 = arith.constant 16 : index
        %get3A_170 = tpu.vector_load %arg11[%get3A_168, %get3A_169] {strides = array<i32>} : memref<128x64xf32, #tpu.memory_space<vmem>>, vector<16xf32>,
        %mul3A_171 = arith.mulf %get3A_170, %gather3A_156 : vector<16xf32>
        %swap3A_172 = arith.index_cast %add3A_160 : i32 to index
        %swap3A_173 = arith.constant 16 : index
        %swap3A_174 = tpu.vector_load %arg13[%swap3A_172, %swap3A_173] {strides = array<i32>} : memref<128x80xf32, #tpu.memory_space<vmem>>, vector<16xf32>,
        tpu.vector_store %arg13[%swap3A_172, %swap3A_173], %mul3A_171 {strides = array<i32>} : memref<128x80xf32, #tpu.memory_space<vmem>>, vector<16xf32>,
        %get3A_175 = arith.index_cast %add3A_160 : i32 to index
        %get3A_176 = arith.constant 32 : index
        %get3A_177 = tpu.vector_load %arg11[%get3A_175, %get3A_176] {strides = array<i32>} : memref<128x64xf32, #tpu.memory_space<vmem>>, vector<16xf32>,
        %mul3A_178 = arith.mulf %get3A_177, %gather3A_156 : vector<16xf32>
        %swap3A_179 = arith.index_cast %add3A_160 : i32 to index
        %swap3A_180 = arith.constant 32 : index
        %swap3A_181 = tpu.vector_load %arg13[%swap3A_179, %swap3A_180] {strides = array<i32>} : memref<128x80xf32, #tpu.memory_space<vmem>>, vector<16xf32>,
        tpu.vector_store %arg13[%swap3A_179, %swap3A_180], %mul3A_178 {strides = array<i32>} : memref<128x80xf32, #tpu.memory_space<vmem>>, vector<16xf32>,
        %get3A_182 = arith.index_cast %add3A_160 : i32 to index
        %get3A_183 = arith.constant 48 : index
        %get3A_184 = tpu.vector_load %arg11[%get3A_182, %get3A_183] {strides = array<i32>} : memref<128x64xf32, #tpu.memory_space<vmem>>, vector<16xf32>,
        %mul3A_185 = arith.mulf %get3A_184, %gather3A_156 : vector<16xf32>
        %swap3A_186 = arith.index_cast %add3A_160 : i32 to index
        %swap3A_187 = arith.constant 48 : index
        %swap3A_188 = tpu.vector_load %arg13[%swap3A_186, %swap3A_187] {strides = array<i32>} : memref<128x80xf32, #tpu.memory_space<vmem>>, vector<16xf32>,
        tpu.vector_store %arg13[%swap3A_186, %swap3A_187], %mul3A_185 {strides = array<i32>} : memref<128x80xf32, #tpu.memory_space<vmem>>, vector<16xf32>,
        %swap3A_189 = arith.index_cast %add3A_160 : i32 to index
        %swap3A_190 = arith.constant 64 : index
        %swap3A_191 = tpu.vector_load %arg13[%swap3A_189, %swap3A_190] {strides = array<i32>} : memref<128x80xf32, #tpu.memory_space<vmem>>, vector<16xf32>,
        tpu.vector_store %arg13[%swap3A_189, %swap3A_190], %gather3A_156 {strides = array<i32>} : memref<128x80xf32, #tpu.memory_space<vmem>>, vector<16xf32>,
        %add3A_192 = arith.constant 2 : i32
        %add3A_193 = arith.addi %add3A_116, %add3A_192 : i32
        %broadcast_in_dim3A_194 = vector.broadcast %add3A_193 : i32 to vector<16xi32>
        %gather3A_195 = tpu.vector_load_idx %arg9[%broadcast_in_dim3A_194] : memref<6400xf32, #tpu.memory_space<vmem>>[vector<16xi32>], vector<16xf32>,
        %mul3A_196 = arith.constant 16 : i32
        %mul3A_197 = arith.muli %add3A_111, %mul3A_196 : i32
        %add3A_198 = arith.constant 2 : i32
        %add3A_199 = arith.addi %mul3A_197, %add3A_198 : i32
        %get3A_200 = arith.index_cast %add3A_199 : i32 to index
        %get3A_201 = arith.constant 0 : index
        %get3A_202 = tpu.vector_load %arg11[%get3A_200, %get3A_201] {strides = array<i32>} : memref<128x64xf32, #tpu.memory_space<vmem>>, vector<16xf32>,
        %mul3A_203 = arith.mulf %get3A_202, %gather3A_195 : vector<16xf32>
        %swap3A_204 = arith.index_cast %add3A_199 : i32 to index
        %swap3A_205 = arith.constant 0 : index
        %swap3A_206 = tpu.vector_load %arg13[%swap3A_204, %swap3A_205] {strides = array<i32>} : memref<128x80xf32, #tpu.memory_space<vmem>>, vector<16xf32>,
        tpu.vector_store %arg13[%swap3A_204, %swap3A_205], %mul3A_203 {strides = array<i32>} : memref<128x80xf32, #tpu.memory_space<vmem>>, vector<16xf32>,
        %get3A_207 = arith.index_cast %add3A_199 : i32 to index
        %get3A_208 = arith.constant 16 : index
        %get3A_209 = tpu.vector_load %arg11[%get3A_207, %get3A_208] {strides = array<i32>} : memref<128x64xf32, #tpu.memory_space<vmem>>, vector<16xf32>,
        %mul3A_210 = arith.mulf %get3A_209, %gather3A_195 : vector<16xf32>
        %swap3A_211 = arith.index_cast %add3A_199 : i32 to index
        %swap3A_212 = arith.constant 16 : index
        %swap3A_213 = tpu.vector_load %arg13[%swap3A_211, %swap3A_212] {strides = array<i32>} : memref<128x80xf32, #tpu.memory_space<vmem>>, vector<16xf32>,
        tpu.vector_store %arg13[%swap3A_211, %swap3A_212], %mul3A_210 {strides = array<i32>} : memref<128x80xf32, #tpu.memory_space<vmem>>, vector<16xf32>,
        %get3A_214 = arith.index_cast %add3A_199 : i32 to index
        %get3A_215 = arith.constant 32 : index
        %get3A_216 = tpu.vector_load %arg11[%get3A_214, %get3A_215] {strides = array<i32>} : memref<128x64xf32, #tpu.memory_space<vmem>>, vector<16xf32>,
        %mul3A_217 = arith.mulf %get3A_216, %gather3A_195 : vector<16xf32>
        %swap3A_218 = arith.index_cast %add3A_199 : i32 to index
        %swap3A_219 = arith.constant 32 : index
        %swap3A_220 = tpu.vector_load %arg13[%swap3A_218, %swap3A_219] {strides = array<i32>} : memref<128x80xf32, #tpu.memory_space<vmem>>, vector<16xf32>,
        tpu.vector_store %arg13[%swap3A_218, %swap3A_219], %mul3A_217 {strides = array<i32>} : memref<128x80xf32, #tpu.memory_space<vmem>>, vector<16xf32>,
        %get3A_221 = arith.index_cast %add3A_199 : i32 to index
        %get3A_222 = arith.constant 48 : index
        %get3A_223 = tpu.vector_load %arg11[%get3A_221, %get3A_222] {strides = array<i32>} : memref<128x64xf32, #tpu.memory_space<vmem>>, vector<16xf32>,
        %mul3A_224 = arith.mulf %get3A_223, %gather3A_195 : vector<16xf32>
        %swap3A_225 = arith.index_cast %add3A_199 : i32 to index
        %swap3A_226 = arith.constant 48 : index
        %swap3A_227 = tpu.vector_load %arg13[%swap3A_225, %swap3A_226] {strides = array<i32>} : memref<128x80xf32, #tpu.memory_space<vmem>>, vector<16xf32>,
        tpu.vector_store %arg13[%swap3A_225, %swap3A_226], %mul3A_224 {strides = array<i32>} : memref<128x80xf32, #tpu.memory_space<vmem>>, vector<16xf32>,
        %swap3A_228 = arith.index_cast %add3A_199 : i32 to index
        %swap3A_229 = arith.constant 64 : index
        %swap3A_230 = tpu.vector_load %arg13[%swap3A_228, %swap3A_229] {strides = array<i32>} : memref<128x80xf32, #tpu.memory_space<vmem>>, vector<16xf32>,
        tpu.vector_store %arg13[%swap3A_228, %swap3A_229], %gather3A_195 {strides = array<i32>} : memref<128x80xf32, #tpu.memory_space<vmem>>, vector<16xf32>,
        %add3A_231 = arith.constant 3 : i32
        %add3A_232 = arith.addi %add3A_116, %add3A_231 : i32
        %broadcast_in_dim3A_233 = vector.broadcast %add3A_232 : i32 to vector<16xi32>
        %gather3A_234 = tpu.vector_load_idx %arg9[%broadcast_in_dim3A_233] : memref<6400xf32, #tpu.memory_space<vmem>>[vector<16xi32>], vector<16xf32>,
        %mul3A_235 = arith.constant 16 : i32
        %mul3A_236 = arith.muli %add3A_111, %mul3A_235 : i32
        %add3A_237 = arith.constant 3 : i32
        %add3A_238 = arith.addi %mul3A_236, %add3A_237 : i32
        %get3A_239 = arith.index_cast %add3A_238 : i32 to index
        %get3A_240 = arith.constant 0 : index
        %get3A_241 = tpu.vector_load %arg11[%get3A_239, %get3A_240] {strides = array<i32>} : memref<128x64xf32, #tpu.memory_space<vmem>>, vector<16xf32>,
        %mul3A_242 = arith.mulf %get3A_241, %gather3A_234 : vector<16xf32>
        %swap3A_243 = arith.index_cast %add3A_238 : i32 to index
        %swap3A_244 = arith.constant 0 : index
        %swap3A_245 = tpu.vector_load %arg13[%swap3A_243, %swap3A_244] {strides = array<i32>} : memref<128x80xf32, #tpu.memory_space<vmem>>, vector<16xf32>,
        tpu.vector_store %arg13[%swap3A_243, %swap3A_244], %mul3A_242 {strides = array<i32>} : memref<128x80xf32, #tpu.memory_space<vmem>>, vector<16xf32>,
        %get3A_246 = arith.index_cast %add3A_238 : i32 to index
        %get3A_247 = arith.constant 16 : index
        %get3A_248 = tpu.vector_load %arg11[%get3A_246, %get3A_247] {strides = array<i32>} : memref<128x64xf32, #tpu.memory_space<vmem>>, vector<16xf32>,
        %mul3A_249 = arith.mulf %get3A_248, %gather3A_234 : vector<16xf32>
        %swap3A_250 = arith.index_cast %add3A_238 : i32 to index
        %swap3A_251 = arith.constant 16 : index
        %swap3A_252 = tpu.vector_load %arg13[%swap3A_250, %swap3A_251] {strides = array<i32>} : memref<128x80xf32, #tpu.memory_space<vmem>>, vector<16xf32>,
        tpu.vector_store %arg13[%swap3A_250, %swap3A_251], %mul3A_249 {strides = array<i32>} : memref<128x80xf32, #tpu.memory_space<vmem>>, vector<16xf32>,
        %get3A_253 = arith.index_cast %add3A_238 : i32 to index
        %get3A_254 = arith.constant 32 : index
        %get3A_255 = tpu.vector_load %arg11[%get3A_253, %get3A_254] {strides = array<i32>} : memref<128x64xf32, #tpu.memory_space<vmem>>, vector<16xf32>,
        %mul3A_256 = arith.mulf %get3A_255, %gather3A_234 : vector<16xf32>
        %swap3A_257 = arith.index_cast %add3A_238 : i32 to index
        %swap3A_258 = arith.constant 32 : index
        %swap3A_259 = tpu.vector_load %arg13[%swap3A_257, %swap3A_258] {strides = array<i32>} : memref<128x80xf32, #tpu.memory_space<vmem>>, vector<16xf32>,
        tpu.vector_store %arg13[%swap3A_257, %swap3A_258], %mul3A_256 {strides = array<i32>} : memref<128x80xf32, #tpu.memory_space<vmem>>, vector<16xf32>,
        %get3A_260 = arith.index_cast %add3A_238 : i32 to index
        %get3A_261 = arith.constant 48 : index
        %get3A_262 = tpu.vector_load %arg11[%get3A_260, %get3A_261] {strides = array<i32>} : memref<128x64xf32, #tpu.memory_space<vmem>>, vector<16xf32>,
        %mul3A_263 = arith.mulf %get3A_262, %gather3A_234 : vector<16xf32>
        %swap3A_264 = arith.index_cast %add3A_238 : i32 to index
        %swap3A_265 = arith.constant 48 : index
        %swap3A_266 = tpu.vector_load %arg13[%swap3A_264, %swap3A_265] {strides = array<i32>} : memref<128x80xf32, #tpu.memory_space<vmem>>, vector<16xf32>,
        tpu.vector_store %arg13[%swap3A_264, %swap3A_265], %mul3A_263 {strides = array<i32>} : memref<128x80xf32, #tpu.memory_space<vmem>>, vector<16xf32>,
        %swap3A_267 = arith.index_cast %add3A_238 : i32 to index
        %swap3A_268 = arith.constant 64 : index
        %swap3A_269 = tpu.vector_load %arg13[%swap3A_267, %swap3A_268] {strides = array<i32>} : memref<128x80xf32, #tpu.memory_space<vmem>>, vector<16xf32>,
        tpu.vector_store %arg13[%swap3A_267, %swap3A_268], %gather3A_234 {strides = array<i32>} : memref<128x80xf32, #tpu.memory_space<vmem>>, vector<16xf32>,
        %add3A_270 = arith.constant 4 : i32
        %add3A_271 = arith.addi %add3A_116, %add3A_270 : i32
        %broadcast_in_dim3A_272 = vector.broadcast %add3A_271 : i32 to vector<16xi32>
        %gather3A_273 = tpu.vector_load_idx %arg9[%broadcast_in_dim3A_272] : memref<6400xf32, #tpu.memory_space<vmem>>[vector<16xi32>], vector<16xf32>,
        %mul3A_274 = arith.constant 16 : i32
        %mul3A_275 = arith.muli %add3A_111, %mul3A_274 : i32
        %add3A_276 = arith.constant 4 : i32
        %add3A_277 = arith.addi %mul3A_275, %add3A_276 : i32
        %get3A_278 = arith.index_cast %add3A_277 : i32 to index
        %get3A_279 = arith.constant 0 : index
        %get3A_280 = tpu.vector_load %arg11[%get3A_278, %get3A_279] {strides = array<i32>} : memref<128x64xf32, #tpu.memory_space<vmem>>, vector<16xf32>,
        %mul3A_281 = arith.mulf %get3A_280, %gather3A_273 : vector<16xf32>
        %swap3A_282 = arith.index_cast %add3A_277 : i32 to index
        %swap3A_283 = arith.constant 0 : index
        %swap3A_284 = tpu.vector_load %arg13[%swap3A_282, %swap3A_283] {strides = array<i32>} : memref<128x80xf32, #tpu.memory_space<vmem>>, vector<16xf32>,
        tpu.vector_store %arg13[%swap3A_282, %swap3A_283], %mul3A_281 {strides = array<i32>} : memref<128x80xf32, #tpu.memory_space<vmem>>, vector<16xf32>,
        %get3A_285 = arith.index_cast %add3A_277 : i32 to index
        %get3A_286 = arith.constant 16 : index
        %get3A_287 = tpu.vector_load %arg11[%get3A_285, %get3A_286] {strides = array<i32>} : memref<128x64xf32, #tpu.memory_space<vmem>>, vector<16xf32>,
        %mul3A_288 = arith.mulf %get3A_287, %gather3A_273 : vector<16xf32>
        %swap3A_289 = arith.index_cast %add3A_277 : i32 to index
        %swap3A_290 = arith.constant 16 : index
        %swap3A_291 = tpu.vector_load %arg13[%swap3A_289, %swap3A_290] {strides = array<i32>} : memref<128x80xf32, #tpu.memory_space<vmem>>, vector<16xf32>,
        tpu.vector_store %arg13[%swap3A_289, %swap3A_290], %mul3A_288 {strides = array<i32>} : memref<128x80xf32, #tpu.memory_space<vmem>>, vector<16xf32>,
        %get3A_292 = arith.index_cast %add3A_277 : i32 to index
        %get3A_293 = arith.constant 32 : index
        %get3A_294 = tpu.vector_load %arg11[%get3A_292, %get3A_293] {strides = array<i32>} : memref<128x64xf32, #tpu.memory_space<vmem>>, vector<16xf32>,
        %mul3A_295 = arith.mulf %get3A_294, %gather3A_273 : vector<16xf32>
        %swap3A_296 = arith.index_cast %add3A_277 : i32 to index
        %swap3A_297 = arith.constant 32 : index
        %swap3A_298 = tpu.vector_load %arg13[%swap3A_296, %swap3A_297] {strides = array<i32>} : memref<128x80xf32, #tpu.memory_space<vmem>>, vector<16xf32>,
        tpu.vector_store %arg13[%swap3A_296, %swap3A_297], %mul3A_295 {strides = array<i32>} : memref<128x80xf32, #tpu.memory_space<vmem>>, vector<16xf32>,
        %get3A_299 = arith.index_cast %add3A_277 : i32 to index
        %get3A_300 = arith.constant 48 : index
        %get3A_301 = tpu.vector_load %arg11[%get3A_299, %get3A_300] {strides = array<i32>} : memref<128x64xf32, #tpu.memory_space<vmem>>, vector<16xf32>,
        %mul3A_302 = arith.mulf %get3A_301, %gather3A_273 : vector<16xf32>
        %swap3A_303 = arith.index_cast %add3A_277 : i32 to index
        %swap3A_304 = arith.constant 48 : index
        %swap3A_305 = tpu.vector_load %arg13[%swap3A_303, %swap3A_304] {strides = array<i32>} : memref<128x80xf32, #tpu.memory_space<vmem>>, vector<16xf32>,
        tpu.vector_store %arg13[%swap3A_303, %swap3A_304], %mul3A_302 {strides = array<i32>} : memref<128x80xf32, #tpu.memory_space<vmem>>, vector<16xf32>,
        %swap3A_306 = arith.index_cast %add3A_277 : i32 to index
        %swap3A_307 = arith.constant 64 : index
        %swap3A_308 = tpu.vector_load %arg13[%swap3A_306, %swap3A_307] {strides = array<i32>} : memref<128x80xf32, #tpu.memory_space<vmem>>, vector<16xf32>,
        tpu.vector_store %arg13[%swap3A_306, %swap3A_307], %gather3A_273 {strides = array<i32>} : memref<128x80xf32, #tpu.memory_space<vmem>>, vector<16xf32>,
        %add3A_309 = arith.constant 5 : i32
        %add3A_310 = arith.addi %add3A_116, %add3A_309 : i32
        %broadcast_in_dim3A_311 = vector.broadcast %add3A_310 : i32 to vector<16xi32>
        %gather3A_312 = tpu.vector_load_idx %arg9[%broadcast_in_dim3A_311] : memref<6400xf32, #tpu.memory_space<vmem>>[vector<16xi32>], vector<16xf32>,
        %mul3A_313 = arith.constant 16 : i32
        %mul3A_314 = arith.muli %add3A_111, %mul3A_313 : i32
        %add3A_315 = arith.constant 5 : i32
        %add3A_316 = arith.addi %mul3A_314, %add3A_315 : i32
        %get3A_317 = arith.index_cast %add3A_316 : i32 to index
        %get3A_318 = arith.constant 0 : index
        %get3A_319 = tpu.vector_load %arg11[%get3A_317, %get3A_318] {strides = array<i32>} : memref<128x64xf32, #tpu.memory_space<vmem>>, vector<16xf32>,
        %mul3A_320 = arith.mulf %get3A_319, %gather3A_312 : vector<16xf32>
        %swap3A_321 = arith.index_cast %add3A_316 : i32 to index
        %swap3A_322 = arith.constant 0 : index
        %swap3A_323 = tpu.vector_load %arg13[%swap3A_321, %swap3A_322] {strides = array<i32>} : memref<128x80xf32, #tpu.memory_space<vmem>>, vector<16xf32>,
        tpu.vector_store %arg13[%swap3A_321, %swap3A_322], %mul3A_320 {strides = array<i32>} : memref<128x80xf32, #tpu.memory_space<vmem>>, vector<16xf32>,
        %get3A_324 = arith.index_cast %add3A_316 : i32 to index
        %get3A_325 = arith.constant 16 : index
        %get3A_326 = tpu.vector_load %arg11[%get3A_324, %get3A_325] {strides = array<i32>} : memref<128x64xf32, #tpu.memory_space<vmem>>, vector<16xf32>,
        %mul3A_327 = arith.mulf %get3A_326, %gather3A_312 : vector<16xf32>
        %swap3A_328 = arith.index_cast %add3A_316 : i32 to index
        %swap3A_329 = arith.constant 16 : index
        %swap3A_330 = tpu.vector_load %arg13[%swap3A_328, %swap3A_329] {strides = array<i32>} : memref<128x80xf32, #tpu.memory_space<vmem>>, vector<16xf32>,
        tpu.vector_store %arg13[%swap3A_328, %swap3A_329], %mul3A_327 {strides = array<i32>} : memref<128x80xf32, #tpu.memory_space<vmem>>, vector<16xf32>,
        %get3A_331 = arith.index_cast %add3A_316 : i32 to index
        %get3A_332 = arith.constant 32 : index
        %get3A_333 = tpu.vector_load %arg11[%get3A_331, %get3A_332] {strides = array<i32>} : memref<128x64xf32, #tpu.memory_space<vmem>>, vector<16xf32>,
        %mul3A_334 = arith.mulf %get3A_333, %gather3A_312 : vector<16xf32>
        %swap3A_335 = arith.index_cast %add3A_316 : i32 to index
        %swap3A_336 = arith.constant 32 : index
        %swap3A_337 = tpu.vector_load %arg13[%swap3A_335, %swap3A_336] {strides = array<i32>} : memref<128x80xf32, #tpu.memory_space<vmem>>, vector<16xf32>,
        tpu.vector_store %arg13[%swap3A_335, %swap3A_336], %mul3A_334 {strides = array<i32>} : memref<128x80xf32, #tpu.memory_space<vmem>>, vector<16xf32>,
        %get3A_338 = arith.index_cast %add3A_316 : i32 to index
        %get3A_339 = arith.constant 48 : index
        %get3A_340 = tpu.vector_load %arg11[%get3A_338, %get3A_339] {strides = array<i32>} : memref<128x64xf32, #tpu.memory_space<vmem>>, vector<16xf32>,
        %mul3A_341 = arith.mulf %get3A_340, %gather3A_312 : vector<16xf32>
        %swap3A_342 = arith.index_cast %add3A_316 : i32 to index
        %swap3A_343 = arith.constant 48 : index
        %swap3A_344 = tpu.vector_load %arg13[%swap3A_342, %swap3A_343] {strides = array<i32>} : memref<128x80xf32, #tpu.memory_space<vmem>>, vector<16xf32>,
        tpu.vector_store %arg13[%swap3A_342, %swap3A_343], %mul3A_341 {strides = array<i32>} : memref<128x80xf32, #tpu.memory_space<vmem>>, vector<16xf32>,
        %swap3A_345 = arith.index_cast %add3A_316 : i32 to index
        %swap3A_346 = arith.constant 64 : index
        %swap3A_347 = tpu.vector_load %arg13[%swap3A_345, %swap3A_346] {strides = array<i32>} : memref<128x80xf32, #tpu.memory_space<vmem>>, vector<16xf32>,
        tpu.vector_store %arg13[%swap3A_345, %swap3A_346], %gather3A_312 {strides = array<i32>} : memref<128x80xf32, #tpu.memory_space<vmem>>, vector<16xf32>,
        %add3A_348 = arith.constant 6 : i32
        %add3A_349 = arith.addi %add3A_116, %add3A_348 : i32
        %broadcast_in_dim3A_350 = vector.broadcast %add3A_349 : i32 to vector<16xi32>
        %gather3A_351 = tpu.vector_load_idx %arg9[%broadcast_in_dim3A_350] : memref<6400xf32, #tpu.memory_space<vmem>>[vector<16xi32>], vector<16xf32>,
        %mul3A_352 = arith.constant 16 : i32
        %mul3A_353 = arith.muli %add3A_111, %mul3A_352 : i32
        %add3A_354 = arith.constant 6 : i32
        %add3A_355 = arith.addi %mul3A_353, %add3A_354 : i32
        %get3A_356 = arith.index_cast %add3A_355 : i32 to index
        %get3A_357 = arith.constant 0 : index
        %get3A_358 = tpu.vector_load %arg11[%get3A_356, %get3A_357] {strides = array<i32>} : memref<128x64xf32, #tpu.memory_space<vmem>>, vector<16xf32>,
        %mul3A_359 = arith.mulf %get3A_358, %gather3A_351 : vector<16xf32>
        %swap3A_360 = arith.index_cast %add3A_355 : i32 to index
        %swap3A_361 = arith.constant 0 : index
        %swap3A_362 = tpu.vector_load %arg13[%swap3A_360, %swap3A_361] {strides = array<i32>} : memref<128x80xf32, #tpu.memory_space<vmem>>, vector<16xf32>,
        tpu.vector_store %arg13[%swap3A_360, %swap3A_361], %mul3A_359 {strides = array<i32>} : memref<128x80xf32, #tpu.memory_space<vmem>>, vector<16xf32>,
        %get3A_363 = arith.index_cast %add3A_355 : i32 to index
        %get3A_364 = arith.constant 16 : index
        %get3A_365 = tpu.vector_load %arg11[%get3A_363, %get3A_364] {strides = array<i32>} : memref<128x64xf32, #tpu.memory_space<vmem>>, vector<16xf32>,
        %mul3A_366 = arith.mulf %get3A_365, %gather3A_351 : vector<16xf32>
        %swap3A_367 = arith.index_cast %add3A_355 : i32 to index
        %swap3A_368 = arith.constant 16 : index
        %swap3A_369 = tpu.vector_load %arg13[%swap3A_367, %swap3A_368] {strides = array<i32>} : memref<128x80xf32, #tpu.memory_space<vmem>>, vector<16xf32>,
        tpu.vector_store %arg13[%swap3A_367, %swap3A_368], %mul3A_366 {strides = array<i32>} : memref<128x80xf32, #tpu.memory_space<vmem>>, vector<16xf32>,
        %get3A_370 = arith.index_cast %add3A_355 : i32 to index
        %get3A_371 = arith.constant 32 : index
        %get3A_372 = tpu.vector_load %arg11[%get3A_370, %get3A_371] {strides = array<i32>} : memref<128x64xf32, #tpu.memory_space<vmem>>, vector<16xf32>,
        %mul3A_373 = arith.mulf %get3A_372, %gather3A_351 : vector<16xf32>
        %swap3A_374 = arith.index_cast %add3A_355 : i32 to index
        %swap3A_375 = arith.constant 32 : index
        %swap3A_376 = tpu.vector_load %arg13[%swap3A_374, %swap3A_375] {strides = array<i32>} : memref<128x80xf32, #tpu.memory_space<vmem>>, vector<16xf32>,
        tpu.vector_store %arg13[%swap3A_374, %swap3A_375], %mul3A_373 {strides = array<i32>} : memref<128x80xf32, #tpu.memory_space<vmem>>, vector<16xf32>,
        %get3A_377 = arith.index_cast %add3A_355 : i32 to index
        %get3A_378 = arith.constant 48 : index
        %get3A_379 = tpu.vector_load %arg11[%get3A_377, %get3A_378] {strides = array<i32>} : memref<128x64xf32, #tpu.memory_space<vmem>>, vector<16xf32>,
        %mul3A_380 = arith.mulf %get3A_379, %gather3A_351 : vector<16xf32>
        %swap3A_381 = arith.index_cast %add3A_355 : i32 to index
        %swap3A_382 = arith.constant 48 : index
        %swap3A_383 = tpu.vector_load %arg13[%swap3A_381, %swap3A_382] {strides = array<i32>} : memref<128x80xf32, #tpu.memory_space<vmem>>, vector<16xf32>,
        tpu.vector_store %arg13[%swap3A_381, %swap3A_382], %mul3A_380 {strides = array<i32>} : memref<128x80xf32, #tpu.memory_space<vmem>>, vector<16xf32>,
        %swap3A_384 = arith.index_cast %add3A_355 : i32 to index
        %swap3A_385 = arith.constant 64 : index
        %swap3A_386 = tpu.vector_load %arg13[%swap3A_384, %swap3A_385] {strides = array<i32>} : memref<128x80xf32, #tpu.memory_space<vmem>>, vector<16xf32>,
        tpu.vector_store %arg13[%swap3A_384, %swap3A_385], %gather3A_351 {strides = array<i32>} : memref<128x80xf32, #tpu.memory_space<vmem>>, vector<16xf32>,
        %add3A_387 = arith.constant 7 : i32
        %add3A_388 = arith.addi %add3A_116, %add3A_387 : i32
        %broadcast_in_dim3A_389 = vector.broadcast %add3A_388 : i32 to vector<16xi32>
        %gather3A_390 = tpu.vector_load_idx %arg9[%broadcast_in_dim3A_389] : memref<6400xf32, #tpu.memory_space<vmem>>[vector<16xi32>], vector<16xf32>,
        %mul3A_391 = arith.constant 16 : i32
        %mul3A_392 = arith.muli %add3A_111, %mul3A_391 : i32
        %add3A_393 = arith.constant 7 : i32
        %add3A_394 = arith.addi %mul3A_392, %add3A_393 : i32
        %get3A_395 = arith.index_cast %add3A_394 : i32 to index
        %get3A_396 = arith.constant 0 : index
        %get3A_397 = tpu.vector_load %arg11[%get3A_395, %get3A_396] {strides = array<i32>} : memref<128x64xf32, #tpu.memory_space<vmem>>, vector<16xf32>,
        %mul3A_398 = arith.mulf %get3A_397, %gather3A_390 : vector<16xf32>
        %swap3A_399 = arith.index_cast %add3A_394 : i32 to index
        %swap3A_400 = arith.constant 0 : index
        %swap3A_401 = tpu.vector_load %arg13[%swap3A_399, %swap3A_400] {strides = array<i32>} : memref<128x80xf32, #tpu.memory_space<vmem>>, vector<16xf32>,
        tpu.vector_store %arg13[%swap3A_399, %swap3A_400], %mul3A_398 {strides = array<i32>} : memref<128x80xf32, #tpu.memory_space<vmem>>, vector<16xf32>,
        %get3A_402 = arith.index_cast %add3A_394 : i32 to index
        %get3A_403 = arith.constant 16 : index
        %get3A_404 = tpu.vector_load %arg11[%get3A_402, %get3A_403] {strides = array<i32>} : memref<128x64xf32, #tpu.memory_space<vmem>>, vector<16xf32>,
        %mul3A_405 = arith.mulf %get3A_404, %gather3A_390 : vector<16xf32>
        %swap3A_406 = arith.index_cast %add3A_394 : i32 to index
        %swap3A_407 = arith.constant 16 : index
        %swap3A_408 = tpu.vector_load %arg13[%swap3A_406, %swap3A_407] {strides = array<i32>} : memref<128x80xf32, #tpu.memory_space<vmem>>, vector<16xf32>,
        tpu.vector_store %arg13[%swap3A_406, %swap3A_407], %mul3A_405 {strides = array<i32>} : memref<128x80xf32, #tpu.memory_space<vmem>>, vector<16xf32>,
        %get3A_409 = arith.index_cast %add3A_394 : i32 to index
        %get3A_410 = arith.constant 32 : index
        %get3A_411 = tpu.vector_load %arg11[%get3A_409, %get3A_410] {strides = array<i32>} : memref<128x64xf32, #tpu.memory_space<vmem>>, vector<16xf32>,
        %mul3A_412 = arith.mulf %get3A_411, %gather3A_390 : vector<16xf32>
        %swap3A_413 = arith.index_cast %add3A_394 : i32 to index
        %swap3A_414 = arith.constant 32 : index
        %swap3A_415 = tpu.vector_load %arg13[%swap3A_413, %swap3A_414] {strides = array<i32>} : memref<128x80xf32, #tpu.memory_space<vmem>>, vector<16xf32>,
        tpu.vector_store %arg13[%swap3A_413, %swap3A_414], %mul3A_412 {strides = array<i32>} : memref<128x80xf32, #tpu.memory_space<vmem>>, vector<16xf32>,
        %get3A_416 = arith.index_cast %add3A_394 : i32 to index
        %get3A_417 = arith.constant 48 : index
        %get3A_418 = tpu.vector_load %arg11[%get3A_416, %get3A_417] {strides = array<i32>} : memref<128x64xf32, #tpu.memory_space<vmem>>, vector<16xf32>,
        %mul3A_419 = arith.mulf %get3A_418, %gather3A_390 : vector<16xf32>
        %swap3A_420 = arith.index_cast %add3A_394 : i32 to index
        %swap3A_421 = arith.constant 48 : index
        %swap3A_422 = tpu.vector_load %arg13[%swap3A_420, %swap3A_421] {strides = array<i32>} : memref<128x80xf32, #tpu.memory_space<vmem>>, vector<16xf32>,
        tpu.vector_store %arg13[%swap3A_420, %swap3A_421], %mul3A_419 {strides = array<i32>} : memref<128x80xf32, #tpu.memory_space<vmem>>, vector<16xf32>,
        %swap3A_423 = arith.index_cast %add3A_394 : i32 to index
        %swap3A_424 = arith.constant 64 : index
        %swap3A_425 = tpu.vector_load %arg13[%swap3A_423, %swap3A_424] {strides = array<i32>} : memref<128x80xf32, #tpu.memory_space<vmem>>, vector<16xf32>,
        tpu.vector_store %arg13[%swap3A_423, %swap3A_424], %gather3A_390 {strides = array<i32>} : memref<128x80xf32, #tpu.memory_space<vmem>>, vector<16xf32>,
        %add3A_426 = arith.constant 8 : i32
        %add3A_427 = arith.addi %add3A_116, %add3A_426 : i32
        %broadcast_in_dim3A_428 = vector.broadcast %add3A_427 : i32 to vector<16xi32>
        %gather3A_429 = tpu.vector_load_idx %arg9[%broadcast_in_dim3A_428] : memref<6400xf32, #tpu.memory_space<vmem>>[vector<16xi32>], vector<16xf32>,
        %mul3A_430 = arith.constant 16 : i32
        %mul3A_431 = arith.muli %add3A_111, %mul3A_430 : i32
        %add3A_432 = arith.constant 8 : i32
        %add3A_433 = arith.addi %mul3A_431, %add3A_432 : i32
        %get3A_434 = arith.index_cast %add3A_433 : i32 to index
        %get3A_435 = arith.constant 0 : index
        %get3A_436 = tpu.vector_load %arg11[%get3A_434, %get3A_435] {strides = array<i32>} : memref<128x64xf32, #tpu.memory_space<vmem>>, vector<16xf32>,
        %mul3A_437 = arith.mulf %get3A_436, %gather3A_429 : vector<16xf32>
        %swap3A_438 = arith.index_cast %add3A_433 : i32 to index
        %swap3A_439 = arith.constant 0 : index
        %swap3A_440 = tpu.vector_load %arg13[%swap3A_438, %swap3A_439] {strides = array<i32>} : memref<128x80xf32, #tpu.memory_space<vmem>>, vector<16xf32>,
        tpu.vector_store %arg13[%swap3A_438, %swap3A_439], %mul3A_437 {strides = array<i32>} : memref<128x80xf32, #tpu.memory_space<vmem>>, vector<16xf32>,
        %get3A_441 = arith.index_cast %add3A_433 : i32 to index
        %get3A_442 = arith.constant 16 : index
        %get3A_443 = tpu.vector_load %arg11[%get3A_441, %get3A_442] {strides = array<i32>} : memref<128x64xf32, #tpu.memory_space<vmem>>, vector<16xf32>,
        %mul3A_444 = arith.mulf %get3A_443, %gather3A_429 : vector<16xf32>
        %swap3A_445 = arith.index_cast %add3A_433 : i32 to index
        %swap3A_446 = arith.constant 16 : index
        %swap3A_447 = tpu.vector_load %arg13[%swap3A_445, %swap3A_446] {strides = array<i32>} : memref<128x80xf32, #tpu.memory_space<vmem>>, vector<16xf32>,
        tpu.vector_store %arg13[%swap3A_445, %swap3A_446], %mul3A_444 {strides = array<i32>} : memref<128x80xf32, #tpu.memory_space<vmem>>, vector<16xf32>,
        %get3A_448 = arith.index_cast %add3A_433 : i32 to index
        %get3A_449 = arith.constant 32 : index
        %get3A_450 = tpu.vector_load %arg11[%get3A_448, %get3A_449] {strides = array<i32>} : memref<128x64xf32, #tpu.memory_space<vmem>>, vector<16xf32>,
        %mul3A_451 = arith.mulf %get3A_450, %gather3A_429 : vector<16xf32>
        %swap3A_452 = arith.index_cast %add3A_433 : i32 to index
        %swap3A_453 = arith.constant 32 : index
        %swap3A_454 = tpu.vector_load %arg13[%swap3A_452, %swap3A_453] {strides = array<i32>} : memref<128x80xf32, #tpu.memory_space<vmem>>, vector<16xf32>,
        tpu.vector_store %arg13[%swap3A_452, %swap3A_453], %mul3A_451 {strides = array<i32>} : memref<128x80xf32, #tpu.memory_space<vmem>>, vector<16xf32>,
        %get3A_455 = arith.index_cast %add3A_433 : i32 to index
        %get3A_456 = arith.constant 48 : index
        %get3A_457 = tpu.vector_load %arg11[%get3A_455, %get3A_456] {strides = array<i32>} : memref<128x64xf32, #tpu.memory_space<vmem>>, vector<16xf32>,
        %mul3A_458 = arith.mulf %get3A_457, %gather3A_429 : vector<16xf32>
        %swap3A_459 = arith.index_cast %add3A_433 : i32 to index
        %swap3A_460 = arith.constant 48 : index
        %swap3A_461 = tpu.vector_load %arg13[%swap3A_459, %swap3A_460] {strides = array<i32>} : memref<128x80xf32, #tpu.memory_space<vmem>>, vector<16xf32>,
        tpu.vector_store %arg13[%swap3A_459, %swap3A_460], %mul3A_458 {strides = array<i32>} : memref<128x80xf32, #tpu.memory_space<vmem>>, vector<16xf32>,
        %swap3A_462 = arith.index_cast %add3A_433 : i32 to index
        %swap3A_463 = arith.constant 64 : index
        %swap3A_464 = tpu.vector_load %arg13[%swap3A_462, %swap3A_463] {strides = array<i32>} : memref<128x80xf32, #tpu.memory_space<vmem>>, vector<16xf32>,
        tpu.vector_store %arg13[%swap3A_462, %swap3A_463], %gather3A_429 {strides = array<i32>} : memref<128x80xf32, #tpu.memory_space<vmem>>, vector<16xf32>,
        %add3A_465 = arith.constant 9 : i32
        %add3A_466 = arith.addi %add3A_116, %add3A_465 : i32
        %broadcast_in_dim3A_467 = vector.broadcast %add3A_466 : i32 to vector<16xi32>
        %gather3A_468 = tpu.vector_load_idx %arg9[%broadcast_in_dim3A_467] : memref<6400xf32, #tpu.memory_space<vmem>>[vector<16xi32>], vector<16xf32>,
        %mul3A_469 = arith.constant 16 : i32
        %mul3A_470 = arith.muli %add3A_111, %mul3A_469 : i32
        %add3A_471 = arith.constant 9 : i32
        %add3A_472 = arith.addi %mul3A_470, %add3A_471 : i32
        %get3A_473 = arith.index_cast %add3A_472 : i32 to index
        %get3A_474 = arith.constant 0 : index
        %get3A_475 = tpu.vector_load %arg11[%get3A_473, %get3A_474] {strides = array<i32>} : memref<128x64xf32, #tpu.memory_space<vmem>>, vector<16xf32>,
        %mul3A_476 = arith.mulf %get3A_475, %gather3A_468 : vector<16xf32>
        %swap3A_477 = arith.index_cast %add3A_472 : i32 to index
        %swap3A_478 = arith.constant 0 : index
        %swap3A_479 = tpu.vector_load %arg13[%swap3A_477, %swap3A_478] {strides = array<i32>} : memref<128x80xf32, #tpu.memory_space<vmem>>, vector<16xf32>,
        tpu.vector_store %arg13[%swap3A_477, %swap3A_478], %mul3A_476 {strides = array<i32>} : memref<128x80xf32, #tpu.memory_space<vmem>>, vector<16xf32>,
        %get3A_480 = arith.index_cast %add3A_472 : i32 to index
        %get3A_481 = arith.constant 16 : index
        %get3A_482 = tpu.vector_load %arg11[%get3A_480, %get3A_481] {strides = array<i32>} : memref<128x64xf32, #tpu.memory_space<vmem>>, vector<16xf32>,
        %mul3A_483 = arith.mulf %get3A_482, %gather3A_468 : vector<16xf32>
        %swap3A_484 = arith.index_cast %add3A_472 : i32 to index
        %swap3A_485 = arith.constant 16 : index
        %swap3A_486 = tpu.vector_load %arg13[%swap3A_484, %swap3A_485] {strides = array<i32>} : memref<128x80xf32, #tpu.memory_space<vmem>>, vector<16xf32>,
        tpu.vector_store %arg13[%swap3A_484, %swap3A_485], %mul3A_483 {strides = array<i32>} : memref<128x80xf32, #tpu.memory_space<vmem>>, vector<16xf32>,
        %get3A_487 = arith.index_cast %add3A_472 : i32 to index
        %get3A_488 = arith.constant 32 : index
        %get3A_489 = tpu.vector_load %arg11[%get3A_487, %get3A_488] {strides = array<i32>} : memref<128x64xf32, #tpu.memory_space<vmem>>, vector<16xf32>,
        %mul3A_490 = arith.mulf %get3A_489, %gather3A_468 : vector<16xf32>
        %swap3A_491 = arith.index_cast %add3A_472 : i32 to index
        %swap3A_492 = arith.constant 32 : index
        %swap3A_493 = tpu.vector_load %arg13[%swap3A_491, %swap3A_492] {strides = array<i32>} : memref<128x80xf32, #tpu.memory_space<vmem>>, vector<16xf32>,
        tpu.vector_store %arg13[%swap3A_491, %swap3A_492], %mul3A_490 {strides = array<i32>} : memref<128x80xf32, #tpu.memory_space<vmem>>, vector<16xf32>,
        %get3A_494 = arith.index_cast %add3A_472 : i32 to index
        %get3A_495 = arith.constant 48 : index
        %get3A_496 = tpu.vector_load %arg11[%get3A_494, %get3A_495] {strides = array<i32>} : memref<128x64xf32, #tpu.memory_space<vmem>>, vector<16xf32>,
        %mul3A_497 = arith.mulf %get3A_496, %gather3A_468 : vector<16xf32>
        %swap3A_498 = arith.index_cast %add3A_472 : i32 to index
        %swap3A_499 = arith.constant 48 : index
        %swap3A_500 = tpu.vector_load %arg13[%swap3A_498, %swap3A_499] {strides = array<i32>} : memref<128x80xf32, #tpu.memory_space<vmem>>, vector<16xf32>,
        tpu.vector_store %arg13[%swap3A_498, %swap3A_499], %mul3A_497 {strides = array<i32>} : memref<128x80xf32, #tpu.memory_space<vmem>>, vector<16xf32>,
        %swap3A_501 = arith.index_cast %add3A_472 : i32 to index
        %swap3A_502 = arith.constant 64 : index
        %swap3A_503 = tpu.vector_load %arg13[%swap3A_501, %swap3A_502] {strides = array<i32>} : memref<128x80xf32, #tpu.memory_space<vmem>>, vector<16xf32>,
        tpu.vector_store %arg13[%swap3A_501, %swap3A_502], %gather3A_468 {strides = array<i32>} : memref<128x80xf32, #tpu.memory_space<vmem>>, vector<16xf32>,
        %add3A_504 = arith.constant 10 : i32
        %add3A_505 = arith.addi %add3A_116, %add3A_504 : i32
        %broadcast_in_dim3A_506 = vector.broadcast %add3A_505 : i32 to vector<16xi32>
        %gather3A_507 = tpu.vector_load_idx %arg9[%broadcast_in_dim3A_506] : memref<6400xf32, #tpu.memory_space<vmem>>[vector<16xi32>], vector<16xf32>,
        %mul3A_508 = arith.constant 16 : i32
        %mul3A_509 = arith.muli %add3A_111, %mul3A_508 : i32
        %add3A_510 = arith.constant 10 : i32
        %add3A_511 = arith.addi %mul3A_509, %add3A_510 : i32
        %get3A_512 = arith.index_cast %add3A_511 : i32 to index
        %get3A_513 = arith.constant 0 : index
        %get3A_514 = tpu.vector_load %arg11[%get3A_512, %get3A_513] {strides = array<i32>} : memref<128x64xf32, #tpu.memory_space<vmem>>, vector<16xf32>,
        %mul3A_515 = arith.mulf %get3A_514, %gather3A_507 : vector<16xf32>
        %swap3A_516 = arith.index_cast %add3A_511 : i32 to index
        %swap3A_517 = arith.constant 0 : index
        %swap3A_518 = tpu.vector_load %arg13[%swap3A_516, %swap3A_517] {strides = array<i32>} : memref<128x80xf32, #tpu.memory_space<vmem>>, vector<16xf32>,
        tpu.vector_store %arg13[%swap3A_516, %swap3A_517], %mul3A_515 {strides = array<i32>} : memref<128x80xf32, #tpu.memory_space<vmem>>, vector<16xf32>,
        %get3A_519 = arith.index_cast %add3A_511 : i32 to index
        %get3A_520 = arith.constant 16 : index
        %get3A_521 = tpu.vector_load %arg11[%get3A_519, %get3A_520] {strides = array<i32>} : memref<128x64xf32, #tpu.memory_space<vmem>>, vector<16xf32>,
        %mul3A_522 = arith.mulf %get3A_521, %gather3A_507 : vector<16xf32>
        %swap3A_523 = arith.index_cast %add3A_511 : i32 to index
        %swap3A_524 = arith.constant 16 : index
        %swap3A_525 = tpu.vector_load %arg13[%swap3A_523, %swap3A_524] {strides = array<i32>} : memref<128x80xf32, #tpu.memory_space<vmem>>, vector<16xf32>,
        tpu.vector_store %arg13[%swap3A_523, %swap3A_524], %mul3A_522 {strides = array<i32>} : memref<128x80xf32, #tpu.memory_space<vmem>>, vector<16xf32>,
        %get3A_526 = arith.index_cast %add3A_511 : i32 to index
        %get3A_527 = arith.constant 32 : index
        %get3A_528 = tpu.vector_load %arg11[%get3A_526, %get3A_527] {strides = array<i32>} : memref<128x64xf32, #tpu.memory_space<vmem>>, vector<16xf32>,
        %mul3A_529 = arith.mulf %get3A_528, %gather3A_507 : vector<16xf32>
        %swap3A_530 = arith.index_cast %add3A_511 : i32 to index
        %swap3A_531 = arith.constant 32 : index
        %swap3A_532 = tpu.vector_load %arg13[%swap3A_530, %swap3A_531] {strides = array<i32>} : memref<128x80xf32, #tpu.memory_space<vmem>>, vector<16xf32>,
        tpu.vector_store %arg13[%swap3A_530, %swap3A_531], %mul3A_529 {strides = array<i32>} : memref<128x80xf32, #tpu.memory_space<vmem>>, vector<16xf32>,
        %get3A_533 = arith.index_cast %add3A_511 : i32 to index
        %get3A_534 = arith.constant 48 : index
        %get3A_535 = tpu.vector_load %arg11[%get3A_533, %get3A_534] {strides = array<i32>} : memref<128x64xf32, #tpu.memory_space<vmem>>, vector<16xf32>,
        %mul3A_536 = arith.mulf %get3A_535, %gather3A_507 : vector<16xf32>
        %swap3A_537 = arith.index_cast %add3A_511 : i32 to index
        %swap3A_538 = arith.constant 48 : index
        %swap3A_539 = tpu.vector_load %arg13[%swap3A_537, %swap3A_538] {strides = array<i32>} : memref<128x80xf32, #tpu.memory_space<vmem>>, vector<16xf32>,
        tpu.vector_store %arg13[%swap3A_537, %swap3A_538], %mul3A_536 {strides = array<i32>} : memref<128x80xf32, #tpu.memory_space<vmem>>, vector<16xf32>,
        %swap3A_540 = arith.index_cast %add3A_511 : i32 to index
        %swap3A_541 = arith.constant 64 : index
        %swap3A_542 = tpu.vector_load %arg13[%swap3A_540, %swap3A_541] {strides = array<i32>} : memref<128x80xf32, #tpu.memory_space<vmem>>, vector<16xf32>,
        tpu.vector_store %arg13[%swap3A_540, %swap3A_541], %gather3A_507 {strides = array<i32>} : memref<128x80xf32, #tpu.memory_space<vmem>>, vector<16xf32>,
        %add3A_543 = arith.constant 11 : i32
        %add3A_544 = arith.addi %add3A_116, %add3A_543 : i32
        %broadcast_in_dim3A_545 = vector.broadcast %add3A_544 : i32 to vector<16xi32>
        %gather3A_546 = tpu.vector_load_idx %arg9[%broadcast_in_dim3A_545] : memref<6400xf32, #tpu.memory_space<vmem>>[vector<16xi32>], vector<16xf32>,
        %mul3A_547 = arith.constant 16 : i32
        %mul3A_548 = arith.muli %add3A_111, %mul3A_547 : i32
        %add3A_549 = arith.constant 11 : i32
        %add3A_550 = arith.addi %mul3A_548, %add3A_549 : i32
        %get3A_551 = arith.index_cast %add3A_550 : i32 to index
        %get3A_552 = arith.constant 0 : index
        %get3A_553 = tpu.vector_load %arg11[%get3A_551, %get3A_552] {strides = array<i32>} : memref<128x64xf32, #tpu.memory_space<vmem>>, vector<16xf32>,
        %mul3A_554 = arith.mulf %get3A_553, %gather3A_546 : vector<16xf32>
        %swap3A_555 = arith.index_cast %add3A_550 : i32 to index
        %swap3A_556 = arith.constant 0 : index
        %swap3A_557 = tpu.vector_load %arg13[%swap3A_555, %swap3A_556] {strides = array<i32>} : memref<128x80xf32, #tpu.memory_space<vmem>>, vector<16xf32>,
        tpu.vector_store %arg13[%swap3A_555, %swap3A_556], %mul3A_554 {strides = array<i32>} : memref<128x80xf32, #tpu.memory_space<vmem>>, vector<16xf32>,
        %get3A_558 = arith.index_cast %add3A_550 : i32 to index
        %get3A_559 = arith.constant 16 : index
        %get3A_560 = tpu.vector_load %arg11[%get3A_558, %get3A_559] {strides = array<i32>} : memref<128x64xf32, #tpu.memory_space<vmem>>, vector<16xf32>,
        %mul3A_561 = arith.mulf %get3A_560, %gather3A_546 : vector<16xf32>
        %swap3A_562 = arith.index_cast %add3A_550 : i32 to index
        %swap3A_563 = arith.constant 16 : index
        %swap3A_564 = tpu.vector_load %arg13[%swap3A_562, %swap3A_563] {strides = array<i32>} : memref<128x80xf32, #tpu.memory_space<vmem>>, vector<16xf32>,
        tpu.vector_store %arg13[%swap3A_562, %swap3A_563], %mul3A_561 {strides = array<i32>} : memref<128x80xf32, #tpu.memory_space<vmem>>, vector<16xf32>,
        %get3A_565 = arith.index_cast %add3A_550 : i32 to index
        %get3A_566 = arith.constant 32 : index
        %get3A_567 = tpu.vector_load %arg11[%get3A_565, %get3A_566] {strides = array<i32>} : memref<128x64xf32, #tpu.memory_space<vmem>>, vector<16xf32>,
        %mul3A_568 = arith.mulf %get3A_567, %gather3A_546 : vector<16xf32>
        %swap3A_569 = arith.index_cast %add3A_550 : i32 to index
        %swap3A_570 = arith.constant 32 : index
        %swap3A_571 = tpu.vector_load %arg13[%swap3A_569, %swap3A_570] {strides = array<i32>} : memref<128x80xf32, #tpu.memory_space<vmem>>, vector<16xf32>,
        tpu.vector_store %arg13[%swap3A_569, %swap3A_570], %mul3A_568 {strides = array<i32>} : memref<128x80xf32, #tpu.memory_space<vmem>>, vector<16xf32>,
        %get3A_572 = arith.index_cast %add3A_550 : i32 to index
        %get3A_573 = arith.constant 48 : index
        %get3A_574 = tpu.vector_load %arg11[%get3A_572, %get3A_573] {strides = array<i32>} : memref<128x64xf32, #tpu.memory_space<vmem>>, vector<16xf32>,
        %mul3A_575 = arith.mulf %get3A_574, %gather3A_546 : vector<16xf32>
        %swap3A_576 = arith.index_cast %add3A_550 : i32 to index
        %swap3A_577 = arith.constant 48 : index
        %swap3A_578 = tpu.vector_load %arg13[%swap3A_576, %swap3A_577] {strides = array<i32>} : memref<128x80xf32, #tpu.memory_space<vmem>>, vector<16xf32>,
        tpu.vector_store %arg13[%swap3A_576, %swap3A_577], %mul3A_575 {strides = array<i32>} : memref<128x80xf32, #tpu.memory_space<vmem>>, vector<16xf32>,
        %swap3A_579 = arith.index_cast %add3A_550 : i32 to index
        %swap3A_580 = arith.constant 64 : index
        %swap3A_581 = tpu.vector_load %arg13[%swap3A_579, %swap3A_580] {strides = array<i32>} : memref<128x80xf32, #tpu.memory_space<vmem>>, vector<16xf32>,
        tpu.vector_store %arg13[%swap3A_579, %swap3A_580], %gather3A_546 {strides = array<i32>} : memref<128x80xf32, #tpu.memory_space<vmem>>, vector<16xf32>,
        %add3A_582 = arith.constant 12 : i32
        %add3A_583 = arith.addi %add3A_116, %add3A_582 : i32
        %broadcast_in_dim3A_584 = vector.broadcast %add3A_583 : i32 to vector<16xi32>
        %gather3A_585 = tpu.vector_load_idx %arg9[%broadcast_in_dim3A_584] : memref<6400xf32, #tpu.memory_space<vmem>>[vector<16xi32>], vector<16xf32>,
        %mul3A_586 = arith.constant 16 : i32
        %mul3A_587 = arith.muli %add3A_111, %mul3A_586 : i32
        %add3A_588 = arith.constant 12 : i32
        %add3A_589 = arith.addi %mul3A_587, %add3A_588 : i32
        %get3A_590 = arith.index_cast %add3A_589 : i32 to index
        %get3A_591 = arith.constant 0 : index
        %get3A_592 = tpu.vector_load %arg11[%get3A_590, %get3A_591] {strides = array<i32>} : memref<128x64xf32, #tpu.memory_space<vmem>>, vector<16xf32>,
        %mul3A_593 = arith.mulf %get3A_592, %gather3A_585 : vector<16xf32>
        %swap3A_594 = arith.index_cast %add3A_589 : i32 to index
        %swap3A_595 = arith.constant 0 : index
        %swap3A_596 = tpu.vector_load %arg13[%swap3A_594, %swap3A_595] {strides = array<i32>} : memref<128x80xf32, #tpu.memory_space<vmem>>, vector<16xf32>,
        tpu.vector_store %arg13[%swap3A_594, %swap3A_595], %mul3A_593 {strides = array<i32>} : memref<128x80xf32, #tpu.memory_space<vmem>>, vector<16xf32>,
        %get3A_597 = arith.index_cast %add3A_589 : i32 to index
        %get3A_598 = arith.constant 16 : index
        %get3A_599 = tpu.vector_load %arg11[%get3A_597, %get3A_598] {strides = array<i32>} : memref<128x64xf32, #tpu.memory_space<vmem>>, vector<16xf32>,
        %mul3A_600 = arith.mulf %get3A_599, %gather3A_585 : vector<16xf32>
        %swap3A_601 = arith.index_cast %add3A_589 : i32 to index
        %swap3A_602 = arith.constant 16 : index
        %swap3A_603 = tpu.vector_load %arg13[%swap3A_601, %swap3A_602] {strides = array<i32>} : memref<128x80xf32, #tpu.memory_space<vmem>>, vector<16xf32>,
        tpu.vector_store %arg13[%swap3A_601, %swap3A_602], %mul3A_600 {strides = array<i32>} : memref<128x80xf32, #tpu.memory_space<vmem>>, vector<16xf32>,
        %get3A_604 = arith.index_cast %add3A_589 : i32 to index
        %get3A_605 = arith.constant 32 : index
        %get3A_606 = tpu.vector_load %arg11[%get3A_604, %get3A_605] {strides = array<i32>} : memref<128x64xf32, #tpu.memory_space<vmem>>, vector<16xf32>,
        %mul3A_607 = arith.mulf %get3A_606, %gather3A_585 : vector<16xf32>
        %swap3A_608 = arith.index_cast %add3A_589 : i32 to index
        %swap3A_609 = arith.constant 32 : index
        %swap3A_610 = tpu.vector_load %arg13[%swap3A_608, %swap3A_609] {strides = array<i32>} : memref<128x80xf32, #tpu.memory_space<vmem>>, vector<16xf32>,
        tpu.vector_store %arg13[%swap3A_608, %swap3A_609], %mul3A_607 {strides = array<i32>} : memref<128x80xf32, #tpu.memory_space<vmem>>, vector<16xf32>,
        %get3A_611 = arith.index_cast %add3A_589 : i32 to index
        %get3A_612 = arith.constant 48 : index
        %get3A_613 = tpu.vector_load %arg11[%get3A_611, %get3A_612] {strides = array<i32>} : memref<128x64xf32, #tpu.memory_space<vmem>>, vector<16xf32>,
        %mul3A_614 = arith.mulf %get3A_613, %gather3A_585 : vector<16xf32>
        %swap3A_615 = arith.index_cast %add3A_589 : i32 to index
        %swap3A_616 = arith.constant 48 : index
        %swap3A_617 = tpu.vector_load %arg13[%swap3A_615, %swap3A_616] {strides = array<i32>} : memref<128x80xf32, #tpu.memory_space<vmem>>, vector<16xf32>,
        tpu.vector_store %arg13[%swap3A_615, %swap3A_616], %mul3A_614 {strides = array<i32>} : memref<128x80xf32, #tpu.memory_space<vmem>>, vector<16xf32>,
        %swap3A_618 = arith.index_cast %add3A_589 : i32 to index
        %swap3A_619 = arith.constant 64 : index
        %swap3A_620 = tpu.vector_load %arg13[%swap3A_618, %swap3A_619] {strides = array<i32>} : memref<128x80xf32, #tpu.memory_space<vmem>>, vector<16xf32>,
        tpu.vector_store %arg13[%swap3A_618, %swap3A_619], %gather3A_585 {strides = array<i32>} : memref<128x80xf32, #tpu.memory_space<vmem>>, vector<16xf32>,
        %add3A_621 = arith.constant 13 : i32
        %add3A_622 = arith.addi %add3A_116, %add3A_621 : i32
        %broadcast_in_dim3A_623 = vector.broadcast %add3A_622 : i32 to vector<16xi32>
        %gather3A_624 = tpu.vector_load_idx %arg9[%broadcast_in_dim3A_623] : memref<6400xf32, #tpu.memory_space<vmem>>[vector<16xi32>], vector<16xf32>,
        %mul3A_625 = arith.constant 16 : i32
        %mul3A_626 = arith.muli %add3A_111, %mul3A_625 : i32
        %add3A_627 = arith.constant 13 : i32
        %add3A_628 = arith.addi %mul3A_626, %add3A_627 : i32
        %get3A_629 = arith.index_cast %add3A_628 : i32 to index
        %get3A_630 = arith.constant 0 : index
        %get3A_631 = tpu.vector_load %arg11[%get3A_629, %get3A_630] {strides = array<i32>} : memref<128x64xf32, #tpu.memory_space<vmem>>, vector<16xf32>,
        %mul3A_632 = arith.mulf %get3A_631, %gather3A_624 : vector<16xf32>
        %swap3A_633 = arith.index_cast %add3A_628 : i32 to index
        %swap3A_634 = arith.constant 0 : index
        %swap3A_635 = tpu.vector_load %arg13[%swap3A_633, %swap3A_634] {strides = array<i32>} : memref<128x80xf32, #tpu.memory_space<vmem>>, vector<16xf32>,
        tpu.vector_store %arg13[%swap3A_633, %swap3A_634], %mul3A_632 {strides = array<i32>} : memref<128x80xf32, #tpu.memory_space<vmem>>, vector<16xf32>,
        %get3A_636 = arith.index_cast %add3A_628 : i32 to index
        %get3A_637 = arith.constant 16 : index
        %get3A_638 = tpu.vector_load %arg11[%get3A_636, %get3A_637] {strides = array<i32>} : memref<128x64xf32, #tpu.memory_space<vmem>>, vector<16xf32>,
        %mul3A_639 = arith.mulf %get3A_638, %gather3A_624 : vector<16xf32>
        %swap3A_640 = arith.index_cast %add3A_628 : i32 to index
        %swap3A_641 = arith.constant 16 : index
        %swap3A_642 = tpu.vector_load %arg13[%swap3A_640, %swap3A_641] {strides = array<i32>} : memref<128x80xf32, #tpu.memory_space<vmem>>, vector<16xf32>,
        tpu.vector_store %arg13[%swap3A_640, %swap3A_641], %mul3A_639 {strides = array<i32>} : memref<128x80xf32, #tpu.memory_space<vmem>>, vector<16xf32>,
        %get3A_643 = arith.index_cast %add3A_628 : i32 to index
        %get3A_644 = arith.constant 32 : index
        %get3A_645 = tpu.vector_load %arg11[%get3A_643, %get3A_644] {strides = array<i32>} : memref<128x64xf32, #tpu.memory_space<vmem>>, vector<16xf32>,
        %mul3A_646 = arith.mulf %get3A_645, %gather3A_624 : vector<16xf32>
        %swap3A_647 = arith.index_cast %add3A_628 : i32 to index
        %swap3A_648 = arith.constant 32 : index
        %swap3A_649 = tpu.vector_load %arg13[%swap3A_647, %swap3A_648] {strides = array<i32>} : memref<128x80xf32, #tpu.memory_space<vmem>>, vector<16xf32>,
        tpu.vector_store %arg13[%swap3A_647, %swap3A_648], %mul3A_646 {strides = array<i32>} : memref<128x80xf32, #tpu.memory_space<vmem>>, vector<16xf32>,
        %get3A_650 = arith.index_cast %add3A_628 : i32 to index
        %get3A_651 = arith.constant 48 : index
        %get3A_652 = tpu.vector_load %arg11[%get3A_650, %get3A_651] {strides = array<i32>} : memref<128x64xf32, #tpu.memory_space<vmem>>, vector<16xf32>,
        %mul3A_653 = arith.mulf %get3A_652, %gather3A_624 : vector<16xf32>
        %swap3A_654 = arith.index_cast %add3A_628 : i32 to index
        %swap3A_655 = arith.constant 48 : index
        %swap3A_656 = tpu.vector_load %arg13[%swap3A_654, %swap3A_655] {strides = array<i32>} : memref<128x80xf32, #tpu.memory_space<vmem>>, vector<16xf32>,
        tpu.vector_store %arg13[%swap3A_654, %swap3A_655], %mul3A_653 {strides = array<i32>} : memref<128x80xf32, #tpu.memory_space<vmem>>, vector<16xf32>,
        %swap3A_657 = arith.index_cast %add3A_628 : i32 to index
        %swap3A_658 = arith.constant 64 : index
        %swap3A_659 = tpu.vector_load %arg13[%swap3A_657, %swap3A_658] {strides = array<i32>} : memref<128x80xf32, #tpu.memory_space<vmem>>, vector<16xf32>,
        tpu.vector_store %arg13[%swap3A_657, %swap3A_658], %gather3A_624 {strides = array<i32>} : memref<128x80xf32, #tpu.memory_space<vmem>>, vector<16xf32>,
        %add3A_660 = arith.constant 14 : i32
        %add3A_661 = arith.addi %add3A_116, %add3A_660 : i32
        %broadcast_in_dim3A_662 = vector.broadcast %add3A_661 : i32 to vector<16xi32>
        %gather3A_663 = tpu.vector_load_idx %arg9[%broadcast_in_dim3A_662] : memref<6400xf32, #tpu.memory_space<vmem>>[vector<16xi32>], vector<16xf32>,
        %mul3A_664 = arith.constant 16 : i32
        %mul3A_665 = arith.muli %add3A_111, %mul3A_664 : i32
        %add3A_666 = arith.constant 14 : i32
        %add3A_667 = arith.addi %mul3A_665, %add3A_666 : i32
        %get3A_668 = arith.index_cast %add3A_667 : i32 to index
        %get3A_669 = arith.constant 0 : index
        %get3A_670 = tpu.vector_load %arg11[%get3A_668, %get3A_669] {strides = array<i32>} : memref<128x64xf32, #tpu.memory_space<vmem>>, vector<16xf32>,
        %mul3A_671 = arith.mulf %get3A_670, %gather3A_663 : vector<16xf32>
        %swap3A_672 = arith.index_cast %add3A_667 : i32 to index
        %swap3A_673 = arith.constant 0 : index
        %swap3A_674 = tpu.vector_load %arg13[%swap3A_672, %swap3A_673] {strides = array<i32>} : memref<128x80xf32, #tpu.memory_space<vmem>>, vector<16xf32>,
        tpu.vector_store %arg13[%swap3A_672, %swap3A_673], %mul3A_671 {strides = array<i32>} : memref<128x80xf32, #tpu.memory_space<vmem>>, vector<16xf32>,
        %get3A_675 = arith.index_cast %add3A_667 : i32 to index
        %get3A_676 = arith.constant 16 : index
        %get3A_677 = tpu.vector_load %arg11[%get3A_675, %get3A_676] {strides = array<i32>} : memref<128x64xf32, #tpu.memory_space<vmem>>, vector<16xf32>,
        %mul3A_678 = arith.mulf %get3A_677, %gather3A_663 : vector<16xf32>
        %swap3A_679 = arith.index_cast %add3A_667 : i32 to index
        %swap3A_680 = arith.constant 16 : index
        %swap3A_681 = tpu.vector_load %arg13[%swap3A_679, %swap3A_680] {strides = array<i32>} : memref<128x80xf32, #tpu.memory_space<vmem>>, vector<16xf32>,
        tpu.vector_store %arg13[%swap3A_679, %swap3A_680], %mul3A_678 {strides = array<i32>} : memref<128x80xf32, #tpu.memory_space<vmem>>, vector<16xf32>,
        %get3A_682 = arith.index_cast %add3A_667 : i32 to index
        %get3A_683 = arith.constant 32 : index
        %get3A_684 = tpu.vector_load %arg11[%get3A_682, %get3A_683] {strides = array<i32>} : memref<128x64xf32, #tpu.memory_space<vmem>>, vector<16xf32>,
        %mul3A_685 = arith.mulf %get3A_684, %gather3A_663 : vector<16xf32>
        %swap3A_686 = arith.index_cast %add3A_667 : i32 to index
        %swap3A_687 = arith.constant 32 : index
        %swap3A_688 = tpu.vector_load %arg13[%swap3A_686, %swap3A_687] {strides = array<i32>} : memref<128x80xf32, #tpu.memory_space<vmem>>, vector<16xf32>,
        tpu.vector_store %arg13[%swap3A_686, %swap3A_687], %mul3A_685 {strides = array<i32>} : memref<128x80xf32, #tpu.memory_space<vmem>>, vector<16xf32>,
        %get3A_689 = arith.index_cast %add3A_667 : i32 to index
        %get3A_690 = arith.constant 48 : index
        %get3A_691 = tpu.vector_load %arg11[%get3A_689, %get3A_690] {strides = array<i32>} : memref<128x64xf32, #tpu.memory_space<vmem>>, vector<16xf32>,
        %mul3A_692 = arith.mulf %get3A_691, %gather3A_663 : vector<16xf32>
        %swap3A_693 = arith.index_cast %add3A_667 : i32 to index
        %swap3A_694 = arith.constant 48 : index
        %swap3A_695 = tpu.vector_load %arg13[%swap3A_693, %swap3A_694] {strides = array<i32>} : memref<128x80xf32, #tpu.memory_space<vmem>>, vector<16xf32>,
        tpu.vector_store %arg13[%swap3A_693, %swap3A_694], %mul3A_692 {strides = array<i32>} : memref<128x80xf32, #tpu.memory_space<vmem>>, vector<16xf32>,
        %swap3A_696 = arith.index_cast %add3A_667 : i32 to index
        %swap3A_697 = arith.constant 64 : index
        %swap3A_698 = tpu.vector_load %arg13[%swap3A_696, %swap3A_697] {strides = array<i32>} : memref<128x80xf32, #tpu.memory_space<vmem>>, vector<16xf32>,
        tpu.vector_store %arg13[%swap3A_696, %swap3A_697], %gather3A_663 {strides = array<i32>} : memref<128x80xf32, #tpu.memory_space<vmem>>, vector<16xf32>,
        %add3A_699 = arith.constant 15 : i32
        %add3A_700 = arith.addi %add3A_116, %add3A_699 : i32
        %broadcast_in_dim3A_701 = vector.broadcast %add3A_700 : i32 to vector<16xi32>
        %gather3A_702 = tpu.vector_load_idx %arg9[%broadcast_in_dim3A_701] : memref<6400xf32, #tpu.memory_space<vmem>>[vector<16xi32>], vector<16xf32>,
        %mul3A_703 = arith.constant 16 : i32
        %mul3A_704 = arith.muli %add3A_111, %mul3A_703 : i32
        %add3A_705 = arith.constant 15 : i32
        %add3A_706 = arith.addi %mul3A_704, %add3A_705 : i32
        %get3A_707 = arith.index_cast %add3A_706 : i32 to index
        %get3A_708 = arith.constant 0 : index
        %get3A_709 = tpu.vector_load %arg11[%get3A_707, %get3A_708] {strides = array<i32>} : memref<128x64xf32, #tpu.memory_space<vmem>>, vector<16xf32>,
        %mul3A_710 = arith.mulf %get3A_709, %gather3A_702 : vector<16xf32>
        %swap3A_711 = arith.index_cast %add3A_706 : i32 to index
        %swap3A_712 = arith.constant 0 : index
        %swap3A_713 = tpu.vector_load %arg13[%swap3A_711, %swap3A_712] {strides = array<i32>} : memref<128x80xf32, #tpu.memory_space<vmem>>, vector<16xf32>,
        tpu.vector_store %arg13[%swap3A_711, %swap3A_712], %mul3A_710 {strides = array<i32>} : memref<128x80xf32, #tpu.memory_space<vmem>>, vector<16xf32>,
        %get3A_714 = arith.index_cast %add3A_706 : i32 to index
        %get3A_715 = arith.constant 16 : index
        %get3A_716 = tpu.vector_load %arg11[%get3A_714, %get3A_715] {strides = array<i32>} : memref<128x64xf32, #tpu.memory_space<vmem>>, vector<16xf32>,
        %mul3A_717 = arith.mulf %get3A_716, %gather3A_702 : vector<16xf32>
        %swap3A_718 = arith.index_cast %add3A_706 : i32 to index
        %swap3A_719 = arith.constant 16 : index
        %swap3A_720 = tpu.vector_load %arg13[%swap3A_718, %swap3A_719] {strides = array<i32>} : memref<128x80xf32, #tpu.memory_space<vmem>>, vector<16xf32>,
        tpu.vector_store %arg13[%swap3A_718, %swap3A_719], %mul3A_717 {strides = array<i32>} : memref<128x80xf32, #tpu.memory_space<vmem>>, vector<16xf32>,
        %get3A_721 = arith.index_cast %add3A_706 : i32 to index
        %get3A_722 = arith.constant 32 : index
        %get3A_723 = tpu.vector_load %arg11[%get3A_721, %get3A_722] {strides = array<i32>} : memref<128x64xf32, #tpu.memory_space<vmem>>, vector<16xf32>,
        %mul3A_724 = arith.mulf %get3A_723, %gather3A_702 : vector<16xf32>
        %swap3A_725 = arith.index_cast %add3A_706 : i32 to index
        %swap3A_726 = arith.constant 32 : index
        %swap3A_727 = tpu.vector_load %arg13[%swap3A_725, %swap3A_726] {strides = array<i32>} : memref<128x80xf32, #tpu.memory_space<vmem>>, vector<16xf32>,
        tpu.vector_store %arg13[%swap3A_725, %swap3A_726], %mul3A_724 {strides = array<i32>} : memref<128x80xf32, #tpu.memory_space<vmem>>, vector<16xf32>,
        %get3A_728 = arith.index_cast %add3A_706 : i32 to index
        %get3A_729 = arith.constant 48 : index
        %get3A_730 = tpu.vector_load %arg11[%get3A_728, %get3A_729] {strides = array<i32>} : memref<128x64xf32, #tpu.memory_space<vmem>>, vector<16xf32>,
        %mul3A_731 = arith.mulf %get3A_730, %gather3A_702 : vector<16xf32>
        %swap3A_732 = arith.index_cast %add3A_706 : i32 to index
        %swap3A_733 = arith.constant 48 : index
        %swap3A_734 = tpu.vector_load %arg13[%swap3A_732, %swap3A_733] {strides = array<i32>} : memref<128x80xf32, #tpu.memory_space<vmem>>, vector<16xf32>,
        tpu.vector_store %arg13[%swap3A_732, %swap3A_733], %mul3A_731 {strides = array<i32>} : memref<128x80xf32, #tpu.memory_space<vmem>>, vector<16xf32>,
        %swap3A_735 = arith.index_cast %add3A_706 : i32 to index
        %swap3A_736 = arith.constant 64 : index
        %swap3A_737 = tpu.vector_load %arg13[%swap3A_735, %swap3A_736] {strides = array<i32>} : memref<128x80xf32, #tpu.memory_space<vmem>>, vector<16xf32>,
        tpu.vector_store %arg13[%swap3A_735, %swap3A_736], %gather3A_702 {strides = array<i32>} : memref<128x80xf32, #tpu.memory_space<vmem>>, vector<16xf32>,
      }
      %scan3A_95 = arith.constant 8 : i32
      %lt3A_96 = arith.constant 50 : i32
      %lt3A_97 = arith.cmpi slt, %add3A_79, %lt3A_96 : i32
      %convert_element_type3A_98 = arith.extui %lt3A_97 : i1 to i32
      %cond3A_99 = arith.constant 0 : i32
      %cond3A_100 = arith.cmpi ne, %convert_element_type3A_98, %cond3A_99 : i32
      scf.if %cond3A_100 {
        %mul3A_107 = arith.constant 128 : i32
        %mul3A_108 = arith.muli %add3A_79, %mul3A_107 : i32
        %dma_start3A_109 = tpu.memref_slice %arg7[%mul3A_108] : memref<6400xi32, #tpu.memory_space<vmem>> -> memref<128xi32, #tpu.memory_space<vmem>>
        %dma_start3A_110 = arith.constant 0 : i32
        %dma_start3A_111 = arith.constant 0 : i32
        %dma_start3A_112 = tpu.memref_slice %arg5[%dma_start3A_110, %dma_start3A_111] : memref<100000x64xf32, #tpu.memory_space<hbm>> -> memref<100000x64xf32, #tpu.memory_space<hbm>>
        tpu.enqueue_indirect_dma source(%dma_start3A_112 : memref<100000x64xf32, #tpu.memory_space<hbm>>) target(%arg11 : memref<128x64xf32, #tpu.memory_space<vmem>>) offsets(%dma_start3A_109 : memref<128xi32, #tpu.memory_space<vmem>>) semaphore(%arg17 : memref<!tpu.dma_semaphore, #tpu.memory_space<semaphore_mem>>)
      } else {
      }
      %dma_start3A_101 = arith.constant 0 : i32
      %dma_start3A_102 = tpu.memref_slice %arg8[%add3A_77, %dma_start3A_101] : memref<50x128xi32, #tpu.memory_space<vmem>> -> memref<1x128xi32, #tpu.memory_space<vmem>>
      %dma_start3A_103 = tpu.memref_squeeze %dma_start3A_102 : memref<1x128xi32, #tpu.memory_space<vmem>> -> memref<128xi32, #tpu.memory_space<vmem>>
      %dma_start3A_104 = arith.constant 0 : i32
      %dma_start3A_105 = arith.constant 0 : i32
      %dma_start3A_106 = tpu.memref_slice %arg15[%dma_start3A_104, %dma_start3A_105] : memref<4096x80xf32, #tpu.memory_space<vmem_shared>> -> memref<4096x80xf32, #tpu.memory_space<vmem_shared>>
      tpu.enqueue_indirect_dma source(%arg13 : memref<128x80xf32, #tpu.memory_space<vmem>>) target(%dma_start3A_106 : memref<4096x80xf32, #tpu.memory_space<vmem_shared>>) offsets(%dma_start3A_103 : memref<128xi32, #tpu.memory_space<vmem>>) semaphore(%arg19 : memref<!tpu.dma_semaphore, #tpu.memory_space<semaphore_mem>>) {add = true}
    }
    %scan3A_25 = arith.constant 25 : i32
    %dma_wait3A = arith.constant 48 : i32
    %dma_wait3A_26 = arith.constant 0 : i32
    %dma_wait3A_27 = tpu.memref_slice %arg8[%dma_wait3A, %dma_wait3A_26] : memref<50x128xi32, #tpu.memory_space<vmem>> -> memref<1x128xi32, #tpu.memory_space<vmem>>
    %dma_wait3A_28 = tpu.memref_squeeze %dma_wait3A_27 : memref<1x128xi32, #tpu.memory_space<vmem>> -> memref<128xi32, #tpu.memory_space<vmem>>
    %dma_wait3A_29 = arith.constant 0 : i32
    %dma_wait3A_30 = arith.constant 0 : i32
    %dma_wait3A_31 = tpu.memref_slice %arg15[%dma_wait3A_29, %dma_wait3A_30] : memref<4096x80xf32, #tpu.memory_space<vmem_shared>> -> memref<4096x80xf32, #tpu.memory_space<vmem_shared>>
    tpu.wait_indirect_dma semaphore(%arg18 : memref<!tpu.dma_semaphore, #tpu.memory_space<semaphore_mem>>) src(%arg12 : memref<128x80xf32, #tpu.memory_space<vmem>>) dst(%dma_wait3A_31 : memref<4096x80xf32, #tpu.memory_space<vmem_shared>>)
    %dma_wait3A_32 = arith.constant 49 : i32
    %dma_wait3A_33 = arith.constant 0 : i32
    %dma_wait3A_34 = tpu.memref_slice %arg8[%dma_wait3A_32, %dma_wait3A_33] : memref<50x128xi32, #tpu.memory_space<vmem>> -> memref<1x128xi32, #tpu.memory_space<vmem>>
    %dma_wait3A_35 = tpu.memref_squeeze %dma_wait3A_34 : memref<1x128xi32, #tpu.memory_space<vmem>> -> memref<128xi32, #tpu.memory_space<vmem>>
    %dma_wait3A_36 = arith.constant 0 : i32
    %dma_wait3A_37 = arith.constant 0 : i32
    %dma_wait3A_38 = tpu.memref_slice %arg15[%dma_wait3A_36, %dma_wait3A_37] : memref<4096x80xf32, #tpu.memory_space<vmem_shared>> -> memref<4096x80xf32, #tpu.memory_space<vmem_shared>>
    tpu.wait_indirect_dma semaphore(%arg19 : memref<!tpu.dma_semaphore, #tpu.memory_space<semaphore_mem>>) src(%arg13 : memref<128x80xf32, #tpu.memory_space<vmem>>) dst(%dma_wait3A_38 : memref<4096x80xf32, #tpu.memory_space<vmem_shared>>)
    %barrier3A_39 = arith.constant 0 : index
    tpu.barrier barrier_id(%barrier3A_39)
    %mul3A_40 = arith.constant 256 : i32
    %mul3A_41 = arith.muli %arg1, %mul3A_40 : i32
    "tpu.region"() ({
      %run_scoped3A = tpu.sem_alloc : memref<!tpu.dma_semaphore, #tpu.memory_space<semaphore_mem>>
      %dma_start3A_44 = arith.constant 0 : i32
      %dma_start3A_45 = tpu.memref_slice %arg15[%mul3A_41, %dma_start3A_44] : memref<4096x80xf32, #tpu.memory_space<vmem_shared>> -> memref<256x80xf32, #tpu.memory_space<vmem_shared>>
      %dma_start3A_46 = arith.constant 0 : i32
      %dma_start3A_47 = tpu.memref_slice %arg15[%mul3A_41, %dma_start3A_46] : memref<4096x80xf32, #tpu.memory_space<vmem_shared>> -> memref<256x80xf32, #tpu.memory_space<vmem_shared>>
      tpu.enqueue_dma source(%dma_start3A_47 : memref<256x80xf32, #tpu.memory_space<vmem_shared>>) target(%arg14 : memref<256x80xf32, #tpu.memory_space<vmem>>) target_semaphore(%run_scoped3A : memref<!tpu.dma_semaphore, #tpu.memory_space<semaphore_mem>>)
      %dma_wait3A_48 = arith.constant 0 : i32
      %dma_wait3A_49 = tpu.memref_slice %arg15[%mul3A_41, %dma_wait3A_48] : memref<4096x80xf32, #tpu.memory_space<vmem_shared>> -> memref<256x80xf32, #tpu.memory_space<vmem_shared>>
      %dma_wait3A_50 = arith.constant 0 : i32
      %dma_wait3A_51 = tpu.memref_slice %arg15[%mul3A_41, %dma_wait3A_50] : memref<4096x80xf32, #tpu.memory_space<vmem_shared>> -> memref<256x80xf32, #tpu.memory_space<vmem_shared>>
      tpu.wait_dma2 semaphore(%run_scoped3A : memref<!tpu.dma_semaphore, #tpu.memory_space<semaphore_mem>>) src(%dma_wait3A_51 : memref<256x80xf32, #tpu.memory_space<vmem_shared>>) dst(%arg14 : memref<256x80xf32, #tpu.memory_space<vmem>>)
      tpu.yield
    }) : () -> ()
    %mul3A_42 = arith.constant 256 : i32
    %mul3A_43 = arith.muli %arg1, %mul3A_42 : i32
    "tpu.region"() ({
      %run_scoped3A = tpu.sem_alloc : memref<!tpu.dma_semaphore, #tpu.memory_space<semaphore_mem>>
      %dma_start3A_44 = arith.constant 0 : i32
      %dma_start3A_45 = tpu.memref_slice %arg6[%arg0, %mul3A_43, %dma_start3A_44] : memref<2x4096x80xf32, #tpu.memory_space<hbm>> -> memref<1x256x80xf32, #tpu.memory_space<hbm>>
      %dma_start3A_46 = tpu.memref_squeeze %dma_start3A_45 : memref<1x256x80xf32, #tpu.memory_space<hbm>> -> memref<256x80xf32, #tpu.memory_space<hbm>>
      %dma_start3A_47 = arith.constant 0 : i32
      %dma_start3A_48 = tpu.memref_slice %arg6[%arg0, %mul3A_43, %dma_start3A_47] : memref<2x4096x80xf32, #tpu.memory_space<hbm>> -> memref<1x256x80xf32, #tpu.memory_space<hbm>>
      %dma_start3A_49 = tpu.memref_squeeze %dma_start3A_48 : memref<1x256x80xf32, #tpu.memory_space<hbm>> -> memref<256x80xf32, #tpu.memory_space<hbm>>
      tpu.enqueue_dma source(%arg14 : memref<256x80xf32, #tpu.memory_space<vmem>>) target(%dma_start3A_49 : memref<256x80xf32, #tpu.memory_space<hbm>>) target_semaphore(%run_scoped3A : memref<!tpu.dma_semaphore, #tpu.memory_space<semaphore_mem>>)
      %dma_wait3A_50 = arith.constant 0 : i32
      %dma_wait3A_51 = tpu.memref_slice %arg6[%arg0, %mul3A_43, %dma_wait3A_50] : memref<2x4096x80xf32, #tpu.memory_space<hbm>> -> memref<1x256x80xf32, #tpu.memory_space<hbm>>
      %dma_wait3A_52 = tpu.memref_squeeze %dma_wait3A_51 : memref<1x256x80xf32, #tpu.memory_space<hbm>> -> memref<256x80xf32, #tpu.memory_space<hbm>>
      %dma_wait3A_53 = arith.constant 0 : i32
      %dma_wait3A_54 = tpu.memref_slice %arg6[%arg0, %mul3A_43, %dma_wait3A_53] : memref<2x4096x80xf32, #tpu.memory_space<hbm>> -> memref<1x256x80xf32, #tpu.memory_space<hbm>>
      %dma_wait3A_55 = tpu.memref_squeeze %dma_wait3A_54 : memref<1x256x80xf32, #tpu.memory_space<hbm>> -> memref<256x80xf32, #tpu.memory_space<hbm>>
      tpu.wait_dma2 semaphore(%run_scoped3A : memref<!tpu.dma_semaphore, #tpu.memory_space<semaphore_mem>>) src(%arg14 : memref<256x80xf32, #tpu.memory_space<vmem>>) dst(%dma_wait3A_55 : memref<256x80xf32, #tpu.memory_space<hbm>>)
      tpu.yield
    }) : () -> ()
    return
  }
}

module attributes {stable_mosaic.version = 14 : i64} {
  func.func @_combine_body(%arg0: memref<2x4096x80xf32, #tpu.memory_space<vmem>>, %arg1: memref<4096x64xf32, #tpu.memory_space<vmem>>) attributes {dimension_semantics = [], scalar_prefetch = 0 : i64, scratch_operands = 0 : i64, tpu.core_type = #tpu.core_type<tc>} {
    %get3A = arith.constant 0 : index
    %get3A_0 = arith.constant 0 : index
    %get3A_1 = arith.constant 0 : index
    %get3A_2 = vector.load %arg0[%get3A, %get3A_0, %get3A_1] : memref<2x4096x80xf32, #tpu.memory_space<vmem>>, vector<1x4096x80xf32>
    %get3A_3 = vector.shape_cast %get3A_2 : vector<1x4096x80xf32> to vector<4096x80xf32>
    %get3A_4 = arith.constant 1 : index
    %get3A_5 = arith.constant 0 : index
    %get3A_6 = arith.constant 0 : index
    %get3A_7 = vector.load %arg0[%get3A_4, %get3A_5, %get3A_6] : memref<2x4096x80xf32, #tpu.memory_space<vmem>>, vector<1x4096x80xf32>
    %get3A_8 = vector.shape_cast %get3A_7 : vector<1x4096x80xf32> to vector<4096x80xf32>
    %add3A = arith.addf %get3A_3, %get3A_8 : vector<4096x80xf32>
    %slice3A = vector.extract_strided_slice %add3A {offsets = [0, 64], sizes = [4096, 1], strides = [1, 1]} : vector<4096x80xf32> to vector<4096x1xf32>
    %max3A = arith.constant 9.99999996E-13 : f32
    %max3A_9 = vector.broadcast %max3A : f32 to vector<4096x1xf32>
    %max3A_10 = arith.maximumf %slice3A, %max3A_9 : vector<4096x1xf32>
    %slice3A_11 = vector.extract_strided_slice %add3A {offsets = [0, 0], sizes = [4096, 64], strides = [1, 1]} : vector<4096x80xf32> to vector<4096x64xf32>
    %div3A = vector.broadcast %max3A_10 : vector<4096x1xf32> to vector<4096x64xf32>
    %div3A_12 = arith.divf %slice3A_11, %div3A : vector<4096x64xf32>
    %swap3A = arith.constant 0 : index
    %swap3A_13 = arith.constant 0 : index
    %swap3A_14 = vector.load %arg1[%swap3A, %swap3A_13] : memref<4096x64xf32, #tpu.memory_space<vmem>>, vector<4096x64xf32>
    tpu.vector_store %arg1[%swap3A, %swap3A_13], %div3A_12 {strides = array<i32>} : memref<4096x64xf32, #tpu.memory_space<vmem>>, vector<4096x64xf32>,
    return
  }
}

</mosaic_0001>

<sc_bundles>
// kernel: kernel.4.cloned.1.call-start
scs
__scs_entry_jumppad:
0x0: {  	(pc) =	sbr.rel $0x88, $3  }
0x1: {  	(tag) =	ssettag $0x0;
	lr =	simm.s32 $0x1  }
0x2: {  	[smem:$0x3F9D] =	sst lr;
	_ =	strace $0xD0000000  }
0x3: {  	_ = 	snop  }
0x4: {  	_ = 	snop  }
0x5: {  	_ = 	snop  }
0x6: {  	_ = 	snop  }
0x7: {  	_ = 	snop  }
__scs_overlays_trampoline_lowered:
0x8: {  	[smem:$0x3FAC] =	sst s0  }
0x9: {  	[smem:$0x3FAD] =	sst s1  }
0xa: {  	[smem:$0x3FAE] =	sst s2  }
0xb: {  	[smem:$0x3FAF] =	sst s3  }
0xc: {  	[smem:$0x3FB0] =	sst s4  }
0xd: {  	[smem:$0x3FB1] =	sst s5  }
0xe: {  	[smem:$0x3FB2] =	sst s6  }
0xf: {  	[smem:$0x3FB3] =	sst s7  }
0x10: {  	[smem:$0x3FB4] =	sst s8  }
0x11: {  	[smem:$0x3FB5] =	sst s9;
	s0 =	simm.s32 @!p0 $0x0  }
0x12: {  	s1 =	sld [smem:$0x3F9B];
	s0 =	simm.s32 @p0 $0x1  }
0x13: {  	[smem:$0x3FB6] =	sst s0;
	s0 =	simm.s32 @!p1 $0x0  }
0x14: {  	s2 =	sld [smem:$0x3F9A];
	s0 =	simm.s32 @p1 $0x1  }
0x15: {  	[smem:$0x3FB7] =	sst s0;
	s0 =	simm.s32 @!p2 $0x0  }
0x16: {  	s3 =	sld [smem:$0x3FDB];
	s0 =	simm.s32 @p2 $0x1  }
0x17: {  	s4 =	simm.s32 $0x1BF5;
	[smem:$0x3FB9] =	sst s0  }
0x18: {  	s0 =	sld [smem:$0x3F9C];
	_ =	swait.ge [sflag:s4], $0x0  }
0x19: {  	s7 =	sld [smem:$0x3F9D]  }
0x1a: {  	s8 =	sadd.s32 $0xFFFFE003, lr  }
0x1b: {  	s9 =	sadd.s32 $0xFFFFFEF7, lr;
	s5 =	simm.s32 $0xFFFFFFFF;
	p2 =	slt.u32 s8, $0xFFFFF086  }
0x1c: {  	p1 =	slt.u32 s9, $0xF7A;
	s5 =	simm.s32 @!p2 $0x0  }
0x1d: {  	s5 =	simm.s32 @p1 $0x1;
	p0 =	seq.s32 s7, s2  }
0x1e: {  	s7 =	smul.u32 @!p0 $0xF7A, s2;
	p2 =	seq.s32 @!p0 s5, $0x0  }
0x1f: {  	s9 =	smul.u32 $0xF7A, s1;
	s8 =	simm.s32 @!p0 $0x1BF5;
	p2 =	por !p2, p0  }
0x20: {  	[sflag:s8] =	ssyncset.s32 @!p0 $0xFFFFF086;
	s6 =	sadd.s32 @!p0 s3, s7;
	s7 =	simm.s32 @!p0 $0x108  }
0x21: {  	s3 =	sadd.s32 s3, s9;
	s6 =	sadd.s32 @!p0 $0x88, s6;
	s7 =	simm.s32 @p2 $0x1082  }
0x22: {  	[simem:s7], [sflag:s8] =	dma.local @!p0 [hbm:s6], $0xF7A  }
0x23: {  	s9 =	sor.u32 $0xD0000000, s2;
	s6 =	simm.s32 $0x108;
	_ =	swait.ge @!p0 [sflag:s8], $0x0  }
0x24: {  	s3 =	sadd.s32 $0x88, s3;
	s6 =	simm.s32 @!p1 $0x1082;
	[sflag:s4] =	ssyncset.s32 $0xFFFFF086  }
0x25: {  	[simem:s6], [sflag:s4] =	dma.local [hbm:s3], $0xF7A  }
0x26: {  	[smem:$0x3F9D] =	sst s1;
	(tag) =	ssettag s2;
	_ =	strace s9  }
0x27: {  	s1 =	sld [smem:$0x3FAD]  }
0x28: {  	s2 =	sld [smem:$0x3FAE]  }
0x29: {  	s4 =	sld [smem:$0x3FB0]  }
0x2a: {  	p0 =	seq.s32 s5, $0x0;
	s5 =	sld [smem:$0x3FB1]  }
0x2b: {  	s6 =	sld [smem:$0x3FB2]  }
0x2c: {  	s7 =	sld [smem:$0x3FB3]  }
0x2d: {  	s3 =	simm.s32 $0x108;
	s8 =	sld [smem:$0x3FB4]  }
0x2e: {  	s3 =	simm.s32 @!p0 $0x1082;
	s9 =	sld [smem:$0x3FB5]  }
0x2f: {  	lr =	sadd.s32 s0, s3;
	s0 =	sld [smem:$0x3FAC]  }
0x30: {  	s3 =	sld [smem:$0x3FAF]  }
0x31: {  	[smem:$0x3FB8] =	sst s10  }
0x32: {  	s10 =	sld [smem:$0x3FB6];
	_ =	sdelay $0x3  }
0x33: {  	p0 =	seq.s32 s10, $0x1;
	s10 =	sld [smem:$0x3FB8];
	_ =	sdelay $0x3  }
0x34: {  	[smem:$0x3FB8] =	sst s10  }
0x35: {  	s10 =	sld [smem:$0x3FB7];
	_ =	sdelay $0x3  }
0x36: {  	p1 =	seq.s32 s10, $0x1;
	s10 =	sld [smem:$0x3FB8];
	_ =	sdelay $0x3  }
0x37: {  	[smem:$0x3FB8] =	sst s10  }
0x38: {  	s10 =	sld [smem:$0x3FB9]  }
0x39: {  	_ = 	snop;
	(pc) =	sbr.ind lr, $3  }
0x3a: {  	_ = 	snop  }
0x3b: {  	_ = 	snop  }
0x3c: {  	p2 =	seq.s32 s10, $0x1;
	s10 =	sld [smem:$0x3FB8]  }
0x3d: {  	_ =	shalt  }
0x3e: {  	_ =	shalt  }
0x3f: {  	_ =	shalt  }
0x40: {  	_ =	shalt  }
0x41: {  	_ =	shalt  }
0x42: {  	_ =	shalt  }
0x43: {  	_ =	shalt  }
0x44: {  	_ =	shalt  }
0x45: {  	_ =	shalt  }
0x46: {  	_ =	shalt  }
0x47: {  	_ =	shalt  }
0x48: {  	_ =	shalt  }
0x49: {  	_ =	shalt  }
0x4a: {  	_ =	shalt  }
0x4b: {  	_ =	shalt  }
0x4c: {  	_ =	shalt  }
0x4d: {  	_ =	shalt  }
0x4e: {  	_ =	shalt  }
0x4f: {  	_ =	shalt  }
0x50: {  	_ =	shalt  }
0x51: {  	_ =	shalt  }
0x52: {  	_ =	shalt  }
0x53: {  	_ =	shalt  }
0x54: {  	_ =	shalt  }
0x55: {  	_ =	shalt  }
0x56: {  	_ =	shalt  }
0x57: {  	_ =	shalt  }
0x58: {  	_ =	shalt  }
0x59: {  	_ =	shalt  }
0x5a: {  	_ =	shalt  }
0x5b: {  	_ =	shalt  }
0x5c: {  	_ =	shalt  }
0x5d: {  	_ =	shalt  }
0x5e: {  	_ =	shalt  }
0x5f: {  	_ =	shalt  }
0x60: {  	_ =	shalt  }
0x61: {  	_ =	shalt  }
0x62: {  	_ =	shalt  }
0x63: {  	_ =	shalt  }
0x64: {  	_ =	shalt  }
0x65: {  	_ =	shalt  }
0x66: {  	_ =	shalt  }
0x67: {  	_ =	shalt  }
0x68: {  	_ =	shalt  }
0x69: {  	_ =	shalt  }
0x6a: {  	_ =	shalt  }
0x6b: {  	_ =	shalt  }
0x6c: {  	_ =	shalt  }
0x6d: {  	_ =	shalt  }
0x6e: {  	_ =	shalt  }
0x6f: {  	_ =	shalt  }
0x70: {  	_ =	shalt  }
0x71: {  	_ =	shalt  }
0x72: {  	_ =	shalt  }
0x73: {  	_ =	shalt  }
0x74: {  	_ =	shalt  }
0x75: {  	_ =	shalt  }
0x76: {  	_ =	shalt  }
0x77: {  	_ =	shalt  }
0x78: {  	_ =	shalt  }
0x79: {  	_ =	shalt  }
0x7a: {  	_ =	shalt  }
0x7b: {  	_ =	shalt  }
0x7c: {  	_ =	shalt  }
0x7d: {  	_ =	shalt  }
0x7e: {  	_ =	shalt  }
0x7f: {  	_ =	shalt  }
0x80: {  	_ =	shalt  }
0x81: {  	_ =	shalt  }
0x82: {  	_ =	shalt  }
0x83: {  	_ =	shalt  }
0x84: {  	_ =	shalt  }
0x85: {  	_ =	shalt  }
0x86: {  	_ =	shalt  }
0x87: {  	_ =	shalt  }
.Lfunc_end0:
.L_simem_size_0:
called_computation_lowered:
.L_overlay_start_0:
0x88: {  	s2 =	sld [smem:$0x3FD9]  }
0x89: {  	s3 =	sld [smem:$0x3FFE];
	_ =	sdelay $0x1  }
0x8a: {  	s1 =	srdreg.scid  }
0x8b: {  	s0 =	sand.u32 $0x1, s1  }
0x8c: {  	s17 =	sshll.u32 s0, $0xA;
	s2 =	sadd.s32 s3, s2  }
0x8d: {  	s2 =	sadd.s32 s2, s17  }
0x8e: {  	[smem:$0x3FC4] =	sst s2  }
0x8f: {  	_ = 	snop  }
0x90: {  	s2 =	sld [smem:$0x3FC9]  }
0x91: {  	s18 =	sld [smem:$0x3FC8]  }
0x92: {  	s4 =	sld [smem:$0x3FC7];
	(tm) =	ssettm $0x1  }
0x93: {  	s5 =	sld [smem:$0x3FFB];
	_ =	sdelay $0x3  }
0x94: {  	_ =	strace s5  }
0x95: {  	s5 =	sld [smem:$0x3FFC];
	_ =	sdelay $0x3  }
0x96: {  	_ =	strace s5  }
0x97: {  	s5 =	sld [smem:$0x3FFD];
	_ =	sdelay $0x3  }
0x98: {  	_ =	strace s5  }
0x99: {  	_ =	strace $0x8FFFFFFF  }
0x9a: {  	s19 =	sld [smem:$0x3FDB];
	_ =	sdelay $0x1  }
0x9b: {  	s6 =	simm.s32 $_scs_section_size  }
0x9c: {  	s7 =	simm.s32 $_size__tile_overlayer_lowered;
	s8 =	simm.s32 $_tile_overlayer_lowered  }
0x9d: {  	s22 =	simm.s32 $0x1BFF;
	s21 =	sshll.u32 s8, $0x1;
	s5 =	sadd.s32 s6, s19  }
0x9e: {  	s9 =	simm.s32 $0x0;
	s20 =	sshll.u32 s7, $0x1;
	s7 =	sadd.s32 s21, s5  }
0x9f: {  	[timem:s9], [sflag:s22] =	dma.local [hbm:s7], s20  }
0xa0: {  	_ =	swait.ge [sflag:s22], s20  }
0xa1: {  	s6 =	ssub.s32 $0x0, s20;
	[sflag:s22] =	ssyncset.done $0x0  }
0xa2: {  	[sflag:s22] =	ssyncadd.s32 s6;
	_ =	sdelay $0x1  }
0xa3: {  	s23 =	simm.s32 $0x1B8B  }
0xa4: {  	_ =	swait.ge [sflag:s23], $0x1  }
0xa5: {  	[sflag:s23] =	ssyncset.done $0x0  }
0xa6: {  	s25 =	simm.s32 $0x1B8E;
	s24 =	sld [smem:$0x3FFE];
	[sflag:s23] =	ssyncadd.s32 $0xFFFFFFFF  }
0xa7: {  	s26 =	simm.s32 $execute0_lowered;
	[smem:$0x3FD2] =	sst s25  }
0xa8: {  	s7 =	sshll.u32 s26, $0x1;
	_ =	strace $0x80000046;
	[dreg:$0x1] =	wrdreg $0xFFFFFFFF  }
0xa9: {  	s28 =	simm.s32 $_size_execute0_lowered;
	s5 =	sadd.s32 s5, s7;
	[dreg:$0x0] =	wrdreg $0x0  }
0xaa: {  	s7 =	sshll.u32 s28, $0x1;
	[dreg:$0x2] =	wrdreg s5  }
0xab: {  	[dreg:$0x3] =	wrdreg s7  }
0xac: {  	[dreg:$0x4] =	wrdreg $0xC0  }
0xad: {  	_ =	task [dreg:s9], $0x5FFFF  }
0xae: {  	[dreg:$0x1] =	wrdreg $0xFFFFFFFF  }
0xaf: {  	[dreg:$0x0] =	wrdreg $0x60  }
0xb0: {  	[dreg:$0x2] =	wrdreg s2  }
0xb1: {  	[dreg:$0x3] =	wrdreg s18  }
0xb2: {  	[dreg:$0x4] =	wrdreg s4  }
0xb3: {  	[dreg:$0x5] =	wrdreg s24  }
0xb4: {  	[dreg:$0x6] =	wrdreg $0x12B000  }
0xb5: {  	[dreg:$0x7] =	wrdreg $0x9  }
0xb6: {  	_ =	task.clear_ibuf [dreg:s9], $0x8FFFF;
	_ =	strace $0x90000046  }
0xb7: {  	s29 =	simm.s32 $0x9;
	_ =	strace $0x80000048  }
0xb8: {  	_ =	swait.ge [sflag:s29], $0x1  }
0xb9: {  	[sflag:s29] =	ssyncadd.s32 $0xFFFFFFFF  }
0xba: {  	_ =	strace $0x90000048  }
0xbb: {  	_ =	sfence  }
0xbc: {  	s30 =	sld [smem:$0x0];
	_ =	sdelay $0x2  }
0xbd: {  	s31 =	sshll.u32 s1, $0xD;
	s1 =	sshrl.u32 s1, $0x2  }
0xbe: {  	s3 =	sand.u32 $0x4000, s31;
	s1 =	sadd.s32 s1, s30  }
0xbf: {  	s0 =	sor.u32 s3, s0;
	s1 =	sshll.u32 s1, $0x11  }
0xc0: {  	s0 =	sor.u32 s1, s0  }
0xc1: {  	s0 =	sadd.s32 $0x8F2B, s0  }
0xc2: {  	[sflag:s0] =	ssyncadd.remote.s32 $0x1  }
0xc3: {  	_ =	sfence.sel $0xFFFF  }
0xc4: {  	[dreg:$0x0] =	wrdreg $0xFFFFFFFF;
	(pc) =	sbr.abs _section_cstart, $3  }
0xc5: {  	[dreg:$0x1] =	wrdreg $0xFFFFFFFF  }
0xc6: {  	_ =	task.clear_ibuf [dreg:s9], $0x2FFFF;
	_ =	strace $0x9FFFFFFF  }
0xc7: {  	(tm) =	ssettm $0x7FFFFFFF  }
tec
execute0_lowered:
.L_overlay_start_1:
0x0: {  	(tag) =	ssettag $0x1  }
0x1: {  	s0 =	rddreg [dreg:$0x0]  }
0x2: {  	s1 =	rddreg [dreg:$0x1]  }
0x3: {  	s7 =	rddreg [dreg:$0x2]  }
0x4: {  	s5 =	rddreg [dreg:$0x3]  }
0x5: {  	s2 =	rddreg [dreg:$0x4]  }
0x6: {  	s4 =	srdreg.scid;
	s12 =	stileid.u32  }
0x7: {  	s3 =	simm.s32 $0x0;
	s14 =	simm.s32 $0x3200;
	s15 =	simm.s32 $0x8B00  }
0x8: {  	s16 =	simm.s32 $0x80;
	s18 =	simm.s32 $0x6B00;
	s19 =	simm.s32 $0x1  }
0x9: {  	s20 =	simm.s32 $0x2;
	s22 =	simm.s32 $0xB300;
	s23 =	simm.s32 $0x3  }
0xa: {  	s24 =	simm.s32 $0x4;
	s25 =	simm.s32 $0xDB00;
	s26 =	simm.s32 $0x0  }
0xb: {  	s4 =	sand.u32 $0x1, s4;
	s8 =	smul.u32 $0x5000, s12;
	[smem:$0x7FF] =	sst s3  }
0xc: {  	s6 =	smul.u32 $0x50000, s4;
	s9 =	sshll.u32 s4, $0x4;
	_ =	strace $0x80000047  }
0xd: {  	s10 =	ssub.s32 $0x2, s4;
	s9 =	sor.u32 s12, s9;
	s12 =	smul.u32 $0x14000, s12  }
0xe: {  	s4 =	sadd.s32 $0x186E00, s5;
	s11 =	sshrl.u32 s10, $0x1;
	s9 =	smul.u32 $0x320, s9  }
.Ltmp0:
0xf: {  	s6 =	sadd.s32 s8, s6;
	s11 =	ssub.s32 s10, s11;
	(pc) =	sbr.rel .LBB2_1-.Ltmp0, $4  }
0x10: {  	s8 =	sadd.s32 s8, s2;
	s6 =	sshrl.u32 s6, $0x3;
	s31 =	sshrl.u32 s12, $0x2  }
0x11: {  	s11 =	smax.u32 s11, $0x1;
	s12 =	simm.s32 $0x5;
	s13 =	sadd.s32 s6, s5  }
0x12: {  	v1 =	vimm.s32 $0x0;
	vm0 =	vcmask $0x300;
	s5 =	sadd.s32 s0, s9;
	s6 =	sadd.s32 s1, s9;
	s0 =	sadd.s32 s31, s2  }
0x13: {  	v0 =	vimm.f32 $0.0e+00;
	v1 =	vsel vm0, $0x3, v1;
	s7 =	sadd.s32 s7, s9;
	s9 =	sadd.s32 $0x2800, s0;
	s10 =	sadd.s32 $0x400, s13  }
.LBB2_10:
0x14: {  	s0 =	simm.s32 $0x3180  }
0x15: {  	[spmem:s2] =	stream.indirect.scatter.add.f32 [tilespmem:s22], [sflag:$0x4], $0x50, s0, s16, $0xb8;
	[tilespmem:$0x17B00] =	vst v63  }
0x16: {  	_ =	swait.ge [sflag:s23], $0x2800  }
0x17: {  	[sflag:s23] =	ssyncset.done $0x0  }
0x18: {  	[sflag:s23] =	ssyncadd.s32 $0xFFFFD800  }
0x19: {  	_ =	swait.ge [sflag:s24], $0x2800  }
0x1a: {  	[sflag:s24] =	ssyncset.done $0x0  }
0x1b: {  	[sflag:s24] =	ssyncadd.s32 $0xFFFFD800  }
0x1c: {  	[bflag:$0x0] =	sbarrier.arrive $0xFFFF  }
0x1d: {  	[tilespmem:s25], [sflag:$0x5] =	stream.linear.gather [spmem:s8], $0x5000, $0x38;
	[tilespmem:$0x17B00] =	vst v63  }
0x1e: {  	s26 =	sadd.s32 $0x1, s26;
	_ =	swait.ge [sflag:s12], $0x5000  }
0x1f: {  	p0 =	sne.s32 s26, s11;
	[sflag:s12] =	ssyncset.done $0x0  }
.Ltmp1:
0x20: {  	[sflag:s12] =	ssyncadd.s32 $0xFFFFB000;
	(pc) =	sbr.rel @!p0 .LBB2_11-.Ltmp1, $4  }
0x21: {  	[hbm4b:s10+s3] =	stream.linear.scatter [tilespmem:s25], [sflag:$0x5], $0x5000, $0x38;
	[tilespmem:$0x17B00] =	vst v63  }
0x22: {  	_ =	swait.ge [sflag:s12], $0x5000  }
0x23: {  	[sflag:s12] =	ssyncset.done $0x0  }
0x24: {  	[sflag:s12] =	ssyncadd.s32 $0xFFFFB000  }
.LBB2_1:
0x25: {  	[tilespmem:s3], [sflag:$0x5] =	stream.linear.gather [hbm4b:s5+s3], $0x1900, $0x38;
	[tilespmem:$0x17B00] =	vst v63  }
0x26: {  	_ =	swait.ge [sflag:s12], $0x1900  }
0x27: {  	[sflag:s12] =	ssyncset.done $0x0  }
0x28: {  	s0 =	simm.s32 $0x1900;
	[sflag:s12] =	ssyncadd.s32 $0xFFFFE700  }
0x29: {  	[tilespmem:s0], [sflag:$0x5] =	stream.linear.gather [hbm4b:s6+s3], $0x1900, $0x38;
	[tilespmem:$0x17B00] =	vst v63  }
0x2a: {  	_ =	swait.ge [sflag:s12], $0x1900  }
0x2b: {  	[sflag:s12] =	ssyncset.done $0x0  }
0x2c: {  	[sflag:s12] =	ssyncadd.s32 $0xFFFFE700  }
0x2d: {  	[tilespmem:s14], [sflag:$0x5] =	stream.linear.gather [hbm4b:s7+s3], $0x1900, $0x38;
	[tilespmem:$0x17B00] =	vst v63  }
0x2e: {  	_ =	swait.ge [sflag:s12], $0x1900  }
0x2f: {  	[sflag:s12] =	ssyncset.done $0x0  }
0x30: {  	s1 =	simm.s32 $0x140;
	s0 =	simm.s32 $0x0;
	[sflag:s12] =	ssyncadd.s32 $0xFFFFE700  }
.LBB2_2:
0x31: {  	p0 =	sne.s32 s1, $0x9EC0;
	[tilespmem:s0+$0x8B40] =	vst v0;
	s13 =	smov.u32 s1;
	s1 =	sadd.s32 $0x140, s1  }
.Ltmp2:
0x32: {  	[tilespmem:s0+$0x8B30] =	vst v0;
	(pc) =	sbr.rel @p0 .LBB2_2-.Ltmp2, $4  }
0x33: {  	[tilespmem:s0+$0x8B20] =	vst v0  }
0x34: {  	[tilespmem:s0+$0x8B00] =	vst v0  }
0x35: {  	[tilespmem:s0+$0x8B10] =	vst v0  }
0x36: {  	s0 =	sshra.s32 s13, $0x2  }
0x37: {  	[tilespmem:s0+$0x8B40] =	vst v0  }
0x38: {  	[tilespmem:s0+$0x8B30] =	vst v0  }
0x39: {  	[tilespmem:s0+$0x8B20] =	vst v0  }
0x3a: {  	[tilespmem:s0+$0x8B00] =	vst v0  }
0x3b: {  	[tilespmem:s0+$0x8B10] =	vst v0  }
0x3c: {  	[spmem:s8] =	stream.linear.scatter [tilespmem:s15], [sflag:$0x5], $0x2800, $0x38;
	[tilespmem:$0x17B00] =	vst v63  }
0x3d: {  	_ =	swait.ge [sflag:s12], $0x2800  }
0x3e: {  	[sflag:s12] =	ssyncset.done $0x0  }
0x3f: {  	[sflag:s12] =	ssyncadd.s32 $0xFFFFD800  }
0x40: {  	[spmem:s9] =	stream.linear.scatter [tilespmem:s15], [sflag:$0x5], $0x2800, $0x38;
	[tilespmem:$0x17B00] =	vst v63  }
0x41: {  	_ =	swait.ge [sflag:s12], $0x2800  }
0x42: {  	[sflag:s12] =	ssyncset.done $0x0  }
0x43: {  	[sflag:s12] =	ssyncadd.s32 $0xFFFFD800  }
0x44: {  	s28 =	simm.s32 $0x0;
	s31 =	simm.s32 $0x4B00;
	[bflag:$0x0] =	sbarrier.arrive $0xFFFF  }
0x45: {  	[tilespmem:s31], [sflag:$0x1] =	stream.indirect.gather [hbm4b:s4+s16], $0x40, s28, s16, $0xb8;
	[tilespmem:$0x17B00] =	vst v63  }
0x46: {  	s29 =	simm.s32 $0x0  }
0x47: {  	[tilespmem:s18], [sflag:$0x2] =	stream.indirect.gather [hbm4b:s4+s16], $0x40, s16, s16, $0xb8;
	[tilespmem:$0x17B00] =	vst v63  }
.LBB2_4:
0x48: {  	_ =	swait.ge [sflag:s19], $0x2000  }
0x49: {  	p0 =	seq.s32 s29, $0x0;
	[sflag:s19] =	ssyncset.done $0x0  }
0x4a: {  	s0 =	simm.s32 @!p0 $0x3;
	[sflag:s19] =	ssyncadd.s32 $0xFFFFE000  }
0x4b: {  	_ =	swait.ge @!p0 [sflag:s0], $0x2800  }
0x4c: {  	s30 =	sshll.u32 s29, $0x1;
	s1 =	simm.s32 $0x8D80;
	[sflag:s0] =	ssyncset.done @!p0 $0x0  }
0x4d: {  	s13 =	simm.s32 $0x0;
	[sflag:s0] =	ssyncadd.s32 @!p0 $0xFFFFD800;
	s0 =	simm.s32 $0x4D00  }
.LBB2_5:
0x4e: {  	s17 =	sadd.s32 s13, s28  }
0x4f: {  	v2 =	vmov s17  }
0x50: {  	v2 =	vshrl.u32 v2, $0x3  }
0x51: {  	v2 =	vshll.u32 v2, v1  }
0x52: {  	v3 =	vbroadcast v2, $0x0;
	_ =	sdelay $0x4  }
0x53: {  	v4 =	vld [tilespmem:s0+$0xFFFFFE00]  }
0x54: {  	v3 =	vld.idx.msk [tilespmem:v3+s14+$0x0], $0xffff;
	_ =	sdelay $0x4  }
0x55: {  	v4 =	vmul.f32 v4, v3;
	_ =	sdelay $0x1  }
0x56: {  	[tilespmem:s1+$0xFFFFFD80] =	vst v4  }
0x57: {  	v4 =	vld [tilespmem:s0+$0xFFFFFE10];
	_ =	sdelay $0x4  }
0x58: {  	v4 =	vmul.f32 v4, v3;
	_ =	sdelay $0x1  }
0x59: {  	[tilespmem:s1+$0xFFFFFD90] =	vst v4  }
0x5a: {  	v4 =	vld [tilespmem:s0+$0xFFFFFE20];
	_ =	sdelay $0x4  }
0x5b: {  	v4 =	vmul.f32 v4, v3;
	_ =	sdelay $0x1  }
0x5c: {  	[tilespmem:s1+$0xFFFFFDA0] =	vst v4  }
0x5d: {  	v4 =	vld [tilespmem:s0+$0xFFFFFE30]  }
0x5e: {  	v5 =	vadd.s32 $0x1, v2  }
0x5f: {  	v5 =	vbroadcast v5, $0x0;
	_ =	sdelay $0x2  }
0x60: {  	v4 =	vmul.f32 v4, v3  }
0x61: {  	[tilespmem:s1+$0xFFFFFDC0] =	vst v3  }
0x62: {  	[tilespmem:s1+$0xFFFFFDB0] =	vst v4  }
0x63: {  	v3 =	vld.idx.msk [tilespmem:v5+s14+$0x0], $0xffff  }
0x64: {  	v4 =	vld [tilespmem:s0+$0xFFFFFE40];
	_ =	sdelay $0x4  }
0x65: {  	v4 =	vmul.f32 v4, v3;
	_ =	sdelay $0x1  }
0x66: {  	[tilespmem:s1+$0xFFFFFDD0] =	vst v4  }
0x67: {  	v4 =	vld [tilespmem:s0+$0xFFFFFE50];
	_ =	sdelay $0x4  }
0x68: {  	v4 =	vmul.f32 v4, v3;
	_ =	sdelay $0x1  }
0x69: {  	[tilespmem:s1+$0xFFFFFDE0] =	vst v4  }
0x6a: {  	v4 =	vld [tilespmem:s0+$0xFFFFFE60];
	_ =	sdelay $0x4  }
0x6b: {  	v4 =	vmul.f32 v4, v3;
	_ =	sdelay $0x1  }
0x6c: {  	[tilespmem:s1+$0xFFFFFDF0] =	vst v4  }
0x6d: {  	v4 =	vld [tilespmem:s0+$0xFFFFFE70]  }
0x6e: {  	v57 =	vadd.s32 $0x2, v2  }
0x6f: {  	v5 =	vbroadcast v57, $0x0;
	_ =	sdelay $0x2  }
0x70: {  	v4 =	vmul.f32 v4, v3  }
0x71: {  	[tilespmem:s1+$0xFFFFFE10] =	vst v3  }
0x72: {  	[tilespmem:s1+$0xFFFFFE00] =	vst v4  }
0x73: {  	v3 =	vld.idx.msk [tilespmem:v5+s14+$0x0], $0xffff  }
0x74: {  	v4 =	vld [tilespmem:s0+$0xFFFFFE80];
	_ =	sdelay $0x4  }
0x75: {  	v4 =	vmul.f32 v4, v3;
	_ =	sdelay $0x1  }
0x76: {  	[tilespmem:s1+$0xFFFFFE20] =	vst v4  }
0x77: {  	v4 =	vld [tilespmem:s0+$0xFFFFFE90];
	_ =	sdelay $0x4  }
0x78: {  	v4 =	vmul.f32 v4, v3;
	_ =	sdelay $0x1  }
0x79: {  	[tilespmem:s1+$0xFFFFFE30] =	vst v4  }
0x7a: {  	v4 =	vld [tilespmem:s0+$0xFFFFFEA0];
	_ =	sdelay $0x4  }
0x7b: {  	v4 =	vmul.f32 v4, v3;
	_ =	sdelay $0x1  }
0x7c: {  	[tilespmem:s1+$0xFFFFFE40] =	vst v4  }
0x7d: {  	v4 =	vld [tilespmem:s0+$0xFFFFFEB0]  }
0x7e: {  	v58 =	vadd.s32 $0x3, v2  }
0x7f: {  	v5 =	vbroadcast v58, $0x0;
	_ =	sdelay $0x2  }
0x80: {  	v4 =	vmul.f32 v4, v3  }
0x81: {  	[tilespmem:s1+$0xFFFFFE60] =	vst v3  }
0x82: {  	[tilespmem:s1+$0xFFFFFE50] =	vst v4  }
0x83: {  	v3 =	vld.idx.msk [tilespmem:v5+s14+$0x0], $0xffff  }
0x84: {  	v4 =	vld [tilespmem:s0+$0xFFFFFEC0];
	_ =	sdelay $0x4  }
0x85: {  	v4 =	vmul.f32 v4, v3;
	_ =	sdelay $0x1  }
0x86: {  	[tilespmem:s1+$0xFFFFFE70] =	vst v4  }
0x87: {  	v4 =	vld [tilespmem:s0+$0xFFFFFED0];
	_ =	sdelay $0x4  }
0x88: {  	v4 =	vmul.f32 v4, v3;
	_ =	sdelay $0x1  }
0x89: {  	[tilespmem:s1+$0xFFFFFE80] =	vst v4  }
0x8a: {  	v4 =	vld [tilespmem:s0+$0xFFFFFEE0];
	_ =	sdelay $0x4  }
0x8b: {  	v4 =	vmul.f32 v4, v3;
	_ =	sdelay $0x1  }
0x8c: {  	[tilespmem:s1+$0xFFFFFE90] =	vst v4  }
0x8d: {  	v4 =	vld [tilespmem:s0+$0xFFFFFEF0]  }
0x8e: {  	v59 =	vadd.s32 $0x4, v2  }
0x8f: {  	v5 =	vbroadcast v59, $0x0;
	_ =	sdelay $0x2  }
0x90: {  	v4 =	vmul.f32 v4, v3  }
0x91: {  	[tilespmem:s1+$0xFFFFFEB0] =	vst v3  }
0x92: {  	[tilespmem:s1+$0xFFFFFEA0] =	vst v4  }
0x93: {  	v3 =	vld.idx.msk [tilespmem:v5+s14+$0x0], $0xffff  }
0x94: {  	v4 =	vld [tilespmem:s0+$0xFFFFFF00];
	_ =	sdelay $0x4  }
0x95: {  	v4 =	vmul.f32 v4, v3;
	_ =	sdelay $0x1  }
0x96: {  	[tilespmem:s1+$0xFFFFFEC0] =	vst v4  }
0x97: {  	v4 =	vld [tilespmem:s0+$0xFFFFFF10];
	_ =	sdelay $0x4  }
0x98: {  	v4 =	vmul.f32 v4, v3;
	_ =	sdelay $0x1  }
0x99: {  	[tilespmem:s1+$0xFFFFFED0] =	vst v4  }
0x9a: {  	v4 =	vld [tilespmem:s0+$0xFFFFFF20];
	_ =	sdelay $0x4  }
0x9b: {  	v4 =	vmul.f32 v4, v3;
	_ =	sdelay $0x1  }
0x9c: {  	[tilespmem:s1+$0xFFFFFEE0] =	vst v4  }
0x9d: {  	v4 =	vld [tilespmem:s0+$0xFFFFFF30]  }
0x9e: {  	v60 =	vadd.s32 $0x5, v2  }
0x9f: {  	v5 =	vbroadcast v60, $0x0;
	_ =	sdelay $0x2  }
0xa0: {  	v4 =	vmul.f32 v4, v3  }
0xa1: {  	[tilespmem:s1+$0xFFFFFF00] =	vst v3  }
0xa2: {  	[tilespmem:s1+$0xFFFFFEF0] =	vst v4  }
0xa3: {  	v3 =	vld.idx.msk [tilespmem:v5+s14+$0x0], $0xffff  }
0xa4: {  	v4 =	vld [tilespmem:s0+$0xFFFFFF40];
	_ =	sdelay $0x4  }
0xa5: {  	v4 =	vmul.f32 v4, v3;
	_ =	sdelay $0x1  }
0xa6: {  	[tilespmem:s1+$0xFFFFFF10] =	vst v4  }
0xa7: {  	v4 =	vld [tilespmem:s0+$0xFFFFFF50];
	_ =	sdelay $0x4  }
0xa8: {  	v4 =	vmul.f32 v4, v3;
	_ =	sdelay $0x1  }
0xa9: {  	[tilespmem:s1+$0xFFFFFF20] =	vst v4  }
0xaa: {  	v4 =	vld [tilespmem:s0+$0xFFFFFF60];
	_ =	sdelay $0x4  }
0xab: {  	v4 =	vmul.f32 v4, v3;
	_ =	sdelay $0x1  }
0xac: {  	[tilespmem:s1+$0xFFFFFF30] =	vst v4  }
0xad: {  	v4 =	vld [tilespmem:s0+$0xFFFFFF70]  }
0xae: {  	v61 =	vadd.s32 $0x6, v2  }
0xaf: {  	v5 =	vbroadcast v61, $0x0;
	_ =	sdelay $0x2  }
0xb0: {  	v4 =	vmul.f32 v4, v3  }
0xb1: {  	[tilespmem:s1+$0xFFFFFF50] =	vst v3  }
0xb2: {  	[tilespmem:s1+$0xFFFFFF40] =	vst v4  }
0xb3: {  	v3 =	vld.idx.msk [tilespmem:v5+s14+$0x0], $0xffff  }
0xb4: {  	v4 =	vld [tilespmem:s0+$0xFFFFFF80];
	_ =	sdelay $0x4  }
0xb5: {  	v4 =	vmul.f32 v4, v3;
	_ =	sdelay $0x1  }
0xb6: {  	[tilespmem:s1+$0xFFFFFF60] =	vst v4  }
0xb7: {  	v4 =	vld [tilespmem:s0+$0xFFFFFF90];
	_ =	sdelay $0x4  }
0xb8: {  	v4 =	vmul.f32 v4, v3;
	_ =	sdelay $0x1  }
0xb9: {  	[tilespmem:s1+$0xFFFFFF70] =	vst v4  }
0xba: {  	v4 =	vld [tilespmem:s0+$0xFFFFFFA0];
	_ =	sdelay $0x4  }
0xbb: {  	v4 =	vmul.f32 v4, v3;
	_ =	sdelay $0x1  }
0xbc: {  	[tilespmem:s1+$0xFFFFFF80] =	vst v4  }
0xbd: {  	v4 =	vld [tilespmem:s0+$0xFFFFFFB0]  }
0xbe: {  	v2 =	vadd.s32 $0x7, v2  }
0xbf: {  	v2 =	vbroadcast v2, $0x0;
	_ =	sdelay $0x2  }
0xc0: {  	v4 =	vmul.f32 v4, v3  }
0xc1: {  	[tilespmem:s1+$0xFFFFFFA0] =	vst v3  }
0xc2: {  	[tilespmem:s1+$0xFFFFFF90] =	vst v4  }
0xc3: {  	v2 =	vld.idx.msk [tilespmem:v2+s14+$0x0], $0xffff  }
0xc4: {  	v3 =	vld [tilespmem:s0+$0xFFFFFFC0];
	_ =	sdelay $0x4  }
0xc5: {  	v3 =	vmul.f32 v3, v2;
	_ =	sdelay $0x1  }
0xc6: {  	[tilespmem:s1+$0xFFFFFFB0] =	vst v3  }
0xc7: {  	v3 =	vld [tilespmem:s0+$0xFFFFFFD0];
	_ =	sdelay $0x4  }
0xc8: {  	v3 =	vmul.f32 v3, v2;
	_ =	sdelay $0x1  }
0xc9: {  	[tilespmem:s1+$0xFFFFFFC0] =	vst v3  }
0xca: {  	v3 =	vld [tilespmem:s0+$0xFFFFFFE0];
	_ =	sdelay $0x4  }
0xcb: {  	v3 =	vmul.f32 v3, v2  }
0xcc: {  	s31 =	sadd.s32 $0x8, s17  }
0xcd: {  	v62 =	vmov s31;
	[tilespmem:s1+$0xFFFFFFD0] =	vst v3  }
0xce: {  	v4 =	vshrl.u32 v62, $0x3;
	v3 =	vld [tilespmem:s0+$0xFFFFFFF0]  }
0xcf: {  	v4 =	vshll.u32 v4, v1  }
0xd0: {  	v4 =	vbroadcast v4, $0x0;
	_ =	sdelay $0x2  }
0xd1: {  	v3 =	vmul.f32 v3, v2  }
0xd2: {  	[tilespmem:s1+$0xFFFFFFF0] =	vst v2  }
0xd3: {  	[tilespmem:s1+$0xFFFFFFE0] =	vst v3  }
0xd4: {  	v2 =	vld.idx.msk [tilespmem:v4+s14+$0x0], $0xffff  }
0xd5: {  	v3 =	vld [tilespmem:s0+$0x0];
	_ =	sdelay $0x4  }
0xd6: {  	v3 =	vmul.f32 v3, v2;
	_ =	sdelay $0x1  }
0xd7: {  	[tilespmem:s1+$0x0] =	vst v3  }
0xd8: {  	v3 =	vld [tilespmem:s0+$0x10];
	_ =	sdelay $0x4  }
0xd9: {  	v3 =	vmul.f32 v3, v2;
	_ =	sdelay $0x1  }
0xda: {  	[tilespmem:s1+$0x10] =	vst v3  }
0xdb: {  	v3 =	vld [tilespmem:s0+$0x20];
	_ =	sdelay $0x4  }
0xdc: {  	v3 =	vmul.f32 v3, v2  }
0xdd: {  	s21 =	sadd.s32 $0x9, s17  }
0xde: {  	[tilespmem:s1+$0x20] =	vst v3;
	v3 =	vmov s21  }
0xdf: {  	v3 =	vshrl.u32 v3, $0x3  }
0xe0: {  	v63 =	vld [tilespmem:s0+$0x30];
	v3 =	vshll.u32 v3, v1  }
0xe1: {  	v3 =	vadd.s32 $0x1, v3  }
0xe2: {  	v3 =	vbroadcast v3, $0x0;
	_ =	sdelay $0x2  }
0xe3: {  	v4 =	vmul.f32 v63, v2  }
0xe4: {  	[tilespmem:s1+$0x40] =	vst v2  }
0xe5: {  	[tilespmem:s1+$0x30] =	vst v4  }
0xe6: {  	v2 =	vld.idx.msk [tilespmem:v3+s14+$0x0], $0xffff  }
0xe7: {  	v3 =	vld [tilespmem:s0+$0x40];
	_ =	sdelay $0x4  }
0xe8: {  	v3 =	vmul.f32 v3, v2;
	_ =	sdelay $0x1  }
0xe9: {  	[tilespmem:s1+$0x50] =	vst v3  }
0xea: {  	v3 =	vld [tilespmem:s0+$0x50];
	_ =	sdelay $0x4  }
0xeb: {  	v3 =	vmul.f32 v3, v2;
	_ =	sdelay $0x1  }
0xec: {  	[tilespmem:s1+$0x60] =	vst v3  }
0xed: {  	v3 =	vld [tilespmem:s0+$0x60];
	_ =	sdelay $0x4  }
0xee: {  	v3 =	vmul.f32 v3, v2  }
0xef: {  	s21 =	sadd.s32 $0xA, s17  }
0xf0: {  	[tilespmem:s1+$0x70] =	vst v3;
	v3 =	vmov s21  }
0xf1: {  	v3 =	vshrl.u32 v3, $0x3  }
0xf2: {  	v4 =	vld [tilespmem:s0+$0x70];
	v3 =	vshll.u32 v3, v1  }
0xf3: {  	v3 =	vadd.s32 $0x2, v3  }
0xf4: {  	v3 =	vbroadcast v3, $0x0;
	_ =	sdelay $0x2  }
0xf5: {  	v4 =	vmul.f32 v4, v2  }
0xf6: {  	[tilespmem:s1+$0x90] =	vst v2  }
0xf7: {  	[tilespmem:s1+$0x80] =	vst v4  }
0xf8: {  	v2 =	vld.idx.msk [tilespmem:v3+s14+$0x0], $0xffff  }
0xf9: {  	v3 =	vld [tilespmem:s0+$0x80];
	_ =	sdelay $0x4  }
0xfa: {  	v3 =	vmul.f32 v3, v2;
	_ =	sdelay $0x1  }
0xfb: {  	[tilespmem:s1+$0xA0] =	vst v3  }
0xfc: {  	v3 =	vld [tilespmem:s0+$0x90];
	_ =	sdelay $0x4  }
0xfd: {  	v3 =	vmul.f32 v3, v2;
	_ =	sdelay $0x1  }
0xfe: {  	[tilespmem:s1+$0xB0] =	vst v3  }
0xff: {  	v3 =	vld [tilespmem:s0+$0xA0];
	_ =	sdelay $0x4  }
0x100: {  	v3 =	vmul.f32 v3, v2  }
0x101: {  	s21 =	sadd.s32 $0xB, s17  }
0x102: {  	[tilespmem:s1+$0xC0] =	vst v3;
	v3 =	vmov s21  }
0x103: {  	v3 =	vshrl.u32 v3, $0x3  }
0x104: {  	v4 =	vld [tilespmem:s0+$0xB0];
	v3 =	vshll.u32 v3, v1  }
0x105: {  	v3 =	vadd.s32 $0x3, v3  }
0x106: {  	v3 =	vbroadcast v3, $0x0;
	_ =	sdelay $0x2  }
0x107: {  	v4 =	vmul.f32 v4, v2  }
0x108: {  	[tilespmem:s1+$0xE0] =	vst v2  }
0x109: {  	[tilespmem:s1+$0xD0] =	vst v4  }
0x10a: {  	v2 =	vld.idx.msk [tilespmem:v3+s14+$0x0], $0xffff  }
0x10b: {  	v3 =	vld [tilespmem:s0+$0xC0];
	_ =	sdelay $0x4  }
0x10c: {  	v3 =	vmul.f32 v3, v2;
	_ =	sdelay $0x1  }
0x10d: {  	[tilespmem:s1+$0xF0] =	vst v3  }
0x10e: {  	v3 =	vld [tilespmem:s0+$0xD0];
	_ =	sdelay $0x4  }
0x10f: {  	v3 =	vmul.f32 v3, v2;
	_ =	sdelay $0x1  }
0x110: {  	[tilespmem:s1+$0x100] =	vst v3  }
0x111: {  	v3 =	vld [tilespmem:s0+$0xE0];
	_ =	sdelay $0x4  }
0x112: {  	v3 =	vmul.f32 v3, v2  }
0x113: {  	s21 =	sadd.s32 $0xC, s17  }
0x114: {  	[tilespmem:s1+$0x110] =	vst v3;
	v3 =	vmov s21  }
0x115: {  	v3 =	vshrl.u32 v3, $0x3  }
0x116: {  	v4 =	vld [tilespmem:s0+$0xF0];
	v3 =	vshll.u32 v3, v1  }
0x117: {  	v3 =	vadd.s32 $0x4, v3  }
0x118: {  	v3 =	vbroadcast v3, $0x0;
	_ =	sdelay $0x2  }
0x119: {  	v4 =	vmul.f32 v4, v2  }
0x11a: {  	[tilespmem:s1+$0x130] =	vst v2  }
0x11b: {  	[tilespmem:s1+$0x120] =	vst v4  }
0x11c: {  	v2 =	vld.idx.msk [tilespmem:v3+s14+$0x0], $0xffff  }
0x11d: {  	v3 =	vld [tilespmem:s0+$0x100];
	_ =	sdelay $0x4  }
0x11e: {  	v3 =	vmul.f32 v3, v2;
	_ =	sdelay $0x1  }
0x11f: {  	[tilespmem:s1+$0x140] =	vst v3  }
0x120: {  	v3 =	vld [tilespmem:s0+$0x110];
	_ =	sdelay $0x4  }
0x121: {  	v3 =	vmul.f32 v3, v2;
	_ =	sdelay $0x1  }
0x122: {  	[tilespmem:s1+$0x150] =	vst v3  }
0x123: {  	v3 =	vld [tilespmem:s0+$0x120];
	_ =	sdelay $0x4  }
0x124: {  	v3 =	vmul.f32 v3, v2  }
0x125: {  	s21 =	sadd.s32 $0xD, s17  }
0x126: {  	[tilespmem:s1+$0x160] =	vst v3;
	v3 =	vmov s21  }
0x127: {  	v3 =	vshrl.u32 v3, $0x3  }
0x128: {  	v4 =	vld [tilespmem:s0+$0x130];
	v3 =	vshll.u32 v3, v1  }
0x129: {  	v3 =	vadd.s32 $0x5, v3  }
0x12a: {  	v3 =	vbroadcast v3, $0x0;
	_ =	sdelay $0x2  }
0x12b: {  	v4 =	vmul.f32 v4, v2  }
0x12c: {  	[tilespmem:s1+$0x180] =	vst v2  }
0x12d: {  	[tilespmem:s1+$0x170] =	vst v4  }
0x12e: {  	v2 =	vld.idx.msk [tilespmem:v3+s14+$0x0], $0xffff  }
0x12f: {  	v3 =	vld [tilespmem:s0+$0x140];
	_ =	sdelay $0x4  }
0x130: {  	v3 =	vmul.f32 v3, v2;
	_ =	sdelay $0x1  }
0x131: {  	[tilespmem:s1+$0x190] =	vst v3  }
0x132: {  	v3 =	vld [tilespmem:s0+$0x150];
	_ =	sdelay $0x4  }
0x133: {  	v3 =	vmul.f32 v3, v2;
	_ =	sdelay $0x1  }
0x134: {  	[tilespmem:s1+$0x1A0] =	vst v3  }
0x135: {  	v3 =	vld [tilespmem:s0+$0x160];
	_ =	sdelay $0x4  }
0x136: {  	v3 =	vmul.f32 v3, v2  }
0x137: {  	s21 =	sadd.s32 $0xE, s17  }
0x138: {  	[tilespmem:s1+$0x1B0] =	vst v3;
	v3 =	vmov s21  }
0x139: {  	v3 =	vshrl.u32 v3, $0x3  }
0x13a: {  	v4 =	vld [tilespmem:s0+$0x170];
	v3 =	vshll.u32 v3, v1  }
0x13b: {  	v3 =	vadd.s32 $0x6, v3  }
0x13c: {  	v3 =	vbroadcast v3, $0x0;
	_ =	sdelay $0x2  }
0x13d: {  	v4 =	vmul.f32 v4, v2  }
0x13e: {  	[tilespmem:s1+$0x1D0] =	vst v2  }
0x13f: {  	[tilespmem:s1+$0x1C0] =	vst v4  }
0x140: {  	v2 =	vld.idx.msk [tilespmem:v3+s14+$0x0], $0xffff  }
0x141: {  	v3 =	vld [tilespmem:s0+$0x180];
	_ =	sdelay $0x4  }
0x142: {  	v3 =	vmul.f32 v3, v2;
	_ =	sdelay $0x1  }
0x143: {  	[tilespmem:s1+$0x1E0] =	vst v3  }
0x144: {  	v3 =	vld [tilespmem:s0+$0x190];
	_ =	sdelay $0x4  }
0x145: {  	v3 =	vmul.f32 v3, v2;
	_ =	sdelay $0x1  }
0x146: {  	[tilespmem:s1+$0x1F0] =	vst v3  }
0x147: {  	v3 =	vld [tilespmem:s0+$0x1A0];
	_ =	sdelay $0x4  }
0x148: {  	v3 =	vmul.f32 v3, v2  }
0x149: {  	s17 =	sadd.s32 $0xF, s17  }
0x14a: {  	[tilespmem:s1+$0x200] =	vst v3;
	v3 =	vmov s17  }
0x14b: {  	v3 =	vshrl.u32 v3, $0x3  }
0x14c: {  	v4 =	vld [tilespmem:s0+$0x1B0];
	v3 =	vshll.u32 v3, v1  }
0x14d: {  	v3 =	vadd.s32 $0x7, v3  }
0x14e: {  	v3 =	vbroadcast v3, $0x0;
	_ =	sdelay $0x2  }
0x14f: {  	v4 =	vmul.f32 v4, v2  }
0x150: {  	[tilespmem:s1+$0x220] =	vst v2  }
0x151: {  	[tilespmem:s1+$0x210] =	vst v4  }
0x152: {  	v2 =	vld.idx.msk [tilespmem:v3+s14+$0x0], $0xffff  }
0x153: {  	v3 =	vld [tilespmem:s0+$0x1C0];
	_ =	sdelay $0x4  }
0x154: {  	v3 =	vmul.f32 v3, v2;
	_ =	sdelay $0x1  }
0x155: {  	[tilespmem:s1+$0x230] =	vst v3  }
0x156: {  	v3 =	vld [tilespmem:s0+$0x1D0];
	_ =	sdelay $0x4  }
0x157: {  	v3 =	vmul.f32 v3, v2;
	_ =	sdelay $0x1  }
0x158: {  	[tilespmem:s1+$0x240] =	vst v3  }
0x159: {  	v3 =	vld [tilespmem:s0+$0x1E0];
	_ =	sdelay $0x4  }
0x15a: {  	v3 =	vmul.f32 v3, v2;
	_ =	sdelay $0x1  }
0x15b: {  	[tilespmem:s1+$0x250] =	vst v3  }
0x15c: {  	v3 =	vld [tilespmem:s0+$0x1F0];
	_ =	sdelay $0x1  }
0x15d: {  	p1 =	sne.s32 s13, $0x70  }
.Ltmp3:
0x15e: {  	_ = 	snop;
	(pc) =	sbr.rel @p1 .LBB2_5-.Ltmp3, $4  }
0x15f: {  	_ = 	snop  }
0x160: {  	v3 =	vmul.f32 v3, v2  }
0x161: {  	[tilespmem:s1+$0x270] =	vst v2  }
0x162: {  	s13 =	sadd.s32 $0x10, s13;
	s0 =	sadd.s32 $0x400, s0;
	[tilespmem:s1+$0x260] =	vst v3;
	s1 =	sadd.s32 $0x500, s1  }
0x163: {  	p1 =	seq.s32 s29, $0x18  }
0x164: {  	s0 =	sshll.u32 @!p1 s29, $0xA  }
0x165: {  	s13 =	simm.s32 @!p1 $0x80;
	s1 =	sshrl.u32 @!p1 s0, $0x2;
	s0 =	simm.s32 @p1 $0x6000  }
0x166: {  	s17 =	simm.s32 @!p1 $0x4B00;
	s1 =	sadd.s32 @!p1 $0x100, s1;
	s31 =	sshrl.u32 s0, $0x2  }
0x167: {  	[tilespmem:s17], [sflag:$0x1] =	stream.indirect.gather @!p1 [hbm4b:s4+s13], $0x40, s1, s13, $0xb8;
	[tilespmem:$0x17B00] =	vst v63  }
0x168: {  	s0 =	sadd.s32 $0x1900, s31  }
0x169: {  	[spmem:s2] =	stream.indirect.scatter.add.f32 [tilespmem:s15], [sflag:$0x3], $0x50, s0, s16, $0xb8;
	[tilespmem:$0x17B00] =	vst v63  }
0x16a: {  	_ =	swait.ge [sflag:s20], $0x2000  }
0x16b: {  	[sflag:s20] =	ssyncset.done $0x0  }
0x16c: {  	s0 =	simm.s32 @!p0 $0x4;
	[sflag:s20] =	ssyncadd.s32 $0xFFFFE000  }
0x16d: {  	_ =	swait.ge @!p0 [sflag:s0], $0x2800  }
0x16e: {  	s30 =	sor.u32 $0x1, s30;
	s1 =	simm.s32 $0x6D00;
	[sflag:s0] =	ssyncset.done @!p0 $0x0  }
0x16f: {  	s13 =	simm.s32 $0xB580;
	[sflag:s0] =	ssyncadd.s32 @!p0 $0xFFFFD800;
	s0 =	simm.s32 $0x0  }
.LBB2_7:
0x170: {  	s17 =	sadd.s32 s0, s28  }
0x171: {  	s21 =	sadd.s32 $0x80, s17  }
0x172: {  	v2 =	vmov s21  }
0x173: {  	v2 =	vshrl.u32 v2, $0x3  }
0x174: {  	v2 =	vshll.u32 v2, v1  }
0x175: {  	v3 =	vbroadcast v2, $0x0;
	_ =	sdelay $0x4  }
0x176: {  	v4 =	vld [tilespmem:s1+$0xFFFFFE00]  }
0x177: {  	v3 =	vld.idx.msk [tilespmem:v3+s14+$0x0], $0xffff;
	_ =	sdelay $0x4  }
0x178: {  	v4 =	vmul.f32 v4, v3;
	_ =	sdelay $0x1  }
0x179: {  	[tilespmem:s13+$0xFFFFFD80] =	vst v4  }
0x17a: {  	v4 =	vld [tilespmem:s1+$0xFFFFFE10];
	_ =	sdelay $0x4  }
0x17b: {  	v4 =	vmul.f32 v4, v3;
	_ =	sdelay $0x1  }
0x17c: {  	[tilespmem:s13+$0xFFFFFD90] =	vst v4  }
0x17d: {  	v4 =	vld [tilespmem:s1+$0xFFFFFE20];
	_ =	sdelay $0x4  }
0x17e: {  	v4 =	vmul.f32 v4, v3;
	_ =	sdelay $0x1  }
0x17f: {  	[tilespmem:s13+$0xFFFFFDA0] =	vst v4  }
0x180: {  	v4 =	vld [tilespmem:s1+$0xFFFFFE30]  }
0x181: {  	v5 =	vadd.s32 $0x1, v2  }
0x182: {  	v5 =	vbroadcast v5, $0x0;
	_ =	sdelay $0x2  }
0x183: {  	v4 =	vmul.f32 v4, v3  }
0x184: {  	[tilespmem:s13+$0xFFFFFDC0] =	vst v3  }
0x185: {  	[tilespmem:s13+$0xFFFFFDB0] =	vst v4  }
0x186: {  	v3 =	vld.idx.msk [tilespmem:v5+s14+$0x0], $0xffff  }
0x187: {  	v4 =	vld [tilespmem:s1+$0xFFFFFE40];
	_ =	sdelay $0x4  }
0x188: {  	v4 =	vmul.f32 v4, v3;
	_ =	sdelay $0x1  }
0x189: {  	[tilespmem:s13+$0xFFFFFDD0] =	vst v4  }
0x18a: {  	v4 =	vld [tilespmem:s1+$0xFFFFFE50];
	_ =	sdelay $0x4  }
0x18b: {  	v4 =	vmul.f32 v4, v3;
	_ =	sdelay $0x1  }
0x18c: {  	[tilespmem:s13+$0xFFFFFDE0] =	vst v4  }
0x18d: {  	v4 =	vld [tilespmem:s1+$0xFFFFFE60];
	_ =	sdelay $0x4  }
0x18e: {  	v4 =	vmul.f32 v4, v3;
	_ =	sdelay $0x1  }
0x18f: {  	[tilespmem:s13+$0xFFFFFDF0] =	vst v4  }
0x190: {  	v4 =	vld [tilespmem:s1+$0xFFFFFE70]  }
0x191: {  	v57 =	vadd.s32 $0x2, v2  }
0x192: {  	v5 =	vbroadcast v57, $0x0;
	_ =	sdelay $0x2  }
0x193: {  	v4 =	vmul.f32 v4, v3  }
0x194: {  	[tilespmem:s13+$0xFFFFFE10] =	vst v3  }
0x195: {  	[tilespmem:s13+$0xFFFFFE00] =	vst v4  }
0x196: {  	v3 =	vld.idx.msk [tilespmem:v5+s14+$0x0], $0xffff  }
0x197: {  	v4 =	vld [tilespmem:s1+$0xFFFFFE80];
	_ =	sdelay $0x4  }
0x198: {  	v4 =	vmul.f32 v4, v3;
	_ =	sdelay $0x1  }
0x199: {  	[tilespmem:s13+$0xFFFFFE20] =	vst v4  }
0x19a: {  	v4 =	vld [tilespmem:s1+$0xFFFFFE90];
	_ =	sdelay $0x4  }
0x19b: {  	v4 =	vmul.f32 v4, v3;
	_ =	sdelay $0x1  }
0x19c: {  	[tilespmem:s13+$0xFFFFFE30] =	vst v4  }
0x19d: {  	v4 =	vld [tilespmem:s1+$0xFFFFFEA0];
	_ =	sdelay $0x4  }
0x19e: {  	v4 =	vmul.f32 v4, v3;
	_ =	sdelay $0x1  }
0x19f: {  	[tilespmem:s13+$0xFFFFFE40] =	vst v4  }
0x1a0: {  	v4 =	vld [tilespmem:s1+$0xFFFFFEB0]  }
0x1a1: {  	v58 =	vadd.s32 $0x3, v2  }
0x1a2: {  	v5 =	vbroadcast v58, $0x0;
	_ =	sdelay $0x2  }
0x1a3: {  	v4 =	vmul.f32 v4, v3  }
0x1a4: {  	[tilespmem:s13+$0xFFFFFE60] =	vst v3  }
0x1a5: {  	[tilespmem:s13+$0xFFFFFE50] =	vst v4  }
0x1a6: {  	v3 =	vld.idx.msk [tilespmem:v5+s14+$0x0], $0xffff  }
0x1a7: {  	v4 =	vld [tilespmem:s1+$0xFFFFFEC0];
	_ =	sdelay $0x4  }
0x1a8: {  	v4 =	vmul.f32 v4, v3;
	_ =	sdelay $0x1  }
0x1a9: {  	[tilespmem:s13+$0xFFFFFE70] =	vst v4  }
0x1aa: {  	v4 =	vld [tilespmem:s1+$0xFFFFFED0];
	_ =	sdelay $0x4  }
0x1ab: {  	v4 =	vmul.f32 v4, v3;
	_ =	sdelay $0x1  }
0x1ac: {  	[tilespmem:s13+$0xFFFFFE80] =	vst v4  }
0x1ad: {  	v4 =	vld [tilespmem:s1+$0xFFFFFEE0];
	_ =	sdelay $0x4  }
0x1ae: {  	v4 =	vmul.f32 v4, v3;
	_ =	sdelay $0x1  }
0x1af: {  	[tilespmem:s13+$0xFFFFFE90] =	vst v4  }
0x1b0: {  	v4 =	vld [tilespmem:s1+$0xFFFFFEF0]  }
0x1b1: {  	v59 =	vadd.s32 $0x4, v2  }
0x1b2: {  	v5 =	vbroadcast v59, $0x0;
	_ =	sdelay $0x2  }
0x1b3: {  	v4 =	vmul.f32 v4, v3  }
0x1b4: {  	[tilespmem:s13+$0xFFFFFEB0] =	vst v3  }
0x1b5: {  	[tilespmem:s13+$0xFFFFFEA0] =	vst v4  }
0x1b6: {  	v3 =	vld.idx.msk [tilespmem:v5+s14+$0x0], $0xffff  }
0x1b7: {  	v4 =	vld [tilespmem:s1+$0xFFFFFF00];
	_ =	sdelay $0x4  }
0x1b8: {  	v4 =	vmul.f32 v4, v3;
	_ =	sdelay $0x1  }
0x1b9: {  	[tilespmem:s13+$0xFFFFFEC0] =	vst v4  }
0x1ba: {  	v4 =	vld [tilespmem:s1+$0xFFFFFF10];
	_ =	sdelay $0x4  }
0x1bb: {  	v4 =	vmul.f32 v4, v3;
	_ =	sdelay $0x1  }
0x1bc: {  	[tilespmem:s13+$0xFFFFFED0] =	vst v4  }
0x1bd: {  	v4 =	vld [tilespmem:s1+$0xFFFFFF20];
	_ =	sdelay $0x4  }
0x1be: {  	v4 =	vmul.f32 v4, v3;
	_ =	sdelay $0x1  }
0x1bf: {  	[tilespmem:s13+$0xFFFFFEE0] =	vst v4  }
0x1c0: {  	v4 =	vld [tilespmem:s1+$0xFFFFFF30]  }
0x1c1: {  	v60 =	vadd.s32 $0x5, v2  }
0x1c2: {  	v5 =	vbroadcast v60, $0x0;
	_ =	sdelay $0x2  }
0x1c3: {  	v4 =	vmul.f32 v4, v3  }
0x1c4: {  	[tilespmem:s13+$0xFFFFFF00] =	vst v3  }
0x1c5: {  	[tilespmem:s13+$0xFFFFFEF0] =	vst v4  }
0x1c6: {  	v3 =	vld.idx.msk [tilespmem:v5+s14+$0x0], $0xffff  }
0x1c7: {  	v4 =	vld [tilespmem:s1+$0xFFFFFF40];
	_ =	sdelay $0x4  }
0x1c8: {  	v4 =	vmul.f32 v4, v3;
	_ =	sdelay $0x1  }
0x1c9: {  	[tilespmem:s13+$0xFFFFFF10] =	vst v4  }
0x1ca: {  	v4 =	vld [tilespmem:s1+$0xFFFFFF50];
	_ =	sdelay $0x4  }
0x1cb: {  	v4 =	vmul.f32 v4, v3;
	_ =	sdelay $0x1  }
0x1cc: {  	[tilespmem:s13+$0xFFFFFF20] =	vst v4  }
0x1cd: {  	v4 =	vld [tilespmem:s1+$0xFFFFFF60];
	_ =	sdelay $0x4  }
0x1ce: {  	v4 =	vmul.f32 v4, v3;
	_ =	sdelay $0x1  }
0x1cf: {  	[tilespmem:s13+$0xFFFFFF30] =	vst v4  }
0x1d0: {  	v4 =	vld [tilespmem:s1+$0xFFFFFF70]  }
0x1d1: {  	v61 =	vadd.s32 $0x6, v2  }
0x1d2: {  	v5 =	vbroadcast v61, $0x0;
	_ =	sdelay $0x2  }
0x1d3: {  	v4 =	vmul.f32 v4, v3  }
0x1d4: {  	[tilespmem:s13+$0xFFFFFF50] =	vst v3  }
0x1d5: {  	[tilespmem:s13+$0xFFFFFF40] =	vst v4  }
0x1d6: {  	v3 =	vld.idx.msk [tilespmem:v5+s14+$0x0], $0xffff  }
0x1d7: {  	v4 =	vld [tilespmem:s1+$0xFFFFFF80];
	_ =	sdelay $0x4  }
0x1d8: {  	v4 =	vmul.f32 v4, v3;
	_ =	sdelay $0x1  }
0x1d9: {  	[tilespmem:s13+$0xFFFFFF60] =	vst v4  }
0x1da: {  	v4 =	vld [tilespmem:s1+$0xFFFFFF90];
	_ =	sdelay $0x4  }
0x1db: {  	v4 =	vmul.f32 v4, v3;
	_ =	sdelay $0x1  }
0x1dc: {  	[tilespmem:s13+$0xFFFFFF70] =	vst v4  }
0x1dd: {  	v4 =	vld [tilespmem:s1+$0xFFFFFFA0];
	_ =	sdelay $0x4  }
0x1de: {  	v4 =	vmul.f32 v4, v3;
	_ =	sdelay $0x1  }
0x1df: {  	[tilespmem:s13+$0xFFFFFF80] =	vst v4  }
0x1e0: {  	v4 =	vld [tilespmem:s1+$0xFFFFFFB0]  }
0x1e1: {  	v2 =	vadd.s32 $0x7, v2  }
0x1e2: {  	v2 =	vbroadcast v2, $0x0;
	_ =	sdelay $0x2  }
0x1e3: {  	v4 =	vmul.f32 v4, v3  }
0x1e4: {  	[tilespmem:s13+$0xFFFFFFA0] =	vst v3  }
0x1e5: {  	[tilespmem:s13+$0xFFFFFF90] =	vst v4  }
0x1e6: {  	v2 =	vld.idx.msk [tilespmem:v2+s14+$0x0], $0xffff  }
0x1e7: {  	v3 =	vld [tilespmem:s1+$0xFFFFFFC0];
	_ =	sdelay $0x4  }
0x1e8: {  	v3 =	vmul.f32 v3, v2;
	_ =	sdelay $0x1  }
0x1e9: {  	[tilespmem:s13+$0xFFFFFFB0] =	vst v3  }
0x1ea: {  	v3 =	vld [tilespmem:s1+$0xFFFFFFD0];
	_ =	sdelay $0x4  }
0x1eb: {  	v3 =	vmul.f32 v3, v2;
	_ =	sdelay $0x1  }
0x1ec: {  	[tilespmem:s13+$0xFFFFFFC0] =	vst v3  }
0x1ed: {  	v3 =	vld [tilespmem:s1+$0xFFFFFFE0];
	_ =	sdelay $0x4  }
0x1ee: {  	v3 =	vmul.f32 v3, v2  }
0x1ef: {  	s21 =	sadd.s32 $0x88, s17  }
0x1f0: {  	v62 =	vmov s21;
	[tilespmem:s13+$0xFFFFFFD0] =	vst v3  }
0x1f1: {  	v4 =	vshrl.u32 v62, $0x3;
	v3 =	vld [tilespmem:s1+$0xFFFFFFF0]  }
0x1f2: {  	v4 =	vshll.u32 v4, v1  }
0x1f3: {  	v4 =	vbroadcast v4, $0x0;
	_ =	sdelay $0x2  }
0x1f4: {  	v3 =	vmul.f32 v3, v2  }
0x1f5: {  	[tilespmem:s13+$0xFFFFFFF0] =	vst v2  }
0x1f6: {  	[tilespmem:s13+$0xFFFFFFE0] =	vst v3  }
0x1f7: {  	v2 =	vld.idx.msk [tilespmem:v4+s14+$0x0], $0xffff  }
0x1f8: {  	v3 =	vld [tilespmem:s1+$0x0];
	_ =	sdelay $0x4  }
0x1f9: {  	v3 =	vmul.f32 v3, v2;
	_ =	sdelay $0x1  }
0x1fa: {  	[tilespmem:s13+$0x0] =	vst v3  }
0x1fb: {  	v3 =	vld [tilespmem:s1+$0x10];
	_ =	sdelay $0x4  }
0x1fc: {  	v3 =	vmul.f32 v3, v2;
	_ =	sdelay $0x1  }
0x1fd: {  	[tilespmem:s13+$0x10] =	vst v3  }
0x1fe: {  	v3 =	vld [tilespmem:s1+$0x20];
	_ =	sdelay $0x4  }
0x1ff: {  	v3 =	vmul.f32 v3, v2  }
0x200: {  	s21 =	sadd.s32 $0x89, s17  }
0x201: {  	[tilespmem:s13+$0x20] =	vst v3;
	v3 =	vmov s21  }
0x202: {  	v3 =	vshrl.u32 v3, $0x3  }
0x203: {  	v63 =	vld [tilespmem:s1+$0x30];
	v3 =	vshll.u32 v3, v1  }
0x204: {  	v3 =	vadd.s32 $0x1, v3  }
0x205: {  	v3 =	vbroadcast v3, $0x0;
	_ =	sdelay $0x2  }
0x206: {  	v4 =	vmul.f32 v63, v2  }
0x207: {  	[tilespmem:s13+$0x40] =	vst v2  }
0x208: {  	[tilespmem:s13+$0x30] =	vst v4  }
0x209: {  	v2 =	vld.idx.msk [tilespmem:v3+s14+$0x0], $0xffff  }
0x20a: {  	v3 =	vld [tilespmem:s1+$0x40];
	_ =	sdelay $0x4  }
0x20b: {  	v3 =	vmul.f32 v3, v2;
	_ =	sdelay $0x1  }
0x20c: {  	[tilespmem:s13+$0x50] =	vst v3  }
0x20d: {  	v3 =	vld [tilespmem:s1+$0x50];
	_ =	sdelay $0x4  }
0x20e: {  	v3 =	vmul.f32 v3, v2;
	_ =	sdelay $0x1  }
0x20f: {  	[tilespmem:s13+$0x60] =	vst v3  }
0x210: {  	v3 =	vld [tilespmem:s1+$0x60];
	_ =	sdelay $0x4  }
0x211: {  	v3 =	vmul.f32 v3, v2  }
0x212: {  	s21 =	sadd.s32 $0x8A, s17  }
0x213: {  	[tilespmem:s13+$0x70] =	vst v3;
	v3 =	vmov s21  }
0x214: {  	v3 =	vshrl.u32 v3, $0x3  }
0x215: {  	v4 =	vld [tilespmem:s1+$0x70];
	v3 =	vshll.u32 v3, v1  }
0x216: {  	v3 =	vadd.s32 $0x2, v3  }
0x217: {  	v3 =	vbroadcast v3, $0x0;
	_ =	sdelay $0x2  }
0x218: {  	v4 =	vmul.f32 v4, v2  }
0x219: {  	[tilespmem:s13+$0x90] =	vst v2  }
0x21a: {  	[tilespmem:s13+$0x80] =	vst v4  }
0x21b: {  	v2 =	vld.idx.msk [tilespmem:v3+s14+$0x0], $0xffff  }
0x21c: {  	v3 =	vld [tilespmem:s1+$0x80];
	_ =	sdelay $0x4  }
0x21d: {  	v3 =	vmul.f32 v3, v2;
	_ =	sdelay $0x1  }
0x21e: {  	[tilespmem:s13+$0xA0] =	vst v3  }
0x21f: {  	v3 =	vld [tilespmem:s1+$0x90];
	_ =	sdelay $0x4  }
0x220: {  	v3 =	vmul.f32 v3, v2;
	_ =	sdelay $0x1  }
0x221: {  	[tilespmem:s13+$0xB0] =	vst v3  }
0x222: {  	v3 =	vld [tilespmem:s1+$0xA0];
	_ =	sdelay $0x4  }
0x223: {  	v3 =	vmul.f32 v3, v2  }
0x224: {  	s21 =	sadd.s32 $0x8B, s17  }
0x225: {  	[tilespmem:s13+$0xC0] =	vst v3;
	v3 =	vmov s21  }
0x226: {  	v3 =	vshrl.u32 v3, $0x3  }
0x227: {  	v4 =	vld [tilespmem:s1+$0xB0];
	v3 =	vshll.u32 v3, v1  }
0x228: {  	v3 =	vadd.s32 $0x3, v3  }
0x229: {  	v3 =	vbroadcast v3, $0x0;
	_ =	sdelay $0x2  }
0x22a: {  	v4 =	vmul.f32 v4, v2  }
0x22b: {  	[tilespmem:s13+$0xE0] =	vst v2  }
0x22c: {  	[tilespmem:s13+$0xD0] =	vst v4  }
0x22d: {  	v2 =	vld.idx.msk [tilespmem:v3+s14+$0x0], $0xffff  }
0x22e: {  	v3 =	vld [tilespmem:s1+$0xC0];
	_ =	sdelay $0x4  }
0x22f: {  	v3 =	vmul.f32 v3, v2;
	_ =	sdelay $0x1  }
0x230: {  	[tilespmem:s13+$0xF0] =	vst v3  }
0x231: {  	v3 =	vld [tilespmem:s1+$0xD0];
	_ =	sdelay $0x4  }
0x232: {  	v3 =	vmul.f32 v3, v2;
	_ =	sdelay $0x1  }
0x233: {  	[tilespmem:s13+$0x100] =	vst v3  }
0x234: {  	v3 =	vld [tilespmem:s1+$0xE0];
	_ =	sdelay $0x4  }
0x235: {  	v3 =	vmul.f32 v3, v2  }
0x236: {  	s21 =	sadd.s32 $0x8C, s17  }
0x237: {  	[tilespmem:s13+$0x110] =	vst v3;
	v3 =	vmov s21  }
0x238: {  	v3 =	vshrl.u32 v3, $0x3  }
0x239: {  	v4 =	vld [tilespmem:s1+$0xF0];
	v3 =	vshll.u32 v3, v1  }
0x23a: {  	v3 =	vadd.s32 $0x4, v3  }
0x23b: {  	v3 =	vbroadcast v3, $0x0;
	_ =	sdelay $0x2  }
0x23c: {  	v4 =	vmul.f32 v4, v2  }
0x23d: {  	[tilespmem:s13+$0x130] =	vst v2  }
0x23e: {  	[tilespmem:s13+$0x120] =	vst v4  }
0x23f: {  	v2 =	vld.idx.msk [tilespmem:v3+s14+$0x0], $0xffff  }
0x240: {  	v3 =	vld [tilespmem:s1+$0x100];
	_ =	sdelay $0x4  }
0x241: {  	v3 =	vmul.f32 v3, v2;
	_ =	sdelay $0x1  }
0x242: {  	[tilespmem:s13+$0x140] =	vst v3  }
0x243: {  	v3 =	vld [tilespmem:s1+$0x110];
	_ =	sdelay $0x4  }
0x244: {  	v3 =	vmul.f32 v3, v2;
	_ =	sdelay $0x1  }
0x245: {  	[tilespmem:s13+$0x150] =	vst v3  }
0x246: {  	v3 =	vld [tilespmem:s1+$0x120];
	_ =	sdelay $0x4  }
0x247: {  	v3 =	vmul.f32 v3, v2  }
0x248: {  	s21 =	sadd.s32 $0x8D, s17  }
0x249: {  	[tilespmem:s13+$0x160] =	vst v3;
	v3 =	vmov s21  }
0x24a: {  	v3 =	vshrl.u32 v3, $0x3  }
0x24b: {  	v4 =	vld [tilespmem:s1+$0x130];
	v3 =	vshll.u32 v3, v1  }
0x24c: {  	v3 =	vadd.s32 $0x5, v3  }
0x24d: {  	v3 =	vbroadcast v3, $0x0;
	_ =	sdelay $0x2  }
0x24e: {  	v4 =	vmul.f32 v4, v2  }
0x24f: {  	[tilespmem:s13+$0x180] =	vst v2  }
0x250: {  	[tilespmem:s13+$0x170] =	vst v4  }
0x251: {  	v2 =	vld.idx.msk [tilespmem:v3+s14+$0x0], $0xffff  }
0x252: {  	v3 =	vld [tilespmem:s1+$0x140];
	_ =	sdelay $0x4  }
0x253: {  	v3 =	vmul.f32 v3, v2;
	_ =	sdelay $0x1  }
0x254: {  	[tilespmem:s13+$0x190] =	vst v3  }
0x255: {  	v3 =	vld [tilespmem:s1+$0x150];
	_ =	sdelay $0x4  }
0x256: {  	v3 =	vmul.f32 v3, v2;
	_ =	sdelay $0x1  }
0x257: {  	[tilespmem:s13+$0x1A0] =	vst v3  }
0x258: {  	v3 =	vld [tilespmem:s1+$0x160];
	_ =	sdelay $0x4  }
0x259: {  	v3 =	vmul.f32 v3, v2  }
0x25a: {  	s21 =	sadd.s32 $0x8E, s17  }
0x25b: {  	[tilespmem:s13+$0x1B0] =	vst v3;
	v3 =	vmov s21  }
0x25c: {  	v3 =	vshrl.u32 v3, $0x3  }
0x25d: {  	v4 =	vld [tilespmem:s1+$0x170];
	v3 =	vshll.u32 v3, v1  }
0x25e: {  	v3 =	vadd.s32 $0x6, v3  }
0x25f: {  	v3 =	vbroadcast v3, $0x0;
	_ =	sdelay $0x2  }
0x260: {  	v4 =	vmul.f32 v4, v2  }
0x261: {  	[tilespmem:s13+$0x1D0] =	vst v2  }
0x262: {  	[tilespmem:s13+$0x1C0] =	vst v4  }
0x263: {  	v2 =	vld.idx.msk [tilespmem:v3+s14+$0x0], $0xffff  }
0x264: {  	v3 =	vld [tilespmem:s1+$0x180];
	_ =	sdelay $0x4  }
0x265: {  	v3 =	vmul.f32 v3, v2;
	_ =	sdelay $0x1  }
0x266: {  	[tilespmem:s13+$0x1E0] =	vst v3  }
0x267: {  	v3 =	vld [tilespmem:s1+$0x190];
	_ =	sdelay $0x4  }
0x268: {  	v3 =	vmul.f32 v3, v2;
	_ =	sdelay $0x1  }
0x269: {  	[tilespmem:s13+$0x1F0] =	vst v3  }
0x26a: {  	v3 =	vld [tilespmem:s1+$0x1A0];
	_ =	sdelay $0x4  }
0x26b: {  	v3 =	vmul.f32 v3, v2  }
0x26c: {  	s17 =	sadd.s32 $0x8F, s17  }
0x26d: {  	[tilespmem:s13+$0x200] =	vst v3;
	v3 =	vmov s17  }
0x26e: {  	v3 =	vshrl.u32 v3, $0x3  }
0x26f: {  	v4 =	vld [tilespmem:s1+$0x1B0];
	v3 =	vshll.u32 v3, v1  }
0x270: {  	v3 =	vadd.s32 $0x7, v3  }
0x271: {  	v3 =	vbroadcast v3, $0x0;
	_ =	sdelay $0x2  }
0x272: {  	v4 =	vmul.f32 v4, v2  }
0x273: {  	[tilespmem:s13+$0x220] =	vst v2  }
0x274: {  	[tilespmem:s13+$0x210] =	vst v4  }
0x275: {  	v2 =	vld.idx.msk [tilespmem:v3+s14+$0x0], $0xffff  }
0x276: {  	v3 =	vld [tilespmem:s1+$0x1C0];
	_ =	sdelay $0x4  }
0x277: {  	v3 =	vmul.f32 v3, v2;
	_ =	sdelay $0x1  }
0x278: {  	[tilespmem:s13+$0x230] =	vst v3  }
0x279: {  	v3 =	vld [tilespmem:s1+$0x1D0];
	_ =	sdelay $0x4  }
0x27a: {  	v3 =	vmul.f32 v3, v2;
	_ =	sdelay $0x1  }
0x27b: {  	[tilespmem:s13+$0x240] =	vst v3  }
0x27c: {  	v3 =	vld [tilespmem:s1+$0x1E0];
	_ =	sdelay $0x4  }
0x27d: {  	v3 =	vmul.f32 v3, v2;
	_ =	sdelay $0x1  }
0x27e: {  	[tilespmem:s13+$0x250] =	vst v3  }
0x27f: {  	v3 =	vld [tilespmem:s1+$0x1F0];
	_ =	sdelay $0x1  }
0x280: {  	p0 =	sne.s32 s0, $0x70  }
.Ltmp4:
0x281: {  	_ = 	snop;
	(pc) =	sbr.rel @p0 .LBB2_7-.Ltmp4, $4  }
0x282: {  	_ = 	snop  }
0x283: {  	v3 =	vmul.f32 v3, v2  }
0x284: {  	[tilespmem:s13+$0x270] =	vst v2  }
0x285: {  	s0 =	sadd.s32 $0x10, s0;
	s1 =	sadd.s32 $0x400, s1;
	[tilespmem:s13+$0x260] =	vst v3;
	s13 =	sadd.s32 $0x500, s13  }
.Ltmp5:
0x286: {  	(pc) =	sbr.rel @p1 .LBB2_10-.Ltmp5, $1  }
0x287: {  	_ =	sdelay $0x3  }
.Ltmp6:
0x288: {  	s0 =	sadd.s32 $0x180, s31;
	s31 =	sshll.u32 s30, $0x7;
	(pc) =	sbr.rel .LBB2_4-.Ltmp6, $4  }
0x289: {  	[tilespmem:s18], [sflag:$0x2] =	stream.indirect.gather [hbm4b:s4+s16], $0x40, s0, s16, $0xb8;
	[tilespmem:$0x17B00] =	vst v63  }
0x28a: {  	s0 =	sand.u32 $0x3FFFFF80, s31  }
0x28b: {  	s29 =	sadd.s32 $0x1, s29;
	s28 =	sadd.s32 $0x100, s28;
	s0 =	sadd.s32 $0x1900, s0  }
0x28c: {  	[spmem:s2] =	stream.indirect.scatter.add.f32 [tilespmem:s22], [sflag:$0x4], $0x50, s0, s16, $0xb8;
	[tilespmem:$0x17B00] =	vst v63  }
.LBB2_11:
0x28d: {  	_ =	sfence.sel $0x180000  }
0x28e: {  	[bflag:$0x0] =	sbarrier.arrive $0xFFFF  }
0x28f: {  	_ =	strace $0x90000047  }
0x290: {  	s0 =	stileid.u32;
	[bflag:$0x2] =	sbarrier.arrive $0xFFFF  }
0x291: {  	p0 =	sne.s32 s0, $0x0;
	s0 =	rddreg [dreg:$0x5]  }
0x292: {  	s0 =	sadd.s32 @!p0 $0x100000, s0  }
0x293: {  	[sflag:s0] =	ssyncadd.tile.s32 @!p0 $0x1;
	_ =	shalt  }
.Lfunc_end2:
_tile_overlayer_lowered:
.L_overlay_start_2:
0x294: {  	(tag) =	ssettag $0x2  }
0x295: {  	s0 =	rddreg [dreg:$0x0];
	s2 =	stileid.u32  }
0x296: {  	s1 =	rddreg [dreg:$0x1];
	p0 =	sne.s32 s2, $0x0  }
0x297: {  	s3 =	rddreg [dreg:$0x2];
	[bflag:$0x3] =	sbarrier.arrive $0xFFFF;
	s2 =	simm.s32 @!p0 $0x1C05  }
0x298: {  	[timem:s3], [sflag:s2] =	dma.local @!p0 [hbm:s0], s1  }
0x299: {  	s0 =	simm.s32 @!p0 $0x5  }
0x29a: {  	_ =	swait.ge @!p0 [sflag:s0], s1  }
0x29b: {  	s1 =	ssub.s32 @!p0 $0x0, s1;
	[sflag:s0] =	ssyncset.done @!p0 $0x0  }
0x29c: {  	[sflag:s0] =	ssyncadd.s32 @!p0 s1  }
0x29d: {  	[bflag:$0x3] =	sbarrier.arrive $0xFFFF  }
0x29e: {  	_ =	shalt  }

</sc_bundles>
